<compile_context>
chip_gen: v7x
topology: tpu7x:2x2x1
jax: 0.10.2.dev20260603
libtpu: 0.0.44.dev20260713+nightly
codegen_flags: <defaults>
</compile_context>

<pallas_src>
import functools

import jax
import jax.numpy as jnp
from jax import lax
from jax.experimental import pallas as pl
from jax.experimental.pallas import tpu as pltpu
from jax.experimental.pallas import tpu_sc as plsc

NC = 2
NS = 16
NW = NC * NS
C = 128

N = 10000
D = 128
DH = D // NC
NPAD = 10240
RPT = NPAD // NS
RZB = 128


def _mesh():
    return plsc.VectorSubcoreMesh(core_axis_name="c", subcore_axis_name="s",
                                  num_cores=NC, num_subcores=NS)


DEG_SLAB = 80


def _sc_deg_body(ei2, zvec_hbm, ones_hbm, out, shared, dst_v, ones_v, zvec_v):
    c = lax.axis_index("c")
    s = lax.axis_index("s")
    wid = s * NC + c
    rows = ei2.shape[1]
    ntail = rows - (NW - 1) * DEG_SLAB
    pltpu.sync_copy(ones_hbm, ones_v)
    pltpu.sync_copy(zvec_hbm, zvec_v)
    pltpu.sync_copy(zvec_v, shared.at[pl.ds(s * RPT, RPT)])

    @pl.when(wid < NW - 1)
    def _():
        pltpu.sync_copy(ei2.at[1, pl.ds(wid * DEG_SLAB, DEG_SLAB)], dst_v)

    @pl.when(wid == NW - 1)
    def _():
        pltpu.sync_copy(ei2.at[1, pl.ds((NW - 1) * DEG_SLAB, ntail)],
                        dst_v.at[pl.ds(0, ntail)])
    plsc.subcore_barrier()

    nj = jnp.where(wid == NW - 1, ntail, DEG_SLAB)

    def chunk(j, carry):
        pltpu.sync_copy(ones_v, shared.at[dst_v.at[j]], add=True)
        return carry

    lax.fori_loop(0, nj, chunk, 0)
    plsc.subcore_barrier()
    pltpu.sync_copy(shared.at[pl.ds(s * RPT, RPT)], zvec_v)
    pltpu.sync_copy(zvec_v, out.at[pl.ds(c * NPAD + s * RPT, RPT)])


def _sc_deg(ei2):
    f = functools.partial(
        pl.kernel,
        out_type=jax.ShapeDtypeStruct((NC * NPAD,), jnp.float32),
        mesh=_mesh(),
        compiler_params=pltpu.CompilerParams(use_tc_tiling_on_sc=False),
        scratch_types=[
            pltpu.VMEM_SHARED((NPAD,), jnp.float32),
            pltpu.VMEM((DEG_SLAB, C), jnp.int32),
            pltpu.VMEM((C,), jnp.float32),
            pltpu.VMEM((RPT,), jnp.float32),
        ],
    )(_sc_deg_body)
    return f(ei2, jnp.zeros((RPT,), jnp.float32), jnp.ones((C,), jnp.float32))


def _sc_edge_body(hp2, idxP, out, tab, acc,
                  r0a, r1a, r0b, r1b, isrcA, idstA, isrcB, idstB,
                  gsemA, gsemB, ssemA, ssemB, isemSA, isemSB, isemDA, isemDB):
    c = lax.axis_index("c")
    s = lax.axis_index("s")
    K = idxP.shape[2]
    P = K // 2

    pltpu.sync_copy(hp2.at[pl.ds(s * RPT, RPT), pl.ds(c * DH, DH)],
                    tab.at[pl.ds(s * RPT, RPT)])
    pltpu.sync_copy(hp2.at[pl.ds(s * RPT, RPT), pl.ds(c * DH, DH)],
                    acc.at[pl.ds(s * RPT, RPT)])
    plsc.subcore_barrier()

    def fire_src(p, isrc, isem):
        pltpu.async_copy(idxP.at[0, s, pl.ds(2 * p, 2)], isrc, isem)

    def fire_dst(p, idst, isem):
        pltpu.async_copy(idxP.at[1, s, pl.ds(2 * p, 2)], idst, isem)

    def w(sem, srcref, dstref):
        pltpu.make_async_copy(srcref, dstref, sem).wait()

    def pair_body(p, r0x, r1x, r0y, r1y, isrcX, idstX, isrcY, idstY,
                  gsemX, gsemY, ssemX, ssemY, isemSX, isemSY,
                  isemDX, isemDY, first):
        j = 2 * p
        w(gsemX, tab.at[isrcX.at[0]], r0x)
        w(gsemX, tab.at[isrcX.at[1]], r1x)
        @pl.when(j + 4 < K)
        def _():
            fire_src(p + 2, isrcX, isemSX)
        w(isemDX, idxP.at[1, s, pl.ds(j, 2)], idstX)
        pltpu.async_copy(r0x, acc.at[idstX.at[0]], ssemX, add=True)
        pltpu.async_copy(r1x, acc.at[idstX.at[1]], ssemX, add=True)
        if not first:
            w(ssemY, r0y, acc.at[idstY.at[0]])
            w(ssemY, r1y, acc.at[idstY.at[1]])
        @pl.when(j + 2 < K)
        def _():
            w(isemSY, idxP.at[0, s, pl.ds(j + 2, 2)], isrcY)
            pltpu.async_copy(tab.at[isrcY.at[0]], r0y, gsemY)
            pltpu.async_copy(tab.at[isrcY.at[1]], r1y, gsemY)
        if not first:
            @pl.when(j + 2 < K)
            def _():
                fire_dst(p + 1, idstY, isemDY)

    A = (r0a, r1a, r0b, r1b, isrcA, idstA, isrcB, idstB,
         gsemA, gsemB, ssemA, ssemB, isemSA, isemSB, isemDA, isemDB)
    B = (r0b, r1b, r0a, r1a, isrcB, idstB, isrcA, idstA,
         gsemB, gsemA, ssemB, ssemA, isemSB, isemSA, isemDB, isemDA)

    fire_src(0, isrcA, isemSA)
    fire_dst(0, idstA, isemDA)
    fire_src(1, isrcB, isemSB)
    fire_dst(1, idstB, isemDB)
    w(isemSA, idxP.at[0, s, pl.ds(0, 2)], isrcA)
    pltpu.async_copy(tab.at[isrcA.at[0]], r0a, gsemA)
    pltpu.async_copy(tab.at[isrcA.at[1]], r1a, gsemA)

    pair_body(0, *A, True)

    def loop(i, carry):
        pair_body(2 * i + 1, *B, False)
        pair_body(2 * i + 2, *A, False)
        return carry

    lax.fori_loop(0, (P - 1) // 2, loop, 0)
    w(ssemA, r0a, acc.at[idstA.at[0]])
    w(ssemA, r1a, acc.at[idstA.at[1]])

    plsc.subcore_barrier()
    rs = (r0a, r1a, r0b, r1b)
    nz = RPT // RZB
    pltpu.async_copy(acc.at[pl.ds(s * RPT, RZB)], rs[0], gsemA)
    for z in range(nz):
        r = s * RPT + z * RZB
        w(gsemA, acc.at[pl.ds(r, RZB)], rs[z % 4])
        if z + 1 < nz:
            if z + 1 >= 4:
                w(ssemA, rs[(z + 1) % 4],
                  out.at[pl.ds(s * RPT, RZB), pl.ds(c * DH, DH)])
            pltpu.async_copy(acc.at[pl.ds(r + RZB, RZB)], rs[(z + 1) % 4],
                             gsemA)
        pltpu.async_copy(rs[z % 4], out.at[pl.ds(r, RZB), pl.ds(c * DH, DH)],
                         ssemA)
    for z in range(min(nz, 4) if nz < 4 else 4):
        w(ssemA, rs[0], out.at[pl.ds(s * RPT, RZB), pl.ds(c * DH, DH)])


def _sc_edge(hp2, idxP):
    f = functools.partial(
        pl.kernel,
        out_type=jax.ShapeDtypeStruct((NPAD, D), jnp.float32),
        mesh=_mesh(),
        compiler_params=pltpu.CompilerParams(use_tc_tiling_on_sc=False),
        scratch_types=[
            pltpu.VMEM_SHARED((NPAD, DH), jnp.float32),
            pltpu.VMEM_SHARED((NPAD, DH), jnp.float32),
            pltpu.VMEM((C, DH), jnp.float32),
            pltpu.VMEM((C, DH), jnp.float32),
            pltpu.VMEM((C, DH), jnp.float32),
            pltpu.VMEM((C, DH), jnp.float32),
            pltpu.VMEM((2, C), jnp.int32),
            pltpu.VMEM((2, C), jnp.int32),
            pltpu.VMEM((2, C), jnp.int32),
            pltpu.VMEM((2, C), jnp.int32),
        ] + [pltpu.SemaphoreType.DMA] * 8,
    )(_sc_edge_body)
    return f(hp2, idxP)


def _dinv_from(degp):
    deg = 1.0 + degp[:N] + degp[NPAD:NPAD + N]
    return lax.rsqrt(deg)[:, None]


def _tc_prep_body(x_ref, w_ref, degp_ref, out_ref):
    h = jnp.dot(x_ref[...], w_ref[...], preferred_element_type=jnp.float32)
    hp = h * _dinv_from(degp_ref[...])
    out_ref[:N, :] = hp
    out_ref[N:, :] = jnp.zeros((NPAD - N, D), jnp.float32)


def _tc_prep(x, W1, degp):
    return pl.pallas_call(
        _tc_prep_body,
        out_shape=jax.ShapeDtypeStruct((NPAD, D), jnp.float32),
        compiler_params=pltpu.CompilerParams(vmem_limit_bytes=100 * 2**20),
    )(x, W1, degp)


def _bn_relu(z, gamma, beta):
    mean = jnp.mean(z, axis=0)
    var = jnp.mean((z - mean[None, :]) ** 2, axis=0)
    y = (z - mean[None, :]) * lax.rsqrt(var + 1e-5)[None, :]
    return jax.nn.relu(y * gamma[None, :] + beta[None, :])


def _tc_mid_body(accp_ref, degp_ref, g_ref, b_ref, w_ref, out_ref):
    dinv = _dinv_from(degp_ref[...])
    z = accp_ref[:N, :] * dinv
    y = _bn_relu(z, g_ref[...], b_ref[...])
    h2 = jnp.dot(y, w_ref[...], preferred_element_type=jnp.float32)
    out_ref[:N, :] = h2 * dinv
    out_ref[N:, :] = jnp.zeros((NPAD - N, D), jnp.float32)


def _tc_mid(accp, degp, gamma, beta, W2):
    return pl.pallas_call(
        _tc_mid_body,
        out_shape=jax.ShapeDtypeStruct((NPAD, D), jnp.float32),
        compiler_params=pltpu.CompilerParams(vmem_limit_bytes=100 * 2**20),
    )(accp, degp, gamma, beta, W2)


def _tc_final_body(accp_ref, degp_ref, g_ref, b_ref, x_ref, out_ref):
    dinv = _dinv_from(degp_ref[...])
    z = accp_ref[:N, :] * dinv
    y = _bn_relu(z, g_ref[...], b_ref[...])
    out_ref[...] = y + x_ref[...]


def _tc_final(accp, degp, gamma, beta, x):
    return pl.pallas_call(
        _tc_final_body,
        out_shape=jax.ShapeDtypeStruct((N, D), jnp.float32),
        compiler_params=pltpu.CompilerParams(vmem_limit_bytes=100 * 2**20),
    )(accp, degp, gamma, beta, x)


def kernel(x, edge_index, W1, b1, gamma1, beta1, W2, b2, gamma2, beta2):
    E = edge_index.shape[1]

    K = -(-E // (NS * C))
    K += (2 - K) % 4
    pad = NS * K * C - E
    padcol = jnp.stack([jnp.zeros((pad,), jnp.int32),
                        jnp.full((pad,), N, jnp.int32)])
    idxP = jnp.concatenate([edge_index, padcol], axis=1).reshape(2, NS, K, C)

    degp = _sc_deg(edge_index.reshape(2, E // C, C))
    hp1 = _tc_prep(x, W1, degp)
    accp1 = _sc_edge(hp1, idxP)
    hp2 = _tc_mid(accp1, degp, gamma1, beta1, W2)
    accp2 = _sc_edge(hp2, idxP)
    return _tc_final(accp2, degp, gamma2, beta2, x)

# --- scband reference (transcript-rebuilt; emitter-appended) ---
"""Pipeline reference for scband-residual-block-39041252721346 (READ-ONLY COPY).

The authoritative reference and input builder live on the scoring server;
editing this copy changes nothing except your own understanding.
"""

import jax, jax.numpy as jnp
import numpy as np

N = 10000
D = 128
E = 320000


def gcn_conv(x, edge_index, W, b):
    n = x.shape[0]
    loop = jnp.arange(n, dtype=edge_index.dtype)
    src = jnp.concatenate([edge_index[0], loop])
    dst = jnp.concatenate([edge_index[1], loop])
    deg = jnp.zeros((n,), x.dtype).at[dst].add(1.0)
    dinv = jax.lax.rsqrt(jnp.maximum(deg, 1.0))
    norm = dinv[src] * dinv[dst]
    h = x @ W
    msg = h[src] * norm[:, None]
    out = jnp.zeros((n, W.shape[1]), x.dtype).at[dst].add(msg)
    return out + b


def batch_norm(x, gamma, beta, eps=1e-5):
    mean = jnp.mean(x, axis=0)
    var = jnp.var(x, axis=0)
    return (x - mean) * jax.lax.rsqrt(var + eps) * gamma + beta


def setup_inputs(seed: int = 0) -> dict:
    key = jax.random.key(seed)
    ks = jax.random.split(key, 8)
    x = jax.random.normal(ks[0], (N, D), dtype=jnp.float32)
    edge_index = jax.random.randint(ks[1], (2, E), 0, N, dtype=jnp.int32)
    s = 1.0 / np.sqrt(D)
    W1 = jax.random.uniform(ks[2], (D, D), jnp.float32, -s, s)
    b1 = jnp.zeros((D,), jnp.float32)
    W2 = jax.random.uniform(ks[3], (D, D), jnp.float32, -s, s)
    b2 = jnp.zeros((D,), jnp.float32)
    gamma1 = jnp.ones((D,), jnp.float32)
    beta1 = jnp.zeros((D,), jnp.float32)
    gamma2 = jnp.ones((D,), jnp.float32)
    beta2 = jnp.zeros((D,), jnp.float32)
    return {"x": x, "edge_index": edge_index, "W1": W1, "b1": b1, "gamma1": gamma1, "beta1": beta1, "W2": W2, "b2": b2, "gamma2": gamma2, "beta2": beta2}


def reference(x, edge_index, W1, b1, gamma1, beta1, W2, b2, gamma2, beta2):
    identity = x
    h = gcn_conv(x, edge_index, W1, b1)
    h = batch_norm(h, gamma1, beta1)
    h = jax.nn.relu(h)
    h = gcn_conv(h, edge_index, W2, b2)
    h = batch_norm(h, gamma2, beta2)
    h = jax.nn.relu(h)
    return h + identity

if __name__ == "__main__":
    import jax
    _d = setup_inputs()
    print(jax.jit(kernel)(*tuple(_d.values())))

</pallas_src>

<mosaic_0001>
#map = affine_map<(d0, d1) -> (0, 0)>
#map1 = affine_map<(d0, d1) -> (0, 0, 0, 0)>
module attributes {stable_mosaic.version = 14 : i64} {
  func.func @_sc_edge_body(%arg0: i32, %arg1: i32, %arg2: memref<10240x128xf32, #tpu.memory_space<hbm>>, %arg3: memref<2x16x158x128xi32, #tpu.memory_space<hbm>>, %arg4: memref<10240x128xf32, #tpu.memory_space<hbm>>, %arg5: memref<10240x64xf32, #tpu.memory_space<vmem_shared>>, %arg6: memref<10240x64xf32, #tpu.memory_space<vmem_shared>>, %arg7: memref<128x64xf32, #tpu.memory_space<vmem>>, %arg8: memref<128x64xf32, #tpu.memory_space<vmem>>, %arg9: memref<128x64xf32, #tpu.memory_space<vmem>>, %arg10: memref<128x64xf32, #tpu.memory_space<vmem>>, %arg11: memref<2x128xi32, #tpu.memory_space<vmem>>, %arg12: memref<2x128xi32, #tpu.memory_space<vmem>>, %arg13: memref<2x128xi32, #tpu.memory_space<vmem>>, %arg14: memref<2x128xi32, #tpu.memory_space<vmem>>, %arg15: memref<!tpu.dma_semaphore, #tpu.memory_space<semaphore_mem>>, %arg16: memref<!tpu.dma_semaphore, #tpu.memory_space<semaphore_mem>>, %arg17: memref<!tpu.dma_semaphore, #tpu.memory_space<semaphore_mem>>, %arg18: memref<!tpu.dma_semaphore, #tpu.memory_space<semaphore_mem>>, %arg19: memref<!tpu.dma_semaphore, #tpu.memory_space<semaphore_mem>>, %arg20: memref<!tpu.dma_semaphore, #tpu.memory_space<semaphore_mem>>, %arg21: memref<!tpu.dma_semaphore, #tpu.memory_space<semaphore_mem>>, %arg22: memref<!tpu.dma_semaphore, #tpu.memory_space<semaphore_mem>>) attributes {dimension_semantics = [#tpu.dimension_semantics<core_parallel>, #tpu.dimension_semantics<subcore_parallel>], iteration_bounds = array<i64: 2, 16>, scalar_prefetch = 0 : i64, scratch_operands = 18 : i64, tpu.core_type = #tpu.core_type<sc_vector_subcore>, window_params = [{transform_indices = #map}, {transform_indices = #map1}, {transform_indices = #map}]} {
    %mul3A = arith.constant 640 : i32
    %mul3A_0 = arith.muli %arg1, %mul3A : i32
    %mul3A_1 = arith.constant 64 : i32
    %mul3A_2 = arith.muli %arg0, %mul3A_1 : i32
    %mul3A_3 = arith.constant 640 : i32
    %mul3A_4 = arith.muli %arg1, %mul3A_3 : i32
    "tpu.region"() ({
      %run_scoped3A = tpu.sem_alloc : memref<!tpu.dma_semaphore, #tpu.memory_space<semaphore_mem>>
      %dma_start3A_276 = arith.constant 0 : i32
      %dma_start3A_277 = tpu.memref_slice %arg5[%mul3A_4, %dma_start3A_276] : memref<10240x64xf32, #tpu.memory_space<vmem_shared>> -> memref<640x64xf32, #tpu.memory_space<vmem_shared>>
      %dma_start3A_278 = tpu.memref_slice %arg2[%mul3A_0, %mul3A_2] : memref<10240x128xf32, #tpu.memory_space<hbm>> -> memref<640x64xf32, #tpu.memory_space<hbm>>
      tpu.enqueue_dma source(%dma_start3A_278 : memref<640x64xf32, #tpu.memory_space<hbm>>) target(%dma_start3A_277 : memref<640x64xf32, #tpu.memory_space<vmem_shared>>) target_semaphore(%run_scoped3A : memref<!tpu.dma_semaphore, #tpu.memory_space<semaphore_mem>>)
      %dma_wait3A_279 = arith.constant 0 : i32
      %dma_wait3A_280 = tpu.memref_slice %arg5[%mul3A_4, %dma_wait3A_279] : memref<10240x64xf32, #tpu.memory_space<vmem_shared>> -> memref<640x64xf32, #tpu.memory_space<vmem_shared>>
      %dma_wait3A_281 = tpu.memref_slice %arg2[%mul3A_0, %mul3A_2] : memref<10240x128xf32, #tpu.memory_space<hbm>> -> memref<640x64xf32, #tpu.memory_space<hbm>>
      tpu.wait_dma2 semaphore(%run_scoped3A : memref<!tpu.dma_semaphore, #tpu.memory_space<semaphore_mem>>) src(%dma_wait3A_281 : memref<640x64xf32, #tpu.memory_space<hbm>>) dst(%dma_wait3A_280 : memref<640x64xf32, #tpu.memory_space<vmem_shared>>)
      tpu.yield
    }) : () -> ()
    %mul3A_5 = arith.constant 640 : i32
    %mul3A_6 = arith.muli %arg1, %mul3A_5 : i32
    %mul3A_7 = arith.constant 64 : i32
    %mul3A_8 = arith.muli %arg0, %mul3A_7 : i32
    %mul3A_9 = arith.constant 640 : i32
    %mul3A_10 = arith.muli %arg1, %mul3A_9 : i32
    "tpu.region"() ({
      %run_scoped3A = tpu.sem_alloc : memref<!tpu.dma_semaphore, #tpu.memory_space<semaphore_mem>>
      %dma_start3A_276 = arith.constant 0 : i32
      %dma_start3A_277 = tpu.memref_slice %arg6[%mul3A_10, %dma_start3A_276] : memref<10240x64xf32, #tpu.memory_space<vmem_shared>> -> memref<640x64xf32, #tpu.memory_space<vmem_shared>>
      %dma_start3A_278 = tpu.memref_slice %arg2[%mul3A_6, %mul3A_8] : memref<10240x128xf32, #tpu.memory_space<hbm>> -> memref<640x64xf32, #tpu.memory_space<hbm>>
      tpu.enqueue_dma source(%dma_start3A_278 : memref<640x64xf32, #tpu.memory_space<hbm>>) target(%dma_start3A_277 : memref<640x64xf32, #tpu.memory_space<vmem_shared>>) target_semaphore(%run_scoped3A : memref<!tpu.dma_semaphore, #tpu.memory_space<semaphore_mem>>)
      %dma_wait3A_279 = arith.constant 0 : i32
      %dma_wait3A_280 = tpu.memref_slice %arg6[%mul3A_10, %dma_wait3A_279] : memref<10240x64xf32, #tpu.memory_space<vmem_shared>> -> memref<640x64xf32, #tpu.memory_space<vmem_shared>>
      %dma_wait3A_281 = tpu.memref_slice %arg2[%mul3A_6, %mul3A_8] : memref<10240x128xf32, #tpu.memory_space<hbm>> -> memref<640x64xf32, #tpu.memory_space<hbm>>
      tpu.wait_dma2 semaphore(%run_scoped3A : memref<!tpu.dma_semaphore, #tpu.memory_space<semaphore_mem>>) src(%dma_wait3A_281 : memref<640x64xf32, #tpu.memory_space<hbm>>) dst(%dma_wait3A_280 : memref<640x64xf32, #tpu.memory_space<vmem_shared>>)
      tpu.yield
    }) : () -> ()
    %barrier3A = arith.constant 0 : index
    tpu.barrier barrier_id(%barrier3A)
    %dma_start3A = arith.constant 0 : i32
    %dma_start3A_11 = arith.constant 0 : i32
    %dma_start3A_12 = arith.constant 0 : i32
    %dma_start3A_13 = tpu.memref_slice %arg3[%dma_start3A, %arg1, %dma_start3A_11, %dma_start3A_12] : memref<2x16x158x128xi32, #tpu.memory_space<hbm>> -> memref<1x1x2x128xi32, #tpu.memory_space<hbm>>
    %dma_start3A_14 = tpu.memref_squeeze %dma_start3A_13 : memref<1x1x2x128xi32, #tpu.memory_space<hbm>> -> memref<2x128xi32, #tpu.memory_space<hbm>>
    %dma_start3A_15 = arith.constant 0 : i32
    %dma_start3A_16 = arith.constant 0 : i32
    %dma_start3A_17 = tpu.memref_slice %arg3[%dma_start3A, %arg1, %dma_start3A_15, %dma_start3A_16] : memref<2x16x158x128xi32, #tpu.memory_space<hbm>> -> memref<1x1x2x128xi32, #tpu.memory_space<hbm>>
    %dma_start3A_18 = tpu.memref_squeeze %dma_start3A_17 : memref<1x1x2x128xi32, #tpu.memory_space<hbm>> -> memref<2x128xi32, #tpu.memory_space<hbm>>
    tpu.enqueue_dma source(%dma_start3A_18 : memref<2x128xi32, #tpu.memory_space<hbm>>) target(%arg11 : memref<2x128xi32, #tpu.memory_space<vmem>>) target_semaphore(%arg19 : memref<!tpu.dma_semaphore, #tpu.memory_space<semaphore_mem>>)
    %dma_start3A_19 = arith.constant 1 : i32
    %dma_start3A_20 = arith.constant 0 : i32
    %dma_start3A_21 = arith.constant 0 : i32
    %dma_start3A_22 = tpu.memref_slice %arg3[%dma_start3A_19, %arg1, %dma_start3A_20, %dma_start3A_21] : memref<2x16x158x128xi32, #tpu.memory_space<hbm>> -> memref<1x1x2x128xi32, #tpu.memory_space<hbm>>
    %dma_start3A_23 = tpu.memref_squeeze %dma_start3A_22 : memref<1x1x2x128xi32, #tpu.memory_space<hbm>> -> memref<2x128xi32, #tpu.memory_space<hbm>>
    %dma_start3A_24 = arith.constant 0 : i32
    %dma_start3A_25 = arith.constant 0 : i32
    %dma_start3A_26 = tpu.memref_slice %arg3[%dma_start3A_19, %arg1, %dma_start3A_24, %dma_start3A_25] : memref<2x16x158x128xi32, #tpu.memory_space<hbm>> -> memref<1x1x2x128xi32, #tpu.memory_space<hbm>>
    %dma_start3A_27 = tpu.memref_squeeze %dma_start3A_26 : memref<1x1x2x128xi32, #tpu.memory_space<hbm>> -> memref<2x128xi32, #tpu.memory_space<hbm>>
    tpu.enqueue_dma source(%dma_start3A_27 : memref<2x128xi32, #tpu.memory_space<hbm>>) target(%arg12 : memref<2x128xi32, #tpu.memory_space<vmem>>) target_semaphore(%arg21 : memref<!tpu.dma_semaphore, #tpu.memory_space<semaphore_mem>>)
    %dma_start3A_28 = arith.constant 0 : i32
    %dma_start3A_29 = arith.constant 2 : i32
    %dma_start3A_30 = arith.constant 0 : i32
    %dma_start3A_31 = tpu.memref_slice %arg3[%dma_start3A_28, %arg1, %dma_start3A_29, %dma_start3A_30] : memref<2x16x158x128xi32, #tpu.memory_space<hbm>> -> memref<1x1x2x128xi32, #tpu.memory_space<hbm>>
    %dma_start3A_32 = tpu.memref_squeeze %dma_start3A_31 : memref<1x1x2x128xi32, #tpu.memory_space<hbm>> -> memref<2x128xi32, #tpu.memory_space<hbm>>
    %dma_start3A_33 = arith.constant 2 : i32
    %dma_start3A_34 = arith.constant 0 : i32
    %dma_start3A_35 = tpu.memref_slice %arg3[%dma_start3A_28, %arg1, %dma_start3A_33, %dma_start3A_34] : memref<2x16x158x128xi32, #tpu.memory_space<hbm>> -> memref<1x1x2x128xi32, #tpu.memory_space<hbm>>
    %dma_start3A_36 = tpu.memref_squeeze %dma_start3A_35 : memref<1x1x2x128xi32, #tpu.memory_space<hbm>> -> memref<2x128xi32, #tpu.memory_space<hbm>>
    tpu.enqueue_dma source(%dma_start3A_36 : memref<2x128xi32, #tpu.memory_space<hbm>>) target(%arg13 : memref<2x128xi32, #tpu.memory_space<vmem>>) target_semaphore(%arg20 : memref<!tpu.dma_semaphore, #tpu.memory_space<semaphore_mem>>)
    %dma_start3A_37 = arith.constant 1 : i32
    %dma_start3A_38 = arith.constant 2 : i32
    %dma_start3A_39 = arith.constant 0 : i32
    %dma_start3A_40 = tpu.memref_slice %arg3[%dma_start3A_37, %arg1, %dma_start3A_38, %dma_start3A_39] : memref<2x16x158x128xi32, #tpu.memory_space<hbm>> -> memref<1x1x2x128xi32, #tpu.memory_space<hbm>>
    %dma_start3A_41 = tpu.memref_squeeze %dma_start3A_40 : memref<1x1x2x128xi32, #tpu.memory_space<hbm>> -> memref<2x128xi32, #tpu.memory_space<hbm>>
    %dma_start3A_42 = arith.constant 2 : i32
    %dma_start3A_43 = arith.constant 0 : i32
    %dma_start3A_44 = tpu.memref_slice %arg3[%dma_start3A_37, %arg1, %dma_start3A_42, %dma_start3A_43] : memref<2x16x158x128xi32, #tpu.memory_space<hbm>> -> memref<1x1x2x128xi32, #tpu.memory_space<hbm>>
    %dma_start3A_45 = tpu.memref_squeeze %dma_start3A_44 : memref<1x1x2x128xi32, #tpu.memory_space<hbm>> -> memref<2x128xi32, #tpu.memory_space<hbm>>
    tpu.enqueue_dma source(%dma_start3A_45 : memref<2x128xi32, #tpu.memory_space<hbm>>) target(%arg14 : memref<2x128xi32, #tpu.memory_space<vmem>>) target_semaphore(%arg22 : memref<!tpu.dma_semaphore, #tpu.memory_space<semaphore_mem>>)
    %dma_wait3A = arith.constant 0 : i32
    %dma_wait3A_46 = arith.constant 0 : i32
    %dma_wait3A_47 = arith.constant 0 : i32
    %dma_wait3A_48 = tpu.memref_slice %arg3[%dma_wait3A, %arg1, %dma_wait3A_46, %dma_wait3A_47] : memref<2x16x158x128xi32, #tpu.memory_space<hbm>> -> memref<1x1x2x128xi32, #tpu.memory_space<hbm>>
    %dma_wait3A_49 = tpu.memref_squeeze %dma_wait3A_48 : memref<1x1x2x128xi32, #tpu.memory_space<hbm>> -> memref<2x128xi32, #tpu.memory_space<hbm>>
    %dma_wait3A_50 = arith.constant 0 : i32
    %dma_wait3A_51 = arith.constant 0 : i32
    %dma_wait3A_52 = tpu.memref_slice %arg3[%dma_wait3A, %arg1, %dma_wait3A_50, %dma_wait3A_51] : memref<2x16x158x128xi32, #tpu.memory_space<hbm>> -> memref<1x1x2x128xi32, #tpu.memory_space<hbm>>
    %dma_wait3A_53 = tpu.memref_squeeze %dma_wait3A_52 : memref<1x1x2x128xi32, #tpu.memory_space<hbm>> -> memref<2x128xi32, #tpu.memory_space<hbm>>
    tpu.wait_dma2 semaphore(%arg19 : memref<!tpu.dma_semaphore, #tpu.memory_space<semaphore_mem>>) src(%dma_wait3A_53 : memref<2x128xi32, #tpu.memory_space<hbm>>) dst(%arg11 : memref<2x128xi32, #tpu.memory_space<vmem>>)
    %dma_start3A_54 = arith.constant 0 : i32
    %dma_start3A_55 = arith.constant 0 : i32
    %dma_start3A_56 = tpu.memref_slice %arg11[%dma_start3A_54, %dma_start3A_55] : memref<2x128xi32, #tpu.memory_space<vmem>> -> memref<1x128xi32, #tpu.memory_space<vmem>>
    %dma_start3A_57 = tpu.memref_squeeze %dma_start3A_56 : memref<1x128xi32, #tpu.memory_space<vmem>> -> memref<128xi32, #tpu.memory_space<vmem>>
    %dma_start3A_58 = arith.constant 0 : i32
    %dma_start3A_59 = arith.constant 0 : i32
    %dma_start3A_60 = tpu.memref_slice %arg5[%dma_start3A_58, %dma_start3A_59] : memref<10240x64xf32, #tpu.memory_space<vmem_shared>> -> memref<10240x64xf32, #tpu.memory_space<vmem_shared>>
    tpu.enqueue_indirect_dma source(%dma_start3A_60 : memref<10240x64xf32, #tpu.memory_space<vmem_shared>>) target(%arg7 : memref<128x64xf32, #tpu.memory_space<vmem>>) offsets(%dma_start3A_57 : memref<128xi32, #tpu.memory_space<vmem>>) semaphore(%arg15 : memref<!tpu.dma_semaphore, #tpu.memory_space<semaphore_mem>>)
    %dma_start3A_61 = arith.constant 1 : i32
    %dma_start3A_62 = arith.constant 0 : i32
    %dma_start3A_63 = tpu.memref_slice %arg11[%dma_start3A_61, %dma_start3A_62] : memref<2x128xi32, #tpu.memory_space<vmem>> -> memref<1x128xi32, #tpu.memory_space<vmem>>
    %dma_start3A_64 = tpu.memref_squeeze %dma_start3A_63 : memref<1x128xi32, #tpu.memory_space<vmem>> -> memref<128xi32, #tpu.memory_space<vmem>>
    %dma_start3A_65 = arith.constant 0 : i32
    %dma_start3A_66 = arith.constant 0 : i32
    %dma_start3A_67 = tpu.memref_slice %arg5[%dma_start3A_65, %dma_start3A_66] : memref<10240x64xf32, #tpu.memory_space<vmem_shared>> -> memref<10240x64xf32, #tpu.memory_space<vmem_shared>>
    tpu.enqueue_indirect_dma source(%dma_start3A_67 : memref<10240x64xf32, #tpu.memory_space<vmem_shared>>) target(%arg8 : memref<128x64xf32, #tpu.memory_space<vmem>>) offsets(%dma_start3A_64 : memref<128xi32, #tpu.memory_space<vmem>>) semaphore(%arg15 : memref<!tpu.dma_semaphore, #tpu.memory_space<semaphore_mem>>)
    %dma_wait3A_68 = arith.constant 0 : i32
    %dma_wait3A_69 = arith.constant 0 : i32
    %dma_wait3A_70 = tpu.memref_slice %arg11[%dma_wait3A_68, %dma_wait3A_69] : memref<2x128xi32, #tpu.memory_space<vmem>> -> memref<1x128xi32, #tpu.memory_space<vmem>>
    %dma_wait3A_71 = tpu.memref_squeeze %dma_wait3A_70 : memref<1x128xi32, #tpu.memory_space<vmem>> -> memref<128xi32, #tpu.memory_space<vmem>>
    %dma_wait3A_72 = arith.constant 0 : i32
    %dma_wait3A_73 = arith.constant 0 : i32
    %dma_wait3A_74 = tpu.memref_slice %arg5[%dma_wait3A_72, %dma_wait3A_73] : memref<10240x64xf32, #tpu.memory_space<vmem_shared>> -> memref<10240x64xf32, #tpu.memory_space<vmem_shared>>
    tpu.wait_indirect_dma semaphore(%arg15 : memref<!tpu.dma_semaphore, #tpu.memory_space<semaphore_mem>>) src(%dma_wait3A_74 : memref<10240x64xf32, #tpu.memory_space<vmem_shared>>) dst(%arg7 : memref<128x64xf32, #tpu.memory_space<vmem>>)
    %dma_wait3A_75 = arith.constant 1 : i32
    %dma_wait3A_76 = arith.constant 0 : i32
    %dma_wait3A_77 = tpu.memref_slice %arg11[%dma_wait3A_75, %dma_wait3A_76] : memref<2x128xi32, #tpu.memory_space<vmem>> -> memref<1x128xi32, #tpu.memory_space<vmem>>
    %dma_wait3A_78 = tpu.memref_squeeze %dma_wait3A_77 : memref<1x128xi32, #tpu.memory_space<vmem>> -> memref<128xi32, #tpu.memory_space<vmem>>
    %dma_wait3A_79 = arith.constant 0 : i32
    %dma_wait3A_80 = arith.constant 0 : i32
    %dma_wait3A_81 = tpu.memref_slice %arg5[%dma_wait3A_79, %dma_wait3A_80] : memref<10240x64xf32, #tpu.memory_space<vmem_shared>> -> memref<10240x64xf32, #tpu.memory_space<vmem_shared>>
    tpu.wait_indirect_dma semaphore(%arg15 : memref<!tpu.dma_semaphore, #tpu.memory_space<semaphore_mem>>) src(%dma_wait3A_81 : memref<10240x64xf32, #tpu.memory_space<vmem_shared>>) dst(%arg8 : memref<128x64xf32, #tpu.memory_space<vmem>>)
    %dma_start3A_82 = arith.constant 0 : i32
    %dma_start3A_83 = arith.constant 4 : i32
    %dma_start3A_84 = arith.constant 0 : i32
    %dma_start3A_85 = tpu.memref_slice %arg3[%dma_start3A_82, %arg1, %dma_start3A_83, %dma_start3A_84] : memref<2x16x158x128xi32, #tpu.memory_space<hbm>> -> memref<1x1x2x128xi32, #tpu.memory_space<hbm>>
    %dma_start3A_86 = tpu.memref_squeeze %dma_start3A_85 : memref<1x1x2x128xi32, #tpu.memory_space<hbm>> -> memref<2x128xi32, #tpu.memory_space<hbm>>
    %dma_start3A_87 = arith.constant 4 : i32
    %dma_start3A_88 = arith.constant 0 : i32
    %dma_start3A_89 = tpu.memref_slice %arg3[%dma_start3A_82, %arg1, %dma_start3A_87, %dma_start3A_88] : memref<2x16x158x128xi32, #tpu.memory_space<hbm>> -> memref<1x1x2x128xi32, #tpu.memory_space<hbm>>
    %dma_start3A_90 = tpu.memref_squeeze %dma_start3A_89 : memref<1x1x2x128xi32, #tpu.memory_space<hbm>> -> memref<2x128xi32, #tpu.memory_space<hbm>>
    tpu.enqueue_dma source(%dma_start3A_90 : memref<2x128xi32, #tpu.memory_space<hbm>>) target(%arg11 : memref<2x128xi32, #tpu.memory_space<vmem>>) target_semaphore(%arg19 : memref<!tpu.dma_semaphore, #tpu.memory_space<semaphore_mem>>)
    %dma_wait3A_91 = arith.constant 1 : i32
    %dma_wait3A_92 = arith.constant 0 : i32
    %dma_wait3A_93 = arith.constant 0 : i32
    %dma_wait3A_94 = tpu.memref_slice %arg3[%dma_wait3A_91, %arg1, %dma_wait3A_92, %dma_wait3A_93] : memref<2x16x158x128xi32, #tpu.memory_space<hbm>> -> memref<1x1x2x128xi32, #tpu.memory_space<hbm>>
    %dma_wait3A_95 = tpu.memref_squeeze %dma_wait3A_94 : memref<1x1x2x128xi32, #tpu.memory_space<hbm>> -> memref<2x128xi32, #tpu.memory_space<hbm>>
    %dma_wait3A_96 = arith.constant 0 : i32
    %dma_wait3A_97 = arith.constant 0 : i32
    %dma_wait3A_98 = tpu.memref_slice %arg3[%dma_wait3A_91, %arg1, %dma_wait3A_96, %dma_wait3A_97] : memref<2x16x158x128xi32, #tpu.memory_space<hbm>> -> memref<1x1x2x128xi32, #tpu.memory_space<hbm>>
    %dma_wait3A_99 = tpu.memref_squeeze %dma_wait3A_98 : memref<1x1x2x128xi32, #tpu.memory_space<hbm>> -> memref<2x128xi32, #tpu.memory_space<hbm>>
    tpu.wait_dma2 semaphore(%arg21 : memref<!tpu.dma_semaphore, #tpu.memory_space<semaphore_mem>>) src(%dma_wait3A_99 : memref<2x128xi32, #tpu.memory_space<hbm>>) dst(%arg12 : memref<2x128xi32, #tpu.memory_space<vmem>>)
    %dma_start3A_100 = arith.constant 0 : i32
    %dma_start3A_101 = arith.constant 0 : i32
    %dma_start3A_102 = tpu.memref_slice %arg12[%dma_start3A_100, %dma_start3A_101] : memref<2x128xi32, #tpu.memory_space<vmem>> -> memref<1x128xi32, #tpu.memory_space<vmem>>
    %dma_start3A_103 = tpu.memref_squeeze %dma_start3A_102 : memref<1x128xi32, #tpu.memory_space<vmem>> -> memref<128xi32, #tpu.memory_space<vmem>>
    %dma_start3A_104 = arith.constant 0 : i32
    %dma_start3A_105 = arith.constant 0 : i32
    %dma_start3A_106 = tpu.memref_slice %arg6[%dma_start3A_104, %dma_start3A_105] : memref<10240x64xf32, #tpu.memory_space<vmem_shared>> -> memref<10240x64xf32, #tpu.memory_space<vmem_shared>>
    tpu.enqueue_indirect_dma source(%arg7 : memref<128x64xf32, #tpu.memory_space<vmem>>) target(%dma_start3A_106 : memref<10240x64xf32, #tpu.memory_space<vmem_shared>>) offsets(%dma_start3A_103 : memref<128xi32, #tpu.memory_space<vmem>>) semaphore(%arg17 : memref<!tpu.dma_semaphore, #tpu.memory_space<semaphore_mem>>) {add = true}
    %dma_start3A_107 = arith.constant 1 : i32
    %dma_start3A_108 = arith.constant 0 : i32
    %dma_start3A_109 = tpu.memref_slice %arg12[%dma_start3A_107, %dma_start3A_108] : memref<2x128xi32, #tpu.memory_space<vmem>> -> memref<1x128xi32, #tpu.memory_space<vmem>>
    %dma_start3A_110 = tpu.memref_squeeze %dma_start3A_109 : memref<1x128xi32, #tpu.memory_space<vmem>> -> memref<128xi32, #tpu.memory_space<vmem>>
    %dma_start3A_111 = arith.constant 0 : i32
    %dma_start3A_112 = arith.constant 0 : i32
    %dma_start3A_113 = tpu.memref_slice %arg6[%dma_start3A_111, %dma_start3A_112] : memref<10240x64xf32, #tpu.memory_space<vmem_shared>> -> memref<10240x64xf32, #tpu.memory_space<vmem_shared>>
    tpu.enqueue_indirect_dma source(%arg8 : memref<128x64xf32, #tpu.memory_space<vmem>>) target(%dma_start3A_113 : memref<10240x64xf32, #tpu.memory_space<vmem_shared>>) offsets(%dma_start3A_110 : memref<128xi32, #tpu.memory_space<vmem>>) semaphore(%arg17 : memref<!tpu.dma_semaphore, #tpu.memory_space<semaphore_mem>>) {add = true}
    %dma_wait3A_114 = arith.constant 0 : i32
    %dma_wait3A_115 = arith.constant 2 : i32
    %dma_wait3A_116 = arith.constant 0 : i32
    %dma_wait3A_117 = tpu.memref_slice %arg3[%dma_wait3A_114, %arg1, %dma_wait3A_115, %dma_wait3A_116] : memref<2x16x158x128xi32, #tpu.memory_space<hbm>> -> memref<1x1x2x128xi32, #tpu.memory_space<hbm>>
    %dma_wait3A_118 = tpu.memref_squeeze %dma_wait3A_117 : memref<1x1x2x128xi32, #tpu.memory_space<hbm>> -> memref<2x128xi32, #tpu.memory_space<hbm>>
    %dma_wait3A_119 = arith.constant 2 : i32
    %dma_wait3A_120 = arith.constant 0 : i32
    %dma_wait3A_121 = tpu.memref_slice %arg3[%dma_wait3A_114, %arg1, %dma_wait3A_119, %dma_wait3A_120] : memref<2x16x158x128xi32, #tpu.memory_space<hbm>> -> memref<1x1x2x128xi32, #tpu.memory_space<hbm>>
    %dma_wait3A_122 = tpu.memref_squeeze %dma_wait3A_121 : memref<1x1x2x128xi32, #tpu.memory_space<hbm>> -> memref<2x128xi32, #tpu.memory_space<hbm>>
    tpu.wait_dma2 semaphore(%arg20 : memref<!tpu.dma_semaphore, #tpu.memory_space<semaphore_mem>>) src(%dma_wait3A_122 : memref<2x128xi32, #tpu.memory_space<hbm>>) dst(%arg13 : memref<2x128xi32, #tpu.memory_space<vmem>>)
    %dma_start3A_123 = arith.constant 0 : i32
    %dma_start3A_124 = arith.constant 0 : i32
    %dma_start3A_125 = tpu.memref_slice %arg13[%dma_start3A_123, %dma_start3A_124] : memref<2x128xi32, #tpu.memory_space<vmem>> -> memref<1x128xi32, #tpu.memory_space<vmem>>
    %dma_start3A_126 = tpu.memref_squeeze %dma_start3A_125 : memref<1x128xi32, #tpu.memory_space<vmem>> -> memref<128xi32, #tpu.memory_space<vmem>>
    %dma_start3A_127 = arith.constant 0 : i32
    %dma_start3A_128 = arith.constant 0 : i32
    %dma_start3A_129 = tpu.memref_slice %arg5[%dma_start3A_127, %dma_start3A_128] : memref<10240x64xf32, #tpu.memory_space<vmem_shared>> -> memref<10240x64xf32, #tpu.memory_space<vmem_shared>>
    tpu.enqueue_indirect_dma source(%dma_start3A_129 : memref<10240x64xf32, #tpu.memory_space<vmem_shared>>) target(%arg9 : memref<128x64xf32, #tpu.memory_space<vmem>>) offsets(%dma_start3A_126 : memref<128xi32, #tpu.memory_space<vmem>>) semaphore(%arg16 : memref<!tpu.dma_semaphore, #tpu.memory_space<semaphore_mem>>)
    %dma_start3A_130 = arith.constant 1 : i32
    %dma_start3A_131 = arith.constant 0 : i32
    %dma_start3A_132 = tpu.memref_slice %arg13[%dma_start3A_130, %dma_start3A_131] : memref<2x128xi32, #tpu.memory_space<vmem>> -> memref<1x128xi32, #tpu.memory_space<vmem>>
    %dma_start3A_133 = tpu.memref_squeeze %dma_start3A_132 : memref<1x128xi32, #tpu.memory_space<vmem>> -> memref<128xi32, #tpu.memory_space<vmem>>
    %dma_start3A_134 = arith.constant 0 : i32
    %dma_start3A_135 = arith.constant 0 : i32
    %dma_start3A_136 = tpu.memref_slice %arg5[%dma_start3A_134, %dma_start3A_135] : memref<10240x64xf32, #tpu.memory_space<vmem_shared>> -> memref<10240x64xf32, #tpu.memory_space<vmem_shared>>
    tpu.enqueue_indirect_dma source(%dma_start3A_136 : memref<10240x64xf32, #tpu.memory_space<vmem_shared>>) target(%arg10 : memref<128x64xf32, #tpu.memory_space<vmem>>) offsets(%dma_start3A_133 : memref<128xi32, #tpu.memory_space<vmem>>) semaphore(%arg16 : memref<!tpu.dma_semaphore, #tpu.memory_space<semaphore_mem>>)
    %scan3A = arith.constant 0 : i32
    %scan3A_137 = arith.constant 0 : i32
    %scan3A_138 = arith.constant 39 : i32
    %scan3A_139 = arith.addi %scan3A_137, %scan3A_138 : i32
    %scan3A_140 = arith.constant 1 : i32
    scf.for %scan3A_276 = %scan3A_137 to %scan3A_139 step %scan3A_140  : i32 {
      %mul3A_277 = arith.constant 2 : i32
      %mul3A_278 = arith.muli %mul3A_277, %scan3A_276 : i32
      %add3A_279 = arith.constant 1 : i32
      %add3A_280 = arith.addi %mul3A_278, %add3A_279 : i32
      %mul3A_281 = arith.constant 2 : i32
      %mul3A_282 = arith.muli %mul3A_281, %add3A_280 : i32
      %dma_wait3A_283 = arith.constant 0 : i32
      %dma_wait3A_284 = arith.constant 0 : i32
      %dma_wait3A_285 = tpu.memref_slice %arg13[%dma_wait3A_283, %dma_wait3A_284] : memref<2x128xi32, #tpu.memory_space<vmem>> -> memref<1x128xi32, #tpu.memory_space<vmem>>
      %dma_wait3A_286 = tpu.memref_squeeze %dma_wait3A_285 : memref<1x128xi32, #tpu.memory_space<vmem>> -> memref<128xi32, #tpu.memory_space<vmem>>
      %dma_wait3A_287 = arith.constant 0 : i32
      %dma_wait3A_288 = arith.constant 0 : i32
      %dma_wait3A_289 = tpu.memref_slice %arg5[%dma_wait3A_287, %dma_wait3A_288] : memref<10240x64xf32, #tpu.memory_space<vmem_shared>> -> memref<10240x64xf32, #tpu.memory_space<vmem_shared>>
      tpu.wait_indirect_dma semaphore(%arg16 : memref<!tpu.dma_semaphore, #tpu.memory_space<semaphore_mem>>) src(%dma_wait3A_289 : memref<10240x64xf32, #tpu.memory_space<vmem_shared>>) dst(%arg9 : memref<128x64xf32, #tpu.memory_space<vmem>>)
      %dma_wait3A_290 = arith.constant 1 : i32
      %dma_wait3A_291 = arith.constant 0 : i32
      %dma_wait3A_292 = tpu.memref_slice %arg13[%dma_wait3A_290, %dma_wait3A_291] : memref<2x128xi32, #tpu.memory_space<vmem>> -> memref<1x128xi32, #tpu.memory_space<vmem>>
      %dma_wait3A_293 = tpu.memref_squeeze %dma_wait3A_292 : memref<1x128xi32, #tpu.memory_space<vmem>> -> memref<128xi32, #tpu.memory_space<vmem>>
      %dma_wait3A_294 = arith.constant 0 : i32
      %dma_wait3A_295 = arith.constant 0 : i32
      %dma_wait3A_296 = tpu.memref_slice %arg5[%dma_wait3A_294, %dma_wait3A_295] : memref<10240x64xf32, #tpu.memory_space<vmem_shared>> -> memref<10240x64xf32, #tpu.memory_space<vmem_shared>>
      tpu.wait_indirect_dma semaphore(%arg16 : memref<!tpu.dma_semaphore, #tpu.memory_space<semaphore_mem>>) src(%dma_wait3A_296 : memref<10240x64xf32, #tpu.memory_space<vmem_shared>>) dst(%arg10 : memref<128x64xf32, #tpu.memory_space<vmem>>)
      %add3A_297 = arith.constant 4 : i32
      %add3A_298 = arith.addi %mul3A_282, %add3A_297 : i32
      %lt3A = arith.constant 158 : i32
      %lt3A_299 = arith.cmpi slt, %add3A_298, %lt3A : i32
      %convert_element_type3A = arith.extui %lt3A_299 : i1 to i32
      %cond3A = arith.constant 0 : i32
      %cond3A_300 = arith.cmpi ne, %convert_element_type3A, %cond3A : i32
      scf.if %cond3A_300 {
        %add3A_426 = arith.constant 2 : i32
        %add3A_427 = arith.addi %add3A_280, %add3A_426 : i32
        %mul3A_428 = arith.constant 2 : i32
        %mul3A_429 = arith.muli %mul3A_428, %add3A_427 : i32
        %dma_start3A_430 = arith.constant 0 : i32
        %dma_start3A_431 = arith.constant 0 : i32
        %dma_start3A_432 = tpu.memref_slice %arg3[%dma_start3A_430, %arg1, %mul3A_429, %dma_start3A_431] : memref<2x16x158x128xi32, #tpu.memory_space<hbm>> -> memref<1x1x2x128xi32, #tpu.memory_space<hbm>>
        %dma_start3A_433 = tpu.memref_squeeze %dma_start3A_432 : memref<1x1x2x128xi32, #tpu.memory_space<hbm>> -> memref<2x128xi32, #tpu.memory_space<hbm>>
        %dma_start3A_434 = arith.constant 0 : i32
        %dma_start3A_435 = tpu.memref_slice %arg3[%dma_start3A_430, %arg1, %mul3A_429, %dma_start3A_434] : memref<2x16x158x128xi32, #tpu.memory_space<hbm>> -> memref<1x1x2x128xi32, #tpu.memory_space<hbm>>
        %dma_start3A_436 = tpu.memref_squeeze %dma_start3A_435 : memref<1x1x2x128xi32, #tpu.memory_space<hbm>> -> memref<2x128xi32, #tpu.memory_space<hbm>>
        tpu.enqueue_dma source(%dma_start3A_436 : memref<2x128xi32, #tpu.memory_space<hbm>>) target(%arg13 : memref<2x128xi32, #tpu.memory_space<vmem>>) target_semaphore(%arg20 : memref<!tpu.dma_semaphore, #tpu.memory_space<semaphore_mem>>)
      } else {
      }
      %dma_wait3A_301 = arith.constant 1 : i32
      %dma_wait3A_302 = arith.constant 0 : i32
      %dma_wait3A_303 = tpu.memref_slice %arg3[%dma_wait3A_301, %arg1, %mul3A_282, %dma_wait3A_302] : memref<2x16x158x128xi32, #tpu.memory_space<hbm>> -> memref<1x1x2x128xi32, #tpu.memory_space<hbm>>
      %dma_wait3A_304 = tpu.memref_squeeze %dma_wait3A_303 : memref<1x1x2x128xi32, #tpu.memory_space<hbm>> -> memref<2x128xi32, #tpu.memory_space<hbm>>
      %dma_wait3A_305 = arith.constant 0 : i32
      %dma_wait3A_306 = tpu.memref_slice %arg3[%dma_wait3A_301, %arg1, %mul3A_282, %dma_wait3A_305] : memref<2x16x158x128xi32, #tpu.memory_space<hbm>> -> memref<1x1x2x128xi32, #tpu.memory_space<hbm>>
      %dma_wait3A_307 = tpu.memref_squeeze %dma_wait3A_306 : memref<1x1x2x128xi32, #tpu.memory_space<hbm>> -> memref<2x128xi32, #tpu.memory_space<hbm>>
      tpu.wait_dma2 semaphore(%arg22 : memref<!tpu.dma_semaphore, #tpu.memory_space<semaphore_mem>>) src(%dma_wait3A_307 : memref<2x128xi32, #tpu.memory_space<hbm>>) dst(%arg14 : memref<2x128xi32, #tpu.memory_space<vmem>>)
      %dma_start3A_308 = arith.constant 0 : i32
      %dma_start3A_309 = arith.constant 0 : i32
      %dma_start3A_310 = tpu.memref_slice %arg14[%dma_start3A_308, %dma_start3A_309] : memref<2x128xi32, #tpu.memory_space<vmem>> -> memref<1x128xi32, #tpu.memory_space<vmem>>
      %dma_start3A_311 = tpu.memref_squeeze %dma_start3A_310 : memref<1x128xi32, #tpu.memory_space<vmem>> -> memref<128xi32, #tpu.memory_space<vmem>>
      %dma_start3A_312 = arith.constant 0 : i32
      %dma_start3A_313 = arith.constant 0 : i32
      %dma_start3A_314 = tpu.memref_slice %arg6[%dma_start3A_312, %dma_start3A_313] : memref<10240x64xf32, #tpu.memory_space<vmem_shared>> -> memref<10240x64xf32, #tpu.memory_space<vmem_shared>>
      tpu.enqueue_indirect_dma source(%arg9 : memref<128x64xf32, #tpu.memory_space<vmem>>) target(%dma_start3A_314 : memref<10240x64xf32, #tpu.memory_space<vmem_shared>>) offsets(%dma_start3A_311 : memref<128xi32, #tpu.memory_space<vmem>>) semaphore(%arg18 : memref<!tpu.dma_semaphore, #tpu.memory_space<semaphore_mem>>) {add = true}
      %dma_start3A_315 = arith.constant 1 : i32
      %dma_start3A_316 = arith.constant 0 : i32
      %dma_start3A_317 = tpu.memref_slice %arg14[%dma_start3A_315, %dma_start3A_316] : memref<2x128xi32, #tpu.memory_space<vmem>> -> memref<1x128xi32, #tpu.memory_space<vmem>>
      %dma_start3A_318 = tpu.memref_squeeze %dma_start3A_317 : memref<1x128xi32, #tpu.memory_space<vmem>> -> memref<128xi32, #tpu.memory_space<vmem>>
      %dma_start3A_319 = arith.constant 0 : i32
      %dma_start3A_320 = arith.constant 0 : i32
      %dma_start3A_321 = tpu.memref_slice %arg6[%dma_start3A_319, %dma_start3A_320] : memref<10240x64xf32, #tpu.memory_space<vmem_shared>> -> memref<10240x64xf32, #tpu.memory_space<vmem_shared>>
      tpu.enqueue_indirect_dma source(%arg10 : memref<128x64xf32, #tpu.memory_space<vmem>>) target(%dma_start3A_321 : memref<10240x64xf32, #tpu.memory_space<vmem_shared>>) offsets(%dma_start3A_318 : memref<128xi32, #tpu.memory_space<vmem>>) semaphore(%arg18 : memref<!tpu.dma_semaphore, #tpu.memory_space<semaphore_mem>>) {add = true}
      %dma_wait3A_322 = arith.constant 0 : i32
      %dma_wait3A_323 = arith.constant 0 : i32
      %dma_wait3A_324 = tpu.memref_slice %arg12[%dma_wait3A_322, %dma_wait3A_323] : memref<2x128xi32, #tpu.memory_space<vmem>> -> memref<1x128xi32, #tpu.memory_space<vmem>>
      %dma_wait3A_325 = tpu.memref_squeeze %dma_wait3A_324 : memref<1x128xi32, #tpu.memory_space<vmem>> -> memref<128xi32, #tpu.memory_space<vmem>>
      %dma_wait3A_326 = arith.constant 0 : i32
      %dma_wait3A_327 = arith.constant 0 : i32
      %dma_wait3A_328 = tpu.memref_slice %arg6[%dma_wait3A_326, %dma_wait3A_327] : memref<10240x64xf32, #tpu.memory_space<vmem_shared>> -> memref<10240x64xf32, #tpu.memory_space<vmem_shared>>
      tpu.wait_indirect_dma semaphore(%arg17 : memref<!tpu.dma_semaphore, #tpu.memory_space<semaphore_mem>>) src(%arg7 : memref<128x64xf32, #tpu.memory_space<vmem>>) dst(%dma_wait3A_328 : memref<10240x64xf32, #tpu.memory_space<vmem_shared>>)
      %dma_wait3A_329 = arith.constant 1 : i32
      %dma_wait3A_330 = arith.constant 0 : i32
      %dma_wait3A_331 = tpu.memref_slice %arg12[%dma_wait3A_329, %dma_wait3A_330] : memref<2x128xi32, #tpu.memory_space<vmem>> -> memref<1x128xi32, #tpu.memory_space<vmem>>
      %dma_wait3A_332 = tpu.memref_squeeze %dma_wait3A_331 : memref<1x128xi32, #tpu.memory_space<vmem>> -> memref<128xi32, #tpu.memory_space<vmem>>
      %dma_wait3A_333 = arith.constant 0 : i32
      %dma_wait3A_334 = arith.constant 0 : i32
      %dma_wait3A_335 = tpu.memref_slice %arg6[%dma_wait3A_333, %dma_wait3A_334] : memref<10240x64xf32, #tpu.memory_space<vmem_shared>> -> memref<10240x64xf32, #tpu.memory_space<vmem_shared>>
      tpu.wait_indirect_dma semaphore(%arg17 : memref<!tpu.dma_semaphore, #tpu.memory_space<semaphore_mem>>) src(%arg8 : memref<128x64xf32, #tpu.memory_space<vmem>>) dst(%dma_wait3A_335 : memref<10240x64xf32, #tpu.memory_space<vmem_shared>>)
      %add3A_336 = arith.constant 2 : i32
      %add3A_337 = arith.addi %mul3A_282, %add3A_336 : i32
      %lt3A_338 = arith.constant 158 : i32
      %lt3A_339 = arith.cmpi slt, %add3A_337, %lt3A_338 : i32
      %convert_element_type3A_340 = arith.extui %lt3A_339 : i1 to i32
      %cond3A_341 = arith.constant 0 : i32
      %cond3A_342 = arith.cmpi ne, %convert_element_type3A_340, %cond3A_341 : i32
      scf.if %cond3A_342 {
        %add3A_426 = arith.constant 2 : i32
        %add3A_427 = arith.addi %mul3A_282, %add3A_426 : i32
        %dma_wait3A_428 = arith.constant 0 : i32
        %dma_wait3A_429 = arith.constant 0 : i32
        %dma_wait3A_430 = tpu.memref_slice %arg3[%dma_wait3A_428, %arg1, %add3A_427, %dma_wait3A_429] : memref<2x16x158x128xi32, #tpu.memory_space<hbm>> -> memref<1x1x2x128xi32, #tpu.memory_space<hbm>>
        %dma_wait3A_431 = tpu.memref_squeeze %dma_wait3A_430 : memref<1x1x2x128xi32, #tpu.memory_space<hbm>> -> memref<2x128xi32, #tpu.memory_space<hbm>>
        %dma_wait3A_432 = arith.constant 0 : i32
        %dma_wait3A_433 = tpu.memref_slice %arg3[%dma_wait3A_428, %arg1, %add3A_427, %dma_wait3A_432] : memref<2x16x158x128xi32, #tpu.memory_space<hbm>> -> memref<1x1x2x128xi32, #tpu.memory_space<hbm>>
        %dma_wait3A_434 = tpu.memref_squeeze %dma_wait3A_433 : memref<1x1x2x128xi32, #tpu.memory_space<hbm>> -> memref<2x128xi32, #tpu.memory_space<hbm>>
        tpu.wait_dma2 semaphore(%arg19 : memref<!tpu.dma_semaphore, #tpu.memory_space<semaphore_mem>>) src(%dma_wait3A_434 : memref<2x128xi32, #tpu.memory_space<hbm>>) dst(%arg11 : memref<2x128xi32, #tpu.memory_space<vmem>>)
        %dma_start3A_435 = arith.constant 0 : i32
        %dma_start3A_436 = arith.constant 0 : i32
        %dma_start3A_437 = tpu.memref_slice %arg11[%dma_start3A_435, %dma_start3A_436] : memref<2x128xi32, #tpu.memory_space<vmem>> -> memref<1x128xi32, #tpu.memory_space<vmem>>
        %dma_start3A_438 = tpu.memref_squeeze %dma_start3A_437 : memref<1x128xi32, #tpu.memory_space<vmem>> -> memref<128xi32, #tpu.memory_space<vmem>>
        %dma_start3A_439 = arith.constant 0 : i32
        %dma_start3A_440 = arith.constant 0 : i32
        %dma_start3A_441 = tpu.memref_slice %arg5[%dma_start3A_439, %dma_start3A_440] : memref<10240x64xf32, #tpu.memory_space<vmem_shared>> -> memref<10240x64xf32, #tpu.memory_space<vmem_shared>>
        tpu.enqueue_indirect_dma source(%dma_start3A_441 : memref<10240x64xf32, #tpu.memory_space<vmem_shared>>) target(%arg7 : memref<128x64xf32, #tpu.memory_space<vmem>>) offsets(%dma_start3A_438 : memref<128xi32, #tpu.memory_space<vmem>>) semaphore(%arg15 : memref<!tpu.dma_semaphore, #tpu.memory_space<semaphore_mem>>)
        %dma_start3A_442 = arith.constant 1 : i32
        %dma_start3A_443 = arith.constant 0 : i32
        %dma_start3A_444 = tpu.memref_slice %arg11[%dma_start3A_442, %dma_start3A_443] : memref<2x128xi32, #tpu.memory_space<vmem>> -> memref<1x128xi32, #tpu.memory_space<vmem>>
        %dma_start3A_445 = tpu.memref_squeeze %dma_start3A_444 : memref<1x128xi32, #tpu.memory_space<vmem>> -> memref<128xi32, #tpu.memory_space<vmem>>
        %dma_start3A_446 = arith.constant 0 : i32
        %dma_start3A_447 = arith.constant 0 : i32
        %dma_start3A_448 = tpu.memref_slice %arg5[%dma_start3A_446, %dma_start3A_447] : memref<10240x64xf32, #tpu.memory_space<vmem_shared>> -> memref<10240x64xf32, #tpu.memory_space<vmem_shared>>
        tpu.enqueue_indirect_dma source(%dma_start3A_448 : memref<10240x64xf32, #tpu.memory_space<vmem_shared>>) target(%arg8 : memref<128x64xf32, #tpu.memory_space<vmem>>) offsets(%dma_start3A_445 : memref<128xi32, #tpu.memory_space<vmem>>) semaphore(%arg15 : memref<!tpu.dma_semaphore, #tpu.memory_space<semaphore_mem>>)
      } else {
      }
      %add3A_343 = arith.constant 2 : i32
      %add3A_344 = arith.addi %mul3A_282, %add3A_343 : i32
      %lt3A_345 = arith.constant 158 : i32
      %lt3A_346 = arith.cmpi slt, %add3A_344, %lt3A_345 : i32
      %convert_element_type3A_347 = arith.extui %lt3A_346 : i1 to i32
      %cond3A_348 = arith.constant 0 : i32
      %cond3A_349 = arith.cmpi ne, %convert_element_type3A_347, %cond3A_348 : i32
      scf.if %cond3A_349 {
        %add3A_426 = arith.constant 1 : i32
        %add3A_427 = arith.addi %add3A_280, %add3A_426 : i32
        %mul3A_428 = arith.constant 2 : i32
        %mul3A_429 = arith.muli %mul3A_428, %add3A_427 : i32
        %dma_start3A_430 = arith.constant 1 : i32
        %dma_start3A_431 = arith.constant 0 : i32
        %dma_start3A_432 = tpu.memref_slice %arg3[%dma_start3A_430, %arg1, %mul3A_429, %dma_start3A_431] : memref<2x16x158x128xi32, #tpu.memory_space<hbm>> -> memref<1x1x2x128xi32, #tpu.memory_space<hbm>>
        %dma_start3A_433 = tpu.memref_squeeze %dma_start3A_432 : memref<1x1x2x128xi32, #tpu.memory_space<hbm>> -> memref<2x128xi32, #tpu.memory_space<hbm>>
        %dma_start3A_434 = arith.constant 0 : i32
        %dma_start3A_435 = tpu.memref_slice %arg3[%dma_start3A_430, %arg1, %mul3A_429, %dma_start3A_434] : memref<2x16x158x128xi32, #tpu.memory_space<hbm>> -> memref<1x1x2x128xi32, #tpu.memory_space<hbm>>
        %dma_start3A_436 = tpu.memref_squeeze %dma_start3A_435 : memref<1x1x2x128xi32, #tpu.memory_space<hbm>> -> memref<2x128xi32, #tpu.memory_space<hbm>>
        tpu.enqueue_dma source(%dma_start3A_436 : memref<2x128xi32, #tpu.memory_space<hbm>>) target(%arg12 : memref<2x128xi32, #tpu.memory_space<vmem>>) target_semaphore(%arg21 : memref<!tpu.dma_semaphore, #tpu.memory_space<semaphore_mem>>)
      } else {
      }
      %mul3A_350 = arith.constant 2 : i32
      %mul3A_351 = arith.muli %mul3A_350, %scan3A_276 : i32
      %add3A_352 = arith.constant 2 : i32
      %add3A_353 = arith.addi %mul3A_351, %add3A_352 : i32
      %mul3A_354 = arith.constant 2 : i32
      %mul3A_355 = arith.muli %mul3A_354, %add3A_353 : i32
      %dma_wait3A_356 = arith.constant 0 : i32
      %dma_wait3A_357 = arith.constant 0 : i32
      %dma_wait3A_358 = tpu.memref_slice %arg11[%dma_wait3A_356, %dma_wait3A_357] : memref<2x128xi32, #tpu.memory_space<vmem>> -> memref<1x128xi32, #tpu.memory_space<vmem>>
      %dma_wait3A_359 = tpu.memref_squeeze %dma_wait3A_358 : memref<1x128xi32, #tpu.memory_space<vmem>> -> memref<128xi32, #tpu.memory_space<vmem>>
      %dma_wait3A_360 = arith.constant 0 : i32
      %dma_wait3A_361 = arith.constant 0 : i32
      %dma_wait3A_362 = tpu.memref_slice %arg5[%dma_wait3A_360, %dma_wait3A_361] : memref<10240x64xf32, #tpu.memory_space<vmem_shared>> -> memref<10240x64xf32, #tpu.memory_space<vmem_shared>>
      tpu.wait_indirect_dma semaphore(%arg15 : memref<!tpu.dma_semaphore, #tpu.memory_space<semaphore_mem>>) src(%dma_wait3A_362 : memref<10240x64xf32, #tpu.memory_space<vmem_shared>>) dst(%arg7 : memref<128x64xf32, #tpu.memory_space<vmem>>)
      %dma_wait3A_363 = arith.constant 1 : i32
      %dma_wait3A_364 = arith.constant 0 : i32
      %dma_wait3A_365 = tpu.memref_slice %arg11[%dma_wait3A_363, %dma_wait3A_364] : memref<2x128xi32, #tpu.memory_space<vmem>> -> memref<1x128xi32, #tpu.memory_space<vmem>>
      %dma_wait3A_366 = tpu.memref_squeeze %dma_wait3A_365 : memref<1x128xi32, #tpu.memory_space<vmem>> -> memref<128xi32, #tpu.memory_space<vmem>>
      %dma_wait3A_367 = arith.constant 0 : i32
      %dma_wait3A_368 = arith.constant 0 : i32
      %dma_wait3A_369 = tpu.memref_slice %arg5[%dma_wait3A_367, %dma_wait3A_368] : memref<10240x64xf32, #tpu.memory_space<vmem_shared>> -> memref<10240x64xf32, #tpu.memory_space<vmem_shared>>
      tpu.wait_indirect_dma semaphore(%arg15 : memref<!tpu.dma_semaphore, #tpu.memory_space<semaphore_mem>>) src(%dma_wait3A_369 : memref<10240x64xf32, #tpu.memory_space<vmem_shared>>) dst(%arg8 : memref<128x64xf32, #tpu.memory_space<vmem>>)
      %add3A_370 = arith.constant 4 : i32
      %add3A_371 = arith.addi %mul3A_355, %add3A_370 : i32
      %lt3A_372 = arith.constant 158 : i32
      %lt3A_373 = arith.cmpi slt, %add3A_371, %lt3A_372 : i32
      %convert_element_type3A_374 = arith.extui %lt3A_373 : i1 to i32
      %cond3A_375 = arith.constant 0 : i32
      %cond3A_376 = arith.cmpi ne, %convert_element_type3A_374, %cond3A_375 : i32
      scf.if %cond3A_376 {
        %add3A_426 = arith.constant 2 : i32
        %add3A_427 = arith.addi %add3A_353, %add3A_426 : i32
        %mul3A_428 = arith.constant 2 : i32
        %mul3A_429 = arith.muli %mul3A_428, %add3A_427 : i32
        %dma_start3A_430 = arith.constant 0 : i32
        %dma_start3A_431 = arith.constant 0 : i32
        %dma_start3A_432 = tpu.memref_slice %arg3[%dma_start3A_430, %arg1, %mul3A_429, %dma_start3A_431] : memref<2x16x158x128xi32, #tpu.memory_space<hbm>> -> memref<1x1x2x128xi32, #tpu.memory_space<hbm>>
        %dma_start3A_433 = tpu.memref_squeeze %dma_start3A_432 : memref<1x1x2x128xi32, #tpu.memory_space<hbm>> -> memref<2x128xi32, #tpu.memory_space<hbm>>
        %dma_start3A_434 = arith.constant 0 : i32
        %dma_start3A_435 = tpu.memref_slice %arg3[%dma_start3A_430, %arg1, %mul3A_429, %dma_start3A_434] : memref<2x16x158x128xi32, #tpu.memory_space<hbm>> -> memref<1x1x2x128xi32, #tpu.memory_space<hbm>>
        %dma_start3A_436 = tpu.memref_squeeze %dma_start3A_435 : memref<1x1x2x128xi32, #tpu.memory_space<hbm>> -> memref<2x128xi32, #tpu.memory_space<hbm>>
        tpu.enqueue_dma source(%dma_start3A_436 : memref<2x128xi32, #tpu.memory_space<hbm>>) target(%arg11 : memref<2x128xi32, #tpu.memory_space<vmem>>) target_semaphore(%arg19 : memref<!tpu.dma_semaphore, #tpu.memory_space<semaphore_mem>>)
      } else {
      }
      %dma_wait3A_377 = arith.constant 1 : i32
      %dma_wait3A_378 = arith.constant 0 : i32
      %dma_wait3A_379 = tpu.memref_slice %arg3[%dma_wait3A_377, %arg1, %mul3A_355, %dma_wait3A_378] : memref<2x16x158x128xi32, #tpu.memory_space<hbm>> -> memref<1x1x2x128xi32, #tpu.memory_space<hbm>>
      %dma_wait3A_380 = tpu.memref_squeeze %dma_wait3A_379 : memref<1x1x2x128xi32, #tpu.memory_space<hbm>> -> memref<2x128xi32, #tpu.memory_space<hbm>>
      %dma_wait3A_381 = arith.constant 0 : i32
      %dma_wait3A_382 = tpu.memref_slice %arg3[%dma_wait3A_377, %arg1, %mul3A_355, %dma_wait3A_381] : memref<2x16x158x128xi32, #tpu.memory_space<hbm>> -> memref<1x1x2x128xi32, #tpu.memory_space<hbm>>
      %dma_wait3A_383 = tpu.memref_squeeze %dma_wait3A_382 : memref<1x1x2x128xi32, #tpu.memory_space<hbm>> -> memref<2x128xi32, #tpu.memory_space<hbm>>
      tpu.wait_dma2 semaphore(%arg21 : memref<!tpu.dma_semaphore, #tpu.memory_space<semaphore_mem>>) src(%dma_wait3A_383 : memref<2x128xi32, #tpu.memory_space<hbm>>) dst(%arg12 : memref<2x128xi32, #tpu.memory_space<vmem>>)
      %dma_start3A_384 = arith.constant 0 : i32
      %dma_start3A_385 = arith.constant 0 : i32
      %dma_start3A_386 = tpu.memref_slice %arg12[%dma_start3A_384, %dma_start3A_385] : memref<2x128xi32, #tpu.memory_space<vmem>> -> memref<1x128xi32, #tpu.memory_space<vmem>>
      %dma_start3A_387 = tpu.memref_squeeze %dma_start3A_386 : memref<1x128xi32, #tpu.memory_space<vmem>> -> memref<128xi32, #tpu.memory_space<vmem>>
      %dma_start3A_388 = arith.constant 0 : i32
      %dma_start3A_389 = arith.constant 0 : i32
      %dma_start3A_390 = tpu.memref_slice %arg6[%dma_start3A_388, %dma_start3A_389] : memref<10240x64xf32, #tpu.memory_space<vmem_shared>> -> memref<10240x64xf32, #tpu.memory_space<vmem_shared>>
      tpu.enqueue_indirect_dma source(%arg7 : memref<128x64xf32, #tpu.memory_space<vmem>>) target(%dma_start3A_390 : memref<10240x64xf32, #tpu.memory_space<vmem_shared>>) offsets(%dma_start3A_387 : memref<128xi32, #tpu.memory_space<vmem>>) semaphore(%arg17 : memref<!tpu.dma_semaphore, #tpu.memory_space<semaphore_mem>>) {add = true}
      %dma_start3A_391 = arith.constant 1 : i32
      %dma_start3A_392 = arith.constant 0 : i32
      %dma_start3A_393 = tpu.memref_slice %arg12[%dma_start3A_391, %dma_start3A_392] : memref<2x128xi32, #tpu.memory_space<vmem>> -> memref<1x128xi32, #tpu.memory_space<vmem>>
      %dma_start3A_394 = tpu.memref_squeeze %dma_start3A_393 : memref<1x128xi32, #tpu.memory_space<vmem>> -> memref<128xi32, #tpu.memory_space<vmem>>
      %dma_start3A_395 = arith.constant 0 : i32
      %dma_start3A_396 = arith.constant 0 : i32
      %dma_start3A_397 = tpu.memref_slice %arg6[%dma_start3A_395, %dma_start3A_396] : memref<10240x64xf32, #tpu.memory_space<vmem_shared>> -> memref<10240x64xf32, #tpu.memory_space<vmem_shared>>
      tpu.enqueue_indirect_dma source(%arg8 : memref<128x64xf32, #tpu.memory_space<vmem>>) target(%dma_start3A_397 : memref<10240x64xf32, #tpu.memory_space<vmem_shared>>) offsets(%dma_start3A_394 : memref<128xi32, #tpu.memory_space<vmem>>) semaphore(%arg17 : memref<!tpu.dma_semaphore, #tpu.memory_space<semaphore_mem>>) {add = true}
      %dma_wait3A_398 = arith.constant 0 : i32
      %dma_wait3A_399 = arith.constant 0 : i32
      %dma_wait3A_400 = tpu.memref_slice %arg14[%dma_wait3A_398, %dma_wait3A_399] : memref<2x128xi32, #tpu.memory_space<vmem>> -> memref<1x128xi32, #tpu.memory_space<vmem>>
      %dma_wait3A_401 = tpu.memref_squeeze %dma_wait3A_400 : memref<1x128xi32, #tpu.memory_space<vmem>> -> memref<128xi32, #tpu.memory_space<vmem>>
      %dma_wait3A_402 = arith.constant 0 : i32
      %dma_wait3A_403 = arith.constant 0 : i32
      %dma_wait3A_404 = tpu.memref_slice %arg6[%dma_wait3A_402, %dma_wait3A_403] : memref<10240x64xf32, #tpu.memory_space<vmem_shared>> -> memref<10240x64xf32, #tpu.memory_space<vmem_shared>>
      tpu.wait_indirect_dma semaphore(%arg18 : memref<!tpu.dma_semaphore, #tpu.memory_space<semaphore_mem>>) src(%arg9 : memref<128x64xf32, #tpu.memory_space<vmem>>) dst(%dma_wait3A_404 : memref<10240x64xf32, #tpu.memory_space<vmem_shared>>)
      %dma_wait3A_405 = arith.constant 1 : i32
      %dma_wait3A_406 = arith.constant 0 : i32
      %dma_wait3A_407 = tpu.memref_slice %arg14[%dma_wait3A_405, %dma_wait3A_406] : memref<2x128xi32, #tpu.memory_space<vmem>> -> memref<1x128xi32, #tpu.memory_space<vmem>>
      %dma_wait3A_408 = tpu.memref_squeeze %dma_wait3A_407 : memref<1x128xi32, #tpu.memory_space<vmem>> -> memref<128xi32, #tpu.memory_space<vmem>>
      %dma_wait3A_409 = arith.constant 0 : i32
      %dma_wait3A_410 = arith.constant 0 : i32
      %dma_wait3A_411 = tpu.memref_slice %arg6[%dma_wait3A_409, %dma_wait3A_410] : memref<10240x64xf32, #tpu.memory_space<vmem_shared>> -> memref<10240x64xf32, #tpu.memory_space<vmem_shared>>
      tpu.wait_indirect_dma semaphore(%arg18 : memref<!tpu.dma_semaphore, #tpu.memory_space<semaphore_mem>>) src(%arg10 : memref<128x64xf32, #tpu.memory_space<vmem>>) dst(%dma_wait3A_411 : memref<10240x64xf32, #tpu.memory_space<vmem_shared>>)
      %add3A_412 = arith.constant 2 : i32
      %add3A_413 = arith.addi %mul3A_355, %add3A_412 : i32
      %lt3A_414 = arith.constant 158 : i32
      %lt3A_415 = arith.cmpi slt, %add3A_413, %lt3A_414 : i32
      %convert_element_type3A_416 = arith.extui %lt3A_415 : i1 to i32
      %cond3A_417 = arith.constant 0 : i32
      %cond3A_418 = arith.cmpi ne, %convert_element_type3A_416, %cond3A_417 : i32
      scf.if %cond3A_418 {
        %add3A_426 = arith.constant 2 : i32
        %add3A_427 = arith.addi %mul3A_355, %add3A_426 : i32
        %dma_wait3A_428 = arith.constant 0 : i32
        %dma_wait3A_429 = arith.constant 0 : i32
        %dma_wait3A_430 = tpu.memref_slice %arg3[%dma_wait3A_428, %arg1, %add3A_427, %dma_wait3A_429] : memref<2x16x158x128xi32, #tpu.memory_space<hbm>> -> memref<1x1x2x128xi32, #tpu.memory_space<hbm>>
        %dma_wait3A_431 = tpu.memref_squeeze %dma_wait3A_430 : memref<1x1x2x128xi32, #tpu.memory_space<hbm>> -> memref<2x128xi32, #tpu.memory_space<hbm>>
        %dma_wait3A_432 = arith.constant 0 : i32
        %dma_wait3A_433 = tpu.memref_slice %arg3[%dma_wait3A_428, %arg1, %add3A_427, %dma_wait3A_432] : memref<2x16x158x128xi32, #tpu.memory_space<hbm>> -> memref<1x1x2x128xi32, #tpu.memory_space<hbm>>
        %dma_wait3A_434 = tpu.memref_squeeze %dma_wait3A_433 : memref<1x1x2x128xi32, #tpu.memory_space<hbm>> -> memref<2x128xi32, #tpu.memory_space<hbm>>
        tpu.wait_dma2 semaphore(%arg20 : memref<!tpu.dma_semaphore, #tpu.memory_space<semaphore_mem>>) src(%dma_wait3A_434 : memref<2x128xi32, #tpu.memory_space<hbm>>) dst(%arg13 : memref<2x128xi32, #tpu.memory_space<vmem>>)
        %dma_start3A_435 = arith.constant 0 : i32
        %dma_start3A_436 = arith.constant 0 : i32
        %dma_start3A_437 = tpu.memref_slice %arg13[%dma_start3A_435, %dma_start3A_436] : memref<2x128xi32, #tpu.memory_space<vmem>> -> memref<1x128xi32, #tpu.memory_space<vmem>>
        %dma_start3A_438 = tpu.memref_squeeze %dma_start3A_437 : memref<1x128xi32, #tpu.memory_space<vmem>> -> memref<128xi32, #tpu.memory_space<vmem>>
        %dma_start3A_439 = arith.constant 0 : i32
        %dma_start3A_440 = arith.constant 0 : i32
        %dma_start3A_441 = tpu.memref_slice %arg5[%dma_start3A_439, %dma_start3A_440] : memref<10240x64xf32, #tpu.memory_space<vmem_shared>> -> memref<10240x64xf32, #tpu.memory_space<vmem_shared>>
        tpu.enqueue_indirect_dma source(%dma_start3A_441 : memref<10240x64xf32, #tpu.memory_space<vmem_shared>>) target(%arg9 : memref<128x64xf32, #tpu.memory_space<vmem>>) offsets(%dma_start3A_438 : memref<128xi32, #tpu.memory_space<vmem>>) semaphore(%arg16 : memref<!tpu.dma_semaphore, #tpu.memory_space<semaphore_mem>>)
        %dma_start3A_442 = arith.constant 1 : i32
        %dma_start3A_443 = arith.constant 0 : i32
        %dma_start3A_444 = tpu.memref_slice %arg13[%dma_start3A_442, %dma_start3A_443] : memref<2x128xi32, #tpu.memory_space<vmem>> -> memref<1x128xi32, #tpu.memory_space<vmem>>
        %dma_start3A_445 = tpu.memref_squeeze %dma_start3A_444 : memref<1x128xi32, #tpu.memory_space<vmem>> -> memref<128xi32, #tpu.memory_space<vmem>>
        %dma_start3A_446 = arith.constant 0 : i32
        %dma_start3A_447 = arith.constant 0 : i32
        %dma_start3A_448 = tpu.memref_slice %arg5[%dma_start3A_446, %dma_start3A_447] : memref<10240x64xf32, #tpu.memory_space<vmem_shared>> -> memref<10240x64xf32, #tpu.memory_space<vmem_shared>>
        tpu.enqueue_indirect_dma source(%dma_start3A_448 : memref<10240x64xf32, #tpu.memory_space<vmem_shared>>) target(%arg10 : memref<128x64xf32, #tpu.memory_space<vmem>>) offsets(%dma_start3A_445 : memref<128xi32, #tpu.memory_space<vmem>>) semaphore(%arg16 : memref<!tpu.dma_semaphore, #tpu.memory_space<semaphore_mem>>)
      } else {
      }
      %add3A_419 = arith.constant 2 : i32
      %add3A_420 = arith.addi %mul3A_355, %add3A_419 : i32
      %lt3A_421 = arith.constant 158 : i32
      %lt3A_422 = arith.cmpi slt, %add3A_420, %lt3A_421 : i32
      %convert_element_type3A_423 = arith.extui %lt3A_422 : i1 to i32
      %cond3A_424 = arith.constant 0 : i32
      %cond3A_425 = arith.cmpi ne, %convert_element_type3A_423, %cond3A_424 : i32
      scf.if %cond3A_425 {
        %add3A_426 = arith.constant 1 : i32
        %add3A_427 = arith.addi %add3A_353, %add3A_426 : i32
        %mul3A_428 = arith.constant 2 : i32
        %mul3A_429 = arith.muli %mul3A_428, %add3A_427 : i32
        %dma_start3A_430 = arith.constant 1 : i32
        %dma_start3A_431 = arith.constant 0 : i32
        %dma_start3A_432 = tpu.memref_slice %arg3[%dma_start3A_430, %arg1, %mul3A_429, %dma_start3A_431] : memref<2x16x158x128xi32, #tpu.memory_space<hbm>> -> memref<1x1x2x128xi32, #tpu.memory_space<hbm>>
        %dma_start3A_433 = tpu.memref_squeeze %dma_start3A_432 : memref<1x1x2x128xi32, #tpu.memory_space<hbm>> -> memref<2x128xi32, #tpu.memory_space<hbm>>
        %dma_start3A_434 = arith.constant 0 : i32
        %dma_start3A_435 = tpu.memref_slice %arg3[%dma_start3A_430, %arg1, %mul3A_429, %dma_start3A_434] : memref<2x16x158x128xi32, #tpu.memory_space<hbm>> -> memref<1x1x2x128xi32, #tpu.memory_space<hbm>>
        %dma_start3A_436 = tpu.memref_squeeze %dma_start3A_435 : memref<1x1x2x128xi32, #tpu.memory_space<hbm>> -> memref<2x128xi32, #tpu.memory_space<hbm>>
        tpu.enqueue_dma source(%dma_start3A_436 : memref<2x128xi32, #tpu.memory_space<hbm>>) target(%arg14 : memref<2x128xi32, #tpu.memory_space<vmem>>) target_semaphore(%arg22 : memref<!tpu.dma_semaphore, #tpu.memory_space<semaphore_mem>>)
      } else {
      }
    }
    %scan3A_141 = arith.constant 39 : i32
    %dma_wait3A_142 = arith.constant 0 : i32
    %dma_wait3A_143 = arith.constant 0 : i32
    %dma_wait3A_144 = tpu.memref_slice %arg12[%dma_wait3A_142, %dma_wait3A_143] : memref<2x128xi32, #tpu.memory_space<vmem>> -> memref<1x128xi32, #tpu.memory_space<vmem>>
    %dma_wait3A_145 = tpu.memref_squeeze %dma_wait3A_144 : memref<1x128xi32, #tpu.memory_space<vmem>> -> memref<128xi32, #tpu.memory_space<vmem>>
    %dma_wait3A_146 = arith.constant 0 : i32
    %dma_wait3A_147 = arith.constant 0 : i32
    %dma_wait3A_148 = tpu.memref_slice %arg6[%dma_wait3A_146, %dma_wait3A_147] : memref<10240x64xf32, #tpu.memory_space<vmem_shared>> -> memref<10240x64xf32, #tpu.memory_space<vmem_shared>>
    tpu.wait_indirect_dma semaphore(%arg17 : memref<!tpu.dma_semaphore, #tpu.memory_space<semaphore_mem>>) src(%arg7 : memref<128x64xf32, #tpu.memory_space<vmem>>) dst(%dma_wait3A_148 : memref<10240x64xf32, #tpu.memory_space<vmem_shared>>)
    %dma_wait3A_149 = arith.constant 1 : i32
    %dma_wait3A_150 = arith.constant 0 : i32
    %dma_wait3A_151 = tpu.memref_slice %arg12[%dma_wait3A_149, %dma_wait3A_150] : memref<2x128xi32, #tpu.memory_space<vmem>> -> memref<1x128xi32, #tpu.memory_space<vmem>>
    %dma_wait3A_152 = tpu.memref_squeeze %dma_wait3A_151 : memref<1x128xi32, #tpu.memory_space<vmem>> -> memref<128xi32, #tpu.memory_space<vmem>>
    %dma_wait3A_153 = arith.constant 0 : i32
    %dma_wait3A_154 = arith.constant 0 : i32
    %dma_wait3A_155 = tpu.memref_slice %arg6[%dma_wait3A_153, %dma_wait3A_154] : memref<10240x64xf32, #tpu.memory_space<vmem_shared>> -> memref<10240x64xf32, #tpu.memory_space<vmem_shared>>
    tpu.wait_indirect_dma semaphore(%arg17 : memref<!tpu.dma_semaphore, #tpu.memory_space<semaphore_mem>>) src(%arg8 : memref<128x64xf32, #tpu.memory_space<vmem>>) dst(%dma_wait3A_155 : memref<10240x64xf32, #tpu.memory_space<vmem_shared>>)
    %barrier3A_156 = arith.constant 0 : index
    tpu.barrier barrier_id(%barrier3A_156)
    %mul3A_157 = arith.constant 640 : i32
    %mul3A_158 = arith.muli %arg1, %mul3A_157 : i32
    %dma_start3A_159 = arith.constant 0 : i32
    %dma_start3A_160 = tpu.memref_slice %arg6[%mul3A_158, %dma_start3A_159] : memref<10240x64xf32, #tpu.memory_space<vmem_shared>> -> memref<128x64xf32, #tpu.memory_space<vmem_shared>>
    %dma_start3A_161 = arith.constant 0 : i32
    %dma_start3A_162 = tpu.memref_slice %arg6[%mul3A_158, %dma_start3A_161] : memref<10240x64xf32, #tpu.memory_space<vmem_shared>> -> memref<128x64xf32, #tpu.memory_space<vmem_shared>>
    tpu.enqueue_dma source(%dma_start3A_162 : memref<128x64xf32, #tpu.memory_space<vmem_shared>>) target(%arg7 : memref<128x64xf32, #tpu.memory_space<vmem>>) target_semaphore(%arg15 : memref<!tpu.dma_semaphore, #tpu.memory_space<semaphore_mem>>)
    %mul3A_163 = arith.constant 640 : i32
    %mul3A_164 = arith.muli %arg1, %mul3A_163 : i32
    %add3A = arith.constant 0 : i32
    %add3A_165 = arith.addi %mul3A_164, %add3A : i32
    %dma_wait3A_166 = arith.constant 0 : i32
    %dma_wait3A_167 = tpu.memref_slice %arg6[%add3A_165, %dma_wait3A_166] : memref<10240x64xf32, #tpu.memory_space<vmem_shared>> -> memref<128x64xf32, #tpu.memory_space<vmem_shared>>
    %dma_wait3A_168 = arith.constant 0 : i32
    %dma_wait3A_169 = tpu.memref_slice %arg6[%add3A_165, %dma_wait3A_168] : memref<10240x64xf32, #tpu.memory_space<vmem_shared>> -> memref<128x64xf32, #tpu.memory_space<vmem_shared>>
    tpu.wait_dma2 semaphore(%arg15 : memref<!tpu.dma_semaphore, #tpu.memory_space<semaphore_mem>>) src(%dma_wait3A_169 : memref<128x64xf32, #tpu.memory_space<vmem_shared>>) dst(%arg7 : memref<128x64xf32, #tpu.memory_space<vmem>>)
    %add3A_170 = arith.constant 128 : i32
    %add3A_171 = arith.addi %add3A_165, %add3A_170 : i32
    %dma_start3A_172 = arith.constant 0 : i32
    %dma_start3A_173 = tpu.memref_slice %arg6[%add3A_171, %dma_start3A_172] : memref<10240x64xf32, #tpu.memory_space<vmem_shared>> -> memref<128x64xf32, #tpu.memory_space<vmem_shared>>
    %dma_start3A_174 = arith.constant 0 : i32
    %dma_start3A_175 = tpu.memref_slice %arg6[%add3A_171, %dma_start3A_174] : memref<10240x64xf32, #tpu.memory_space<vmem_shared>> -> memref<128x64xf32, #tpu.memory_space<vmem_shared>>
    tpu.enqueue_dma source(%dma_start3A_175 : memref<128x64xf32, #tpu.memory_space<vmem_shared>>) target(%arg8 : memref<128x64xf32, #tpu.memory_space<vmem>>) target_semaphore(%arg15 : memref<!tpu.dma_semaphore, #tpu.memory_space<semaphore_mem>>)
    %mul3A_176 = arith.constant 64 : i32
    %mul3A_177 = arith.muli %arg0, %mul3A_176 : i32
    %dma_start3A_178 = tpu.memref_slice %arg4[%add3A_165, %mul3A_177] : memref<10240x128xf32, #tpu.memory_space<hbm>> -> memref<128x64xf32, #tpu.memory_space<hbm>>
    %dma_start3A_179 = tpu.memref_slice %arg4[%add3A_165, %mul3A_177] : memref<10240x128xf32, #tpu.memory_space<hbm>> -> memref<128x64xf32, #tpu.memory_space<hbm>>
    tpu.enqueue_dma source(%arg7 : memref<128x64xf32, #tpu.memory_space<vmem>>) target(%dma_start3A_179 : memref<128x64xf32, #tpu.memory_space<hbm>>) target_semaphore(%arg17 : memref<!tpu.dma_semaphore, #tpu.memory_space<semaphore_mem>>)
    %mul3A_180 = arith.constant 640 : i32
    %mul3A_181 = arith.muli %arg1, %mul3A_180 : i32
    %add3A_182 = arith.constant 128 : i32
    %add3A_183 = arith.addi %mul3A_181, %add3A_182 : i32
    %dma_wait3A_184 = arith.constant 0 : i32
    %dma_wait3A_185 = tpu.memref_slice %arg6[%add3A_183, %dma_wait3A_184] : memref<10240x64xf32, #tpu.memory_space<vmem_shared>> -> memref<128x64xf32, #tpu.memory_space<vmem_shared>>
    %dma_wait3A_186 = arith.constant 0 : i32
    %dma_wait3A_187 = tpu.memref_slice %arg6[%add3A_183, %dma_wait3A_186] : memref<10240x64xf32, #tpu.memory_space<vmem_shared>> -> memref<128x64xf32, #tpu.memory_space<vmem_shared>>
    tpu.wait_dma2 semaphore(%arg15 : memref<!tpu.dma_semaphore, #tpu.memory_space<semaphore_mem>>) src(%dma_wait3A_187 : memref<128x64xf32, #tpu.memory_space<vmem_shared>>) dst(%arg8 : memref<128x64xf32, #tpu.memory_space<vmem>>)
    %add3A_188 = arith.constant 128 : i32
    %add3A_189 = arith.addi %add3A_183, %add3A_188 : i32
    %dma_start3A_190 = arith.constant 0 : i32
    %dma_start3A_191 = tpu.memref_slice %arg6[%add3A_189, %dma_start3A_190] : memref<10240x64xf32, #tpu.memory_space<vmem_shared>> -> memref<128x64xf32, #tpu.memory_space<vmem_shared>>
    %dma_start3A_192 = arith.constant 0 : i32
    %dma_start3A_193 = tpu.memref_slice %arg6[%add3A_189, %dma_start3A_192] : memref<10240x64xf32, #tpu.memory_space<vmem_shared>> -> memref<128x64xf32, #tpu.memory_space<vmem_shared>>
    tpu.enqueue_dma source(%dma_start3A_193 : memref<128x64xf32, #tpu.memory_space<vmem_shared>>) target(%arg9 : memref<128x64xf32, #tpu.memory_space<vmem>>) target_semaphore(%arg15 : memref<!tpu.dma_semaphore, #tpu.memory_space<semaphore_mem>>)
    %mul3A_194 = arith.constant 64 : i32
    %mul3A_195 = arith.muli %arg0, %mul3A_194 : i32
    %dma_start3A_196 = tpu.memref_slice %arg4[%add3A_183, %mul3A_195] : memref<10240x128xf32, #tpu.memory_space<hbm>> -> memref<128x64xf32, #tpu.memory_space<hbm>>
    %dma_start3A_197 = tpu.memref_slice %arg4[%add3A_183, %mul3A_195] : memref<10240x128xf32, #tpu.memory_space<hbm>> -> memref<128x64xf32, #tpu.memory_space<hbm>>
    tpu.enqueue_dma source(%arg8 : memref<128x64xf32, #tpu.memory_space<vmem>>) target(%dma_start3A_197 : memref<128x64xf32, #tpu.memory_space<hbm>>) target_semaphore(%arg17 : memref<!tpu.dma_semaphore, #tpu.memory_space<semaphore_mem>>)
    %mul3A_198 = arith.constant 640 : i32
    %mul3A_199 = arith.muli %arg1, %mul3A_198 : i32
    %add3A_200 = arith.constant 256 : i32
    %add3A_201 = arith.addi %mul3A_199, %add3A_200 : i32
    %dma_wait3A_202 = arith.constant 0 : i32
    %dma_wait3A_203 = tpu.memref_slice %arg6[%add3A_201, %dma_wait3A_202] : memref<10240x64xf32, #tpu.memory_space<vmem_shared>> -> memref<128x64xf32, #tpu.memory_space<vmem_shared>>
    %dma_wait3A_204 = arith.constant 0 : i32
    %dma_wait3A_205 = tpu.memref_slice %arg6[%add3A_201, %dma_wait3A_204] : memref<10240x64xf32, #tpu.memory_space<vmem_shared>> -> memref<128x64xf32, #tpu.memory_space<vmem_shared>>
    tpu.wait_dma2 semaphore(%arg15 : memref<!tpu.dma_semaphore, #tpu.memory_space<semaphore_mem>>) src(%dma_wait3A_205 : memref<128x64xf32, #tpu.memory_space<vmem_shared>>) dst(%arg9 : memref<128x64xf32, #tpu.memory_space<vmem>>)
    %add3A_206 = arith.constant 128 : i32
    %add3A_207 = arith.addi %add3A_201, %add3A_206 : i32
    %dma_start3A_208 = arith.constant 0 : i32
    %dma_start3A_209 = tpu.memref_slice %arg6[%add3A_207, %dma_start3A_208] : memref<10240x64xf32, #tpu.memory_space<vmem_shared>> -> memref<128x64xf32, #tpu.memory_space<vmem_shared>>
    %dma_start3A_210 = arith.constant 0 : i32
    %dma_start3A_211 = tpu.memref_slice %arg6[%add3A_207, %dma_start3A_210] : memref<10240x64xf32, #tpu.memory_space<vmem_shared>> -> memref<128x64xf32, #tpu.memory_space<vmem_shared>>
    tpu.enqueue_dma source(%dma_start3A_211 : memref<128x64xf32, #tpu.memory_space<vmem_shared>>) target(%arg10 : memref<128x64xf32, #tpu.memory_space<vmem>>) target_semaphore(%arg15 : memref<!tpu.dma_semaphore, #tpu.memory_space<semaphore_mem>>)
    %mul3A_212 = arith.constant 64 : i32
    %mul3A_213 = arith.muli %arg0, %mul3A_212 : i32
    %dma_start3A_214 = tpu.memref_slice %arg4[%add3A_201, %mul3A_213] : memref<10240x128xf32, #tpu.memory_space<hbm>> -> memref<128x64xf32, #tpu.memory_space<hbm>>
    %dma_start3A_215 = tpu.memref_slice %arg4[%add3A_201, %mul3A_213] : memref<10240x128xf32, #tpu.memory_space<hbm>> -> memref<128x64xf32, #tpu.memory_space<hbm>>
    tpu.enqueue_dma source(%arg9 : memref<128x64xf32, #tpu.memory_space<vmem>>) target(%dma_start3A_215 : memref<128x64xf32, #tpu.memory_space<hbm>>) target_semaphore(%arg17 : memref<!tpu.dma_semaphore, #tpu.memory_space<semaphore_mem>>)
    %mul3A_216 = arith.constant 640 : i32
    %mul3A_217 = arith.muli %arg1, %mul3A_216 : i32
    %add3A_218 = arith.constant 384 : i32
    %add3A_219 = arith.addi %mul3A_217, %add3A_218 : i32
    %dma_wait3A_220 = arith.constant 0 : i32
    %dma_wait3A_221 = tpu.memref_slice %arg6[%add3A_219, %dma_wait3A_220] : memref<10240x64xf32, #tpu.memory_space<vmem_shared>> -> memref<128x64xf32, #tpu.memory_space<vmem_shared>>
    %dma_wait3A_222 = arith.constant 0 : i32
    %dma_wait3A_223 = tpu.memref_slice %arg6[%add3A_219, %dma_wait3A_222] : memref<10240x64xf32, #tpu.memory_space<vmem_shared>> -> memref<128x64xf32, #tpu.memory_space<vmem_shared>>
    tpu.wait_dma2 semaphore(%arg15 : memref<!tpu.dma_semaphore, #tpu.memory_space<semaphore_mem>>) src(%dma_wait3A_223 : memref<128x64xf32, #tpu.memory_space<vmem_shared>>) dst(%arg10 : memref<128x64xf32, #tpu.memory_space<vmem>>)
    %mul3A_224 = arith.constant 640 : i32
    %mul3A_225 = arith.muli %arg1, %mul3A_224 : i32
    %mul3A_226 = arith.constant 64 : i32
    %mul3A_227 = arith.muli %arg0, %mul3A_226 : i32
    %dma_wait3A_228 = tpu.memref_slice %arg4[%mul3A_225, %mul3A_227] : memref<10240x128xf32, #tpu.memory_space<hbm>> -> memref<128x64xf32, #tpu.memory_space<hbm>>
    %dma_wait3A_229 = tpu.memref_slice %arg4[%mul3A_225, %mul3A_227] : memref<10240x128xf32, #tpu.memory_space<hbm>> -> memref<128x64xf32, #tpu.memory_space<hbm>>
    tpu.wait_dma2 semaphore(%arg17 : memref<!tpu.dma_semaphore, #tpu.memory_space<semaphore_mem>>) src(%arg7 : memref<128x64xf32, #tpu.memory_space<vmem>>) dst(%dma_wait3A_229 : memref<128x64xf32, #tpu.memory_space<hbm>>)
    %add3A_230 = arith.constant 128 : i32
    %add3A_231 = arith.addi %add3A_219, %add3A_230 : i32
    %dma_start3A_232 = arith.constant 0 : i32
    %dma_start3A_233 = tpu.memref_slice %arg6[%add3A_231, %dma_start3A_232] : memref<10240x64xf32, #tpu.memory_space<vmem_shared>> -> memref<128x64xf32, #tpu.memory_space<vmem_shared>>
    %dma_start3A_234 = arith.constant 0 : i32
    %dma_start3A_235 = tpu.memref_slice %arg6[%add3A_231, %dma_start3A_234] : memref<10240x64xf32, #tpu.memory_space<vmem_shared>> -> memref<128x64xf32, #tpu.memory_space<vmem_shared>>
    tpu.enqueue_dma source(%dma_start3A_235 : memref<128x64xf32, #tpu.memory_space<vmem_shared>>) target(%arg7 : memref<128x64xf32, #tpu.memory_space<vmem>>) target_semaphore(%arg15 : memref<!tpu.dma_semaphore, #tpu.memory_space<semaphore_mem>>)
    %mul3A_236 = arith.constant 64 : i32
    %mul3A_237 = arith.muli %arg0, %mul3A_236 : i32
    %dma_start3A_238 = tpu.memref_slice %arg4[%add3A_219, %mul3A_237] : memref<10240x128xf32, #tpu.memory_space<hbm>> -> memref<128x64xf32, #tpu.memory_space<hbm>>
    %dma_start3A_239 = tpu.memref_slice %arg4[%add3A_219, %mul3A_237] : memref<10240x128xf32, #tpu.memory_space<hbm>> -> memref<128x64xf32, #tpu.memory_space<hbm>>
    tpu.enqueue_dma source(%arg10 : memref<128x64xf32, #tpu.memory_space<vmem>>) target(%dma_start3A_239 : memref<128x64xf32, #tpu.memory_space<hbm>>) target_semaphore(%arg17 : memref<!tpu.dma_semaphore, #tpu.memory_space<semaphore_mem>>)
    %mul3A_240 = arith.constant 640 : i32
    %mul3A_241 = arith.muli %arg1, %mul3A_240 : i32
    %add3A_242 = arith.constant 512 : i32
    %add3A_243 = arith.addi %mul3A_241, %add3A_242 : i32
    %dma_wait3A_244 = arith.constant 0 : i32
    %dma_wait3A_245 = tpu.memref_slice %arg6[%add3A_243, %dma_wait3A_244] : memref<10240x64xf32, #tpu.memory_space<vmem_shared>> -> memref<128x64xf32, #tpu.memory_space<vmem_shared>>
    %dma_wait3A_246 = arith.constant 0 : i32
    %dma_wait3A_247 = tpu.memref_slice %arg6[%add3A_243, %dma_wait3A_246] : memref<10240x64xf32, #tpu.memory_space<vmem_shared>> -> memref<128x64xf32, #tpu.memory_space<vmem_shared>>
    tpu.wait_dma2 semaphore(%arg15 : memref<!tpu.dma_semaphore, #tpu.memory_space<semaphore_mem>>) src(%dma_wait3A_247 : memref<128x64xf32, #tpu.memory_space<vmem_shared>>) dst(%arg7 : memref<128x64xf32, #tpu.memory_space<vmem>>)
    %mul3A_248 = arith.constant 64 : i32
    %mul3A_249 = arith.muli %arg0, %mul3A_248 : i32
    %dma_start3A_250 = tpu.memref_slice %arg4[%add3A_243, %mul3A_249] : memref<10240x128xf32, #tpu.memory_space<hbm>> -> memref<128x64xf32, #tpu.memory_space<hbm>>
    %dma_start3A_251 = tpu.memref_slice %arg4[%add3A_243, %mul3A_249] : memref<10240x128xf32, #tpu.memory_space<hbm>> -> memref<128x64xf32, #tpu.memory_space<hbm>>
    tpu.enqueue_dma source(%arg7 : memref<128x64xf32, #tpu.memory_space<vmem>>) target(%dma_start3A_251 : memref<128x64xf32, #tpu.memory_space<hbm>>) target_semaphore(%arg17 : memref<!tpu.dma_semaphore, #tpu.memory_space<semaphore_mem>>)
    %mul3A_252 = arith.constant 640 : i32
    %mul3A_253 = arith.muli %arg1, %mul3A_252 : i32
    %mul3A_254 = arith.constant 64 : i32
    %mul3A_255 = arith.muli %arg0, %mul3A_254 : i32
    %dma_wait3A_256 = tpu.memref_slice %arg4[%mul3A_253, %mul3A_255] : memref<10240x128xf32, #tpu.memory_space<hbm>> -> memref<128x64xf32, #tpu.memory_space<hbm>>
    %dma_wait3A_257 = tpu.memref_slice %arg4[%mul3A_253, %mul3A_255] : memref<10240x128xf32, #tpu.memory_space<hbm>> -> memref<128x64xf32, #tpu.memory_space<hbm>>
    tpu.wait_dma2 semaphore(%arg17 : memref<!tpu.dma_semaphore, #tpu.memory_space<semaphore_mem>>) src(%arg7 : memref<128x64xf32, #tpu.memory_space<vmem>>) dst(%dma_wait3A_257 : memref<128x64xf32, #tpu.memory_space<hbm>>)
    %mul3A_258 = arith.constant 640 : i32
    %mul3A_259 = arith.muli %arg1, %mul3A_258 : i32
    %mul3A_260 = arith.constant 64 : i32
    %mul3A_261 = arith.muli %arg0, %mul3A_260 : i32
    %dma_wait3A_262 = tpu.memref_slice %arg4[%mul3A_259, %mul3A_261] : memref<10240x128xf32, #tpu.memory_space<hbm>> -> memref<128x64xf32, #tpu.memory_space<hbm>>
    %dma_wait3A_263 = tpu.memref_slice %arg4[%mul3A_259, %mul3A_261] : memref<10240x128xf32, #tpu.memory_space<hbm>> -> memref<128x64xf32, #tpu.memory_space<hbm>>
    tpu.wait_dma2 semaphore(%arg17 : memref<!tpu.dma_semaphore, #tpu.memory_space<semaphore_mem>>) src(%arg7 : memref<128x64xf32, #tpu.memory_space<vmem>>) dst(%dma_wait3A_263 : memref<128x64xf32, #tpu.memory_space<hbm>>)
    %mul3A_264 = arith.constant 640 : i32
    %mul3A_265 = arith.muli %arg1, %mul3A_264 : i32
    %mul3A_266 = arith.constant 64 : i32
    %mul3A_267 = arith.muli %arg0, %mul3A_266 : i32
    %dma_wait3A_268 = tpu.memref_slice %arg4[%mul3A_265, %mul3A_267] : memref<10240x128xf32, #tpu.memory_space<hbm>> -> memref<128x64xf32, #tpu.memory_space<hbm>>
    %dma_wait3A_269 = tpu.memref_slice %arg4[%mul3A_265, %mul3A_267] : memref<10240x128xf32, #tpu.memory_space<hbm>> -> memref<128x64xf32, #tpu.memory_space<hbm>>
    tpu.wait_dma2 semaphore(%arg17 : memref<!tpu.dma_semaphore, #tpu.memory_space<semaphore_mem>>) src(%arg7 : memref<128x64xf32, #tpu.memory_space<vmem>>) dst(%dma_wait3A_269 : memref<128x64xf32, #tpu.memory_space<hbm>>)
    %mul3A_270 = arith.constant 640 : i32
    %mul3A_271 = arith.muli %arg1, %mul3A_270 : i32
    %mul3A_272 = arith.constant 64 : i32
    %mul3A_273 = arith.muli %arg0, %mul3A_272 : i32
    %dma_wait3A_274 = tpu.memref_slice %arg4[%mul3A_271, %mul3A_273] : memref<10240x128xf32, #tpu.memory_space<hbm>> -> memref<128x64xf32, #tpu.memory_space<hbm>>
    %dma_wait3A_275 = tpu.memref_slice %arg4[%mul3A_271, %mul3A_273] : memref<10240x128xf32, #tpu.memory_space<hbm>> -> memref<128x64xf32, #tpu.memory_space<hbm>>
    tpu.wait_dma2 semaphore(%arg17 : memref<!tpu.dma_semaphore, #tpu.memory_space<semaphore_mem>>) src(%arg7 : memref<128x64xf32, #tpu.memory_space<vmem>>) dst(%dma_wait3A_275 : memref<128x64xf32, #tpu.memory_space<hbm>>)
    return
  }
}

#map = affine_map<(d0, d1) -> (0, 0)>
#map1 = affine_map<(d0, d1) -> (0, 0, 0, 0)>
module attributes {stable_mosaic.version = 14 : i64} {
  func.func @_sc_edge_body(%arg0: i32, %arg1: i32, %arg2: memref<10240x128xf32, #tpu.memory_space<hbm>>, %arg3: memref<2x16x158x128xi32, #tpu.memory_space<hbm>>, %arg4: memref<10240x128xf32, #tpu.memory_space<hbm>>, %arg5: memref<10240x64xf32, #tpu.memory_space<vmem_shared>>, %arg6: memref<10240x64xf32, #tpu.memory_space<vmem_shared>>, %arg7: memref<128x64xf32, #tpu.memory_space<vmem>>, %arg8: memref<128x64xf32, #tpu.memory_space<vmem>>, %arg9: memref<128x64xf32, #tpu.memory_space<vmem>>, %arg10: memref<128x64xf32, #tpu.memory_space<vmem>>, %arg11: memref<2x128xi32, #tpu.memory_space<vmem>>, %arg12: memref<2x128xi32, #tpu.memory_space<vmem>>, %arg13: memref<2x128xi32, #tpu.memory_space<vmem>>, %arg14: memref<2x128xi32, #tpu.memory_space<vmem>>, %arg15: memref<!tpu.dma_semaphore, #tpu.memory_space<semaphore_mem>>, %arg16: memref<!tpu.dma_semaphore, #tpu.memory_space<semaphore_mem>>, %arg17: memref<!tpu.dma_semaphore, #tpu.memory_space<semaphore_mem>>, %arg18: memref<!tpu.dma_semaphore, #tpu.memory_space<semaphore_mem>>, %arg19: memref<!tpu.dma_semaphore, #tpu.memory_space<semaphore_mem>>, %arg20: memref<!tpu.dma_semaphore, #tpu.memory_space<semaphore_mem>>, %arg21: memref<!tpu.dma_semaphore, #tpu.memory_space<semaphore_mem>>, %arg22: memref<!tpu.dma_semaphore, #tpu.memory_space<semaphore_mem>>) attributes {dimension_semantics = [#tpu.dimension_semantics<core_parallel>, #tpu.dimension_semantics<subcore_parallel>], iteration_bounds = array<i64: 2, 16>, scalar_prefetch = 0 : i64, scratch_operands = 18 : i64, tpu.core_type = #tpu.core_type<sc_vector_subcore>, window_params = [{transform_indices = #map}, {transform_indices = #map1}, {transform_indices = #map}]} {
    %mul3A = arith.constant 640 : i32
    %mul3A_0 = arith.muli %arg1, %mul3A : i32
    %mul3A_1 = arith.constant 64 : i32
    %mul3A_2 = arith.muli %arg0, %mul3A_1 : i32
    %mul3A_3 = arith.constant 640 : i32
    %mul3A_4 = arith.muli %arg1, %mul3A_3 : i32
    "tpu.region"() ({
      %run_scoped3A = tpu.sem_alloc : memref<!tpu.dma_semaphore, #tpu.memory_space<semaphore_mem>>
      %dma_start3A_276 = arith.constant 0 : i32
      %dma_start3A_277 = tpu.memref_slice %arg5[%mul3A_4, %dma_start3A_276] : memref<10240x64xf32, #tpu.memory_space<vmem_shared>> -> memref<640x64xf32, #tpu.memory_space<vmem_shared>>
      %dma_start3A_278 = tpu.memref_slice %arg2[%mul3A_0, %mul3A_2] : memref<10240x128xf32, #tpu.memory_space<hbm>> -> memref<640x64xf32, #tpu.memory_space<hbm>>
      tpu.enqueue_dma source(%dma_start3A_278 : memref<640x64xf32, #tpu.memory_space<hbm>>) target(%dma_start3A_277 : memref<640x64xf32, #tpu.memory_space<vmem_shared>>) target_semaphore(%run_scoped3A : memref<!tpu.dma_semaphore, #tpu.memory_space<semaphore_mem>>)
      %dma_wait3A_279 = arith.constant 0 : i32
      %dma_wait3A_280 = tpu.memref_slice %arg5[%mul3A_4, %dma_wait3A_279] : memref<10240x64xf32, #tpu.memory_space<vmem_shared>> -> memref<640x64xf32, #tpu.memory_space<vmem_shared>>
      %dma_wait3A_281 = tpu.memref_slice %arg2[%mul3A_0, %mul3A_2] : memref<10240x128xf32, #tpu.memory_space<hbm>> -> memref<640x64xf32, #tpu.memory_space<hbm>>
      tpu.wait_dma2 semaphore(%run_scoped3A : memref<!tpu.dma_semaphore, #tpu.memory_space<semaphore_mem>>) src(%dma_wait3A_281 : memref<640x64xf32, #tpu.memory_space<hbm>>) dst(%dma_wait3A_280 : memref<640x64xf32, #tpu.memory_space<vmem_shared>>)
      tpu.yield
    }) : () -> ()
    %mul3A_5 = arith.constant 640 : i32
    %mul3A_6 = arith.muli %arg1, %mul3A_5 : i32
    %mul3A_7 = arith.constant 64 : i32
    %mul3A_8 = arith.muli %arg0, %mul3A_7 : i32
    %mul3A_9 = arith.constant 640 : i32
    %mul3A_10 = arith.muli %arg1, %mul3A_9 : i32
    "tpu.region"() ({
      %run_scoped3A = tpu.sem_alloc : memref<!tpu.dma_semaphore, #tpu.memory_space<semaphore_mem>>
      %dma_start3A_276 = arith.constant 0 : i32
      %dma_start3A_277 = tpu.memref_slice %arg6[%mul3A_10, %dma_start3A_276] : memref<10240x64xf32, #tpu.memory_space<vmem_shared>> -> memref<640x64xf32, #tpu.memory_space<vmem_shared>>
      %dma_start3A_278 = tpu.memref_slice %arg2[%mul3A_6, %mul3A_8] : memref<10240x128xf32, #tpu.memory_space<hbm>> -> memref<640x64xf32, #tpu.memory_space<hbm>>
      tpu.enqueue_dma source(%dma_start3A_278 : memref<640x64xf32, #tpu.memory_space<hbm>>) target(%dma_start3A_277 : memref<640x64xf32, #tpu.memory_space<vmem_shared>>) target_semaphore(%run_scoped3A : memref<!tpu.dma_semaphore, #tpu.memory_space<semaphore_mem>>)
      %dma_wait3A_279 = arith.constant 0 : i32
      %dma_wait3A_280 = tpu.memref_slice %arg6[%mul3A_10, %dma_wait3A_279] : memref<10240x64xf32, #tpu.memory_space<vmem_shared>> -> memref<640x64xf32, #tpu.memory_space<vmem_shared>>
      %dma_wait3A_281 = tpu.memref_slice %arg2[%mul3A_6, %mul3A_8] : memref<10240x128xf32, #tpu.memory_space<hbm>> -> memref<640x64xf32, #tpu.memory_space<hbm>>
      tpu.wait_dma2 semaphore(%run_scoped3A : memref<!tpu.dma_semaphore, #tpu.memory_space<semaphore_mem>>) src(%dma_wait3A_281 : memref<640x64xf32, #tpu.memory_space<hbm>>) dst(%dma_wait3A_280 : memref<640x64xf32, #tpu.memory_space<vmem_shared>>)
      tpu.yield
    }) : () -> ()
    %barrier3A = arith.constant 0 : index
    tpu.barrier barrier_id(%barrier3A)
    %dma_start3A = arith.constant 0 : i32
    %dma_start3A_11 = arith.constant 0 : i32
    %dma_start3A_12 = arith.constant 0 : i32
    %dma_start3A_13 = tpu.memref_slice %arg3[%dma_start3A, %arg1, %dma_start3A_11, %dma_start3A_12] : memref<2x16x158x128xi32, #tpu.memory_space<hbm>> -> memref<1x1x2x128xi32, #tpu.memory_space<hbm>>
    %dma_start3A_14 = tpu.memref_squeeze %dma_start3A_13 : memref<1x1x2x128xi32, #tpu.memory_space<hbm>> -> memref<2x128xi32, #tpu.memory_space<hbm>>
    %dma_start3A_15 = arith.constant 0 : i32
    %dma_start3A_16 = arith.constant 0 : i32
    %dma_start3A_17 = tpu.memref_slice %arg3[%dma_start3A, %arg1, %dma_start3A_15, %dma_start3A_16] : memref<2x16x158x128xi32, #tpu.memory_space<hbm>> -> memref<1x1x2x128xi32, #tpu.memory_space<hbm>>
    %dma_start3A_18 = tpu.memref_squeeze %dma_start3A_17 : memref<1x1x2x128xi32, #tpu.memory_space<hbm>> -> memref<2x128xi32, #tpu.memory_space<hbm>>
    tpu.enqueue_dma source(%dma_start3A_18 : memref<2x128xi32, #tpu.memory_space<hbm>>) target(%arg11 : memref<2x128xi32, #tpu.memory_space<vmem>>) target_semaphore(%arg19 : memref<!tpu.dma_semaphore, #tpu.memory_space<semaphore_mem>>)
    %dma_start3A_19 = arith.constant 1 : i32
    %dma_start3A_20 = arith.constant 0 : i32
    %dma_start3A_21 = arith.constant 0 : i32
    %dma_start3A_22 = tpu.memref_slice %arg3[%dma_start3A_19, %arg1, %dma_start3A_20, %dma_start3A_21] : memref<2x16x158x128xi32, #tpu.memory_space<hbm>> -> memref<1x1x2x128xi32, #tpu.memory_space<hbm>>
    %dma_start3A_23 = tpu.memref_squeeze %dma_start3A_22 : memref<1x1x2x128xi32, #tpu.memory_space<hbm>> -> memref<2x128xi32, #tpu.memory_space<hbm>>
    %dma_start3A_24 = arith.constant 0 : i32
    %dma_start3A_25 = arith.constant 0 : i32
    %dma_start3A_26 = tpu.memref_slice %arg3[%dma_start3A_19, %arg1, %dma_start3A_24, %dma_start3A_25] : memref<2x16x158x128xi32, #tpu.memory_space<hbm>> -> memref<1x1x2x128xi32, #tpu.memory_space<hbm>>
    %dma_start3A_27 = tpu.memref_squeeze %dma_start3A_26 : memref<1x1x2x128xi32, #tpu.memory_space<hbm>> -> memref<2x128xi32, #tpu.memory_space<hbm>>
    tpu.enqueue_dma source(%dma_start3A_27 : memref<2x128xi32, #tpu.memory_space<hbm>>) target(%arg12 : memref<2x128xi32, #tpu.memory_space<vmem>>) target_semaphore(%arg21 : memref<!tpu.dma_semaphore, #tpu.memory_space<semaphore_mem>>)
    %dma_start3A_28 = arith.constant 0 : i32
    %dma_start3A_29 = arith.constant 2 : i32
    %dma_start3A_30 = arith.constant 0 : i32
    %dma_start3A_31 = tpu.memref_slice %arg3[%dma_start3A_28, %arg1, %dma_start3A_29, %dma_start3A_30] : memref<2x16x158x128xi32, #tpu.memory_space<hbm>> -> memref<1x1x2x128xi32, #tpu.memory_space<hbm>>
    %dma_start3A_32 = tpu.memref_squeeze %dma_start3A_31 : memref<1x1x2x128xi32, #tpu.memory_space<hbm>> -> memref<2x128xi32, #tpu.memory_space<hbm>>
    %dma_start3A_33 = arith.constant 2 : i32
    %dma_start3A_34 = arith.constant 0 : i32
    %dma_start3A_35 = tpu.memref_slice %arg3[%dma_start3A_28, %arg1, %dma_start3A_33, %dma_start3A_34] : memref<2x16x158x128xi32, #tpu.memory_space<hbm>> -> memref<1x1x2x128xi32, #tpu.memory_space<hbm>>
    %dma_start3A_36 = tpu.memref_squeeze %dma_start3A_35 : memref<1x1x2x128xi32, #tpu.memory_space<hbm>> -> memref<2x128xi32, #tpu.memory_space<hbm>>
    tpu.enqueue_dma source(%dma_start3A_36 : memref<2x128xi32, #tpu.memory_space<hbm>>) target(%arg13 : memref<2x128xi32, #tpu.memory_space<vmem>>) target_semaphore(%arg20 : memref<!tpu.dma_semaphore, #tpu.memory_space<semaphore_mem>>)
    %dma_start3A_37 = arith.constant 1 : i32
    %dma_start3A_38 = arith.constant 2 : i32
    %dma_start3A_39 = arith.constant 0 : i32
    %dma_start3A_40 = tpu.memref_slice %arg3[%dma_start3A_37, %arg1, %dma_start3A_38, %dma_start3A_39] : memref<2x16x158x128xi32, #tpu.memory_space<hbm>> -> memref<1x1x2x128xi32, #tpu.memory_space<hbm>>
    %dma_start3A_41 = tpu.memref_squeeze %dma_start3A_40 : memref<1x1x2x128xi32, #tpu.memory_space<hbm>> -> memref<2x128xi32, #tpu.memory_space<hbm>>
    %dma_start3A_42 = arith.constant 2 : i32
    %dma_start3A_43 = arith.constant 0 : i32
    %dma_start3A_44 = tpu.memref_slice %arg3[%dma_start3A_37, %arg1, %dma_start3A_42, %dma_start3A_43] : memref<2x16x158x128xi32, #tpu.memory_space<hbm>> -> memref<1x1x2x128xi32, #tpu.memory_space<hbm>>
    %dma_start3A_45 = tpu.memref_squeeze %dma_start3A_44 : memref<1x1x2x128xi32, #tpu.memory_space<hbm>> -> memref<2x128xi32, #tpu.memory_space<hbm>>
    tpu.enqueue_dma source(%dma_start3A_45 : memref<2x128xi32, #tpu.memory_space<hbm>>) target(%arg14 : memref<2x128xi32, #tpu.memory_space<vmem>>) target_semaphore(%arg22 : memref<!tpu.dma_semaphore, #tpu.memory_space<semaphore_mem>>)
    %dma_wait3A = arith.constant 0 : i32
    %dma_wait3A_46 = arith.constant 0 : i32
    %dma_wait3A_47 = arith.constant 0 : i32
    %dma_wait3A_48 = tpu.memref_slice %arg3[%dma_wait3A, %arg1, %dma_wait3A_46, %dma_wait3A_47] : memref<2x16x158x128xi32, #tpu.memory_space<hbm>> -> memref<1x1x2x128xi32, #tpu.memory_space<hbm>>
    %dma_wait3A_49 = tpu.memref_squeeze %dma_wait3A_48 : memref<1x1x2x128xi32, #tpu.memory_space<hbm>> -> memref<2x128xi32, #tpu.memory_space<hbm>>
    %dma_wait3A_50 = arith.constant 0 : i32
    %dma_wait3A_51 = arith.constant 0 : i32
    %dma_wait3A_52 = tpu.memref_slice %arg3[%dma_wait3A, %arg1, %dma_wait3A_50, %dma_wait3A_51] : memref<2x16x158x128xi32, #tpu.memory_space<hbm>> -> memref<1x1x2x128xi32, #tpu.memory_space<hbm>>
    %dma_wait3A_53 = tpu.memref_squeeze %dma_wait3A_52 : memref<1x1x2x128xi32, #tpu.memory_space<hbm>> -> memref<2x128xi32, #tpu.memory_space<hbm>>
    tpu.wait_dma2 semaphore(%arg19 : memref<!tpu.dma_semaphore, #tpu.memory_space<semaphore_mem>>) src(%dma_wait3A_53 : memref<2x128xi32, #tpu.memory_space<hbm>>) dst(%arg11 : memref<2x128xi32, #tpu.memory_space<vmem>>)
    %dma_start3A_54 = arith.constant 0 : i32
    %dma_start3A_55 = arith.constant 0 : i32
    %dma_start3A_56 = tpu.memref_slice %arg11[%dma_start3A_54, %dma_start3A_55] : memref<2x128xi32, #tpu.memory_space<vmem>> -> memref<1x128xi32, #tpu.memory_space<vmem>>
    %dma_start3A_57 = tpu.memref_squeeze %dma_start3A_56 : memref<1x128xi32, #tpu.memory_space<vmem>> -> memref<128xi32, #tpu.memory_space<vmem>>
    %dma_start3A_58 = arith.constant 0 : i32
    %dma_start3A_59 = arith.constant 0 : i32
    %dma_start3A_60 = tpu.memref_slice %arg5[%dma_start3A_58, %dma_start3A_59] : memref<10240x64xf32, #tpu.memory_space<vmem_shared>> -> memref<10240x64xf32, #tpu.memory_space<vmem_shared>>
    tpu.enqueue_indirect_dma source(%dma_start3A_60 : memref<10240x64xf32, #tpu.memory_space<vmem_shared>>) target(%arg7 : memref<128x64xf32, #tpu.memory_space<vmem>>) offsets(%dma_start3A_57 : memref<128xi32, #tpu.memory_space<vmem>>) semaphore(%arg15 : memref<!tpu.dma_semaphore, #tpu.memory_space<semaphore_mem>>)
    %dma_start3A_61 = arith.constant 1 : i32
    %dma_start3A_62 = arith.constant 0 : i32
    %dma_start3A_63 = tpu.memref_slice %arg11[%dma_start3A_61, %dma_start3A_62] : memref<2x128xi32, #tpu.memory_space<vmem>> -> memref<1x128xi32, #tpu.memory_space<vmem>>
    %dma_start3A_64 = tpu.memref_squeeze %dma_start3A_63 : memref<1x128xi32, #tpu.memory_space<vmem>> -> memref<128xi32, #tpu.memory_space<vmem>>
    %dma_start3A_65 = arith.constant 0 : i32
    %dma_start3A_66 = arith.constant 0 : i32
    %dma_start3A_67 = tpu.memref_slice %arg5[%dma_start3A_65, %dma_start3A_66] : memref<10240x64xf32, #tpu.memory_space<vmem_shared>> -> memref<10240x64xf32, #tpu.memory_space<vmem_shared>>
    tpu.enqueue_indirect_dma source(%dma_start3A_67 : memref<10240x64xf32, #tpu.memory_space<vmem_shared>>) target(%arg8 : memref<128x64xf32, #tpu.memory_space<vmem>>) offsets(%dma_start3A_64 : memref<128xi32, #tpu.memory_space<vmem>>) semaphore(%arg15 : memref<!tpu.dma_semaphore, #tpu.memory_space<semaphore_mem>>)
    %dma_wait3A_68 = arith.constant 0 : i32
    %dma_wait3A_69 = arith.constant 0 : i32
    %dma_wait3A_70 = tpu.memref_slice %arg11[%dma_wait3A_68, %dma_wait3A_69] : memref<2x128xi32, #tpu.memory_space<vmem>> -> memref<1x128xi32, #tpu.memory_space<vmem>>
    %dma_wait3A_71 = tpu.memref_squeeze %dma_wait3A_70 : memref<1x128xi32, #tpu.memory_space<vmem>> -> memref<128xi32, #tpu.memory_space<vmem>>
    %dma_wait3A_72 = arith.constant 0 : i32
    %dma_wait3A_73 = arith.constant 0 : i32
    %dma_wait3A_74 = tpu.memref_slice %arg5[%dma_wait3A_72, %dma_wait3A_73] : memref<10240x64xf32, #tpu.memory_space<vmem_shared>> -> memref<10240x64xf32, #tpu.memory_space<vmem_shared>>
    tpu.wait_indirect_dma semaphore(%arg15 : memref<!tpu.dma_semaphore, #tpu.memory_space<semaphore_mem>>) src(%dma_wait3A_74 : memref<10240x64xf32, #tpu.memory_space<vmem_shared>>) dst(%arg7 : memref<128x64xf32, #tpu.memory_space<vmem>>)
    %dma_wait3A_75 = arith.constant 1 : i32
    %dma_wait3A_76 = arith.constant 0 : i32
    %dma_wait3A_77 = tpu.memref_slice %arg11[%dma_wait3A_75, %dma_wait3A_76] : memref<2x128xi32, #tpu.memory_space<vmem>> -> memref<1x128xi32, #tpu.memory_space<vmem>>
    %dma_wait3A_78 = tpu.memref_squeeze %dma_wait3A_77 : memref<1x128xi32, #tpu.memory_space<vmem>> -> memref<128xi32, #tpu.memory_space<vmem>>
    %dma_wait3A_79 = arith.constant 0 : i32
    %dma_wait3A_80 = arith.constant 0 : i32
    %dma_wait3A_81 = tpu.memref_slice %arg5[%dma_wait3A_79, %dma_wait3A_80] : memref<10240x64xf32, #tpu.memory_space<vmem_shared>> -> memref<10240x64xf32, #tpu.memory_space<vmem_shared>>
    tpu.wait_indirect_dma semaphore(%arg15 : memref<!tpu.dma_semaphore, #tpu.memory_space<semaphore_mem>>) src(%dma_wait3A_81 : memref<10240x64xf32, #tpu.memory_space<vmem_shared>>) dst(%arg8 : memref<128x64xf32, #tpu.memory_space<vmem>>)
    %dma_start3A_82 = arith.constant 0 : i32
    %dma_start3A_83 = arith.constant 4 : i32
    %dma_start3A_84 = arith.constant 0 : i32
    %dma_start3A_85 = tpu.memref_slice %arg3[%dma_start3A_82, %arg1, %dma_start3A_83, %dma_start3A_84] : memref<2x16x158x128xi32, #tpu.memory_space<hbm>> -> memref<1x1x2x128xi32, #tpu.memory_space<hbm>>
    %dma_start3A_86 = tpu.memref_squeeze %dma_start3A_85 : memref<1x1x2x128xi32, #tpu.memory_space<hbm>> -> memref<2x128xi32, #tpu.memory_space<hbm>>
    %dma_start3A_87 = arith.constant 4 : i32
    %dma_start3A_88 = arith.constant 0 : i32
    %dma_start3A_89 = tpu.memref_slice %arg3[%dma_start3A_82, %arg1, %dma_start3A_87, %dma_start3A_88] : memref<2x16x158x128xi32, #tpu.memory_space<hbm>> -> memref<1x1x2x128xi32, #tpu.memory_space<hbm>>
    %dma_start3A_90 = tpu.memref_squeeze %dma_start3A_89 : memref<1x1x2x128xi32, #tpu.memory_space<hbm>> -> memref<2x128xi32, #tpu.memory_space<hbm>>
    tpu.enqueue_dma source(%dma_start3A_90 : memref<2x128xi32, #tpu.memory_space<hbm>>) target(%arg11 : memref<2x128xi32, #tpu.memory_space<vmem>>) target_semaphore(%arg19 : memref<!tpu.dma_semaphore, #tpu.memory_space<semaphore_mem>>)
    %dma_wait3A_91 = arith.constant 1 : i32
    %dma_wait3A_92 = arith.constant 0 : i32
    %dma_wait3A_93 = arith.constant 0 : i32
    %dma_wait3A_94 = tpu.memref_slice %arg3[%dma_wait3A_91, %arg1, %dma_wait3A_92, %dma_wait3A_93] : memref<2x16x158x128xi32, #tpu.memory_space<hbm>> -> memref<1x1x2x128xi32, #tpu.memory_space<hbm>>
    %dma_wait3A_95 = tpu.memref_squeeze %dma_wait3A_94 : memref<1x1x2x128xi32, #tpu.memory_space<hbm>> -> memref<2x128xi32, #tpu.memory_space<hbm>>
    %dma_wait3A_96 = arith.constant 0 : i32
    %dma_wait3A_97 = arith.constant 0 : i32
    %dma_wait3A_98 = tpu.memref_slice %arg3[%dma_wait3A_91, %arg1, %dma_wait3A_96, %dma_wait3A_97] : memref<2x16x158x128xi32, #tpu.memory_space<hbm>> -> memref<1x1x2x128xi32, #tpu.memory_space<hbm>>
    %dma_wait3A_99 = tpu.memref_squeeze %dma_wait3A_98 : memref<1x1x2x128xi32, #tpu.memory_space<hbm>> -> memref<2x128xi32, #tpu.memory_space<hbm>>
    tpu.wait_dma2 semaphore(%arg21 : memref<!tpu.dma_semaphore, #tpu.memory_space<semaphore_mem>>) src(%dma_wait3A_99 : memref<2x128xi32, #tpu.memory_space<hbm>>) dst(%arg12 : memref<2x128xi32, #tpu.memory_space<vmem>>)
    %dma_start3A_100 = arith.constant 0 : i32
    %dma_start3A_101 = arith.constant 0 : i32
    %dma_start3A_102 = tpu.memref_slice %arg12[%dma_start3A_100, %dma_start3A_101] : memref<2x128xi32, #tpu.memory_space<vmem>> -> memref<1x128xi32, #tpu.memory_space<vmem>>
    %dma_start3A_103 = tpu.memref_squeeze %dma_start3A_102 : memref<1x128xi32, #tpu.memory_space<vmem>> -> memref<128xi32, #tpu.memory_space<vmem>>
    %dma_start3A_104 = arith.constant 0 : i32
    %dma_start3A_105 = arith.constant 0 : i32
    %dma_start3A_106 = tpu.memref_slice %arg6[%dma_start3A_104, %dma_start3A_105] : memref<10240x64xf32, #tpu.memory_space<vmem_shared>> -> memref<10240x64xf32, #tpu.memory_space<vmem_shared>>
    tpu.enqueue_indirect_dma source(%arg7 : memref<128x64xf32, #tpu.memory_space<vmem>>) target(%dma_start3A_106 : memref<10240x64xf32, #tpu.memory_space<vmem_shared>>) offsets(%dma_start3A_103 : memref<128xi32, #tpu.memory_space<vmem>>) semaphore(%arg17 : memref<!tpu.dma_semaphore, #tpu.memory_space<semaphore_mem>>) {add = true}
    %dma_start3A_107 = arith.constant 1 : i32
    %dma_start3A_108 = arith.constant 0 : i32
    %dma_start3A_109 = tpu.memref_slice %arg12[%dma_start3A_107, %dma_start3A_108] : memref<2x128xi32, #tpu.memory_space<vmem>> -> memref<1x128xi32, #tpu.memory_space<vmem>>
    %dma_start3A_110 = tpu.memref_squeeze %dma_start3A_109 : memref<1x128xi32, #tpu.memory_space<vmem>> -> memref<128xi32, #tpu.memory_space<vmem>>
    %dma_start3A_111 = arith.constant 0 : i32
    %dma_start3A_112 = arith.constant 0 : i32
    %dma_start3A_113 = tpu.memref_slice %arg6[%dma_start3A_111, %dma_start3A_112] : memref<10240x64xf32, #tpu.memory_space<vmem_shared>> -> memref<10240x64xf32, #tpu.memory_space<vmem_shared>>
    tpu.enqueue_indirect_dma source(%arg8 : memref<128x64xf32, #tpu.memory_space<vmem>>) target(%dma_start3A_113 : memref<10240x64xf32, #tpu.memory_space<vmem_shared>>) offsets(%dma_start3A_110 : memref<128xi32, #tpu.memory_space<vmem>>) semaphore(%arg17 : memref<!tpu.dma_semaphore, #tpu.memory_space<semaphore_mem>>) {add = true}
    %dma_wait3A_114 = arith.constant 0 : i32
    %dma_wait3A_115 = arith.constant 2 : i32
    %dma_wait3A_116 = arith.constant 0 : i32
    %dma_wait3A_117 = tpu.memref_slice %arg3[%dma_wait3A_114, %arg1, %dma_wait3A_115, %dma_wait3A_116] : memref<2x16x158x128xi32, #tpu.memory_space<hbm>> -> memref<1x1x2x128xi32, #tpu.memory_space<hbm>>
    %dma_wait3A_118 = tpu.memref_squeeze %dma_wait3A_117 : memref<1x1x2x128xi32, #tpu.memory_space<hbm>> -> memref<2x128xi32, #tpu.memory_space<hbm>>
    %dma_wait3A_119 = arith.constant 2 : i32
    %dma_wait3A_120 = arith.constant 0 : i32
    %dma_wait3A_121 = tpu.memref_slice %arg3[%dma_wait3A_114, %arg1, %dma_wait3A_119, %dma_wait3A_120] : memref<2x16x158x128xi32, #tpu.memory_space<hbm>> -> memref<1x1x2x128xi32, #tpu.memory_space<hbm>>
    %dma_wait3A_122 = tpu.memref_squeeze %dma_wait3A_121 : memref<1x1x2x128xi32, #tpu.memory_space<hbm>> -> memref<2x128xi32, #tpu.memory_space<hbm>>
    tpu.wait_dma2 semaphore(%arg20 : memref<!tpu.dma_semaphore, #tpu.memory_space<semaphore_mem>>) src(%dma_wait3A_122 : memref<2x128xi32, #tpu.memory_space<hbm>>) dst(%arg13 : memref<2x128xi32, #tpu.memory_space<vmem>>)
    %dma_start3A_123 = arith.constant 0 : i32
    %dma_start3A_124 = arith.constant 0 : i32
    %dma_start3A_125 = tpu.memref_slice %arg13[%dma_start3A_123, %dma_start3A_124] : memref<2x128xi32, #tpu.memory_space<vmem>> -> memref<1x128xi32, #tpu.memory_space<vmem>>
    %dma_start3A_126 = tpu.memref_squeeze %dma_start3A_125 : memref<1x128xi32, #tpu.memory_space<vmem>> -> memref<128xi32, #tpu.memory_space<vmem>>
    %dma_start3A_127 = arith.constant 0 : i32
    %dma_start3A_128 = arith.constant 0 : i32
    %dma_start3A_129 = tpu.memref_slice %arg5[%dma_start3A_127, %dma_start3A_128] : memref<10240x64xf32, #tpu.memory_space<vmem_shared>> -> memref<10240x64xf32, #tpu.memory_space<vmem_shared>>
    tpu.enqueue_indirect_dma source(%dma_start3A_129 : memref<10240x64xf32, #tpu.memory_space<vmem_shared>>) target(%arg9 : memref<128x64xf32, #tpu.memory_space<vmem>>) offsets(%dma_start3A_126 : memref<128xi32, #tpu.memory_space<vmem>>) semaphore(%arg16 : memref<!tpu.dma_semaphore, #tpu.memory_space<semaphore_mem>>)
    %dma_start3A_130 = arith.constant 1 : i32
    %dma_start3A_131 = arith.constant 0 : i32
    %dma_start3A_132 = tpu.memref_slice %arg13[%dma_start3A_130, %dma_start3A_131] : memref<2x128xi32, #tpu.memory_space<vmem>> -> memref<1x128xi32, #tpu.memory_space<vmem>>
    %dma_start3A_133 = tpu.memref_squeeze %dma_start3A_132 : memref<1x128xi32, #tpu.memory_space<vmem>> -> memref<128xi32, #tpu.memory_space<vmem>>
    %dma_start3A_134 = arith.constant 0 : i32
    %dma_start3A_135 = arith.constant 0 : i32
    %dma_start3A_136 = tpu.memref_slice %arg5[%dma_start3A_134, %dma_start3A_135] : memref<10240x64xf32, #tpu.memory_space<vmem_shared>> -> memref<10240x64xf32, #tpu.memory_space<vmem_shared>>
    tpu.enqueue_indirect_dma source(%dma_start3A_136 : memref<10240x64xf32, #tpu.memory_space<vmem_shared>>) target(%arg10 : memref<128x64xf32, #tpu.memory_space<vmem>>) offsets(%dma_start3A_133 : memref<128xi32, #tpu.memory_space<vmem>>) semaphore(%arg16 : memref<!tpu.dma_semaphore, #tpu.memory_space<semaphore_mem>>)
    %scan3A = arith.constant 0 : i32
    %scan3A_137 = arith.constant 0 : i32
    %scan3A_138 = arith.constant 39 : i32
    %scan3A_139 = arith.addi %scan3A_137, %scan3A_138 : i32
    %scan3A_140 = arith.constant 1 : i32
    scf.for %scan3A_276 = %scan3A_137 to %scan3A_139 step %scan3A_140  : i32 {
      %mul3A_277 = arith.constant 2 : i32
      %mul3A_278 = arith.muli %mul3A_277, %scan3A_276 : i32
      %add3A_279 = arith.constant 1 : i32
      %add3A_280 = arith.addi %mul3A_278, %add3A_279 : i32
      %mul3A_281 = arith.constant 2 : i32
      %mul3A_282 = arith.muli %mul3A_281, %add3A_280 : i32
      %dma_wait3A_283 = arith.constant 0 : i32
      %dma_wait3A_284 = arith.constant 0 : i32
      %dma_wait3A_285 = tpu.memref_slice %arg13[%dma_wait3A_283, %dma_wait3A_284] : memref<2x128xi32, #tpu.memory_space<vmem>> -> memref<1x128xi32, #tpu.memory_space<vmem>>
      %dma_wait3A_286 = tpu.memref_squeeze %dma_wait3A_285 : memref<1x128xi32, #tpu.memory_space<vmem>> -> memref<128xi32, #tpu.memory_space<vmem>>
      %dma_wait3A_287 = arith.constant 0 : i32
      %dma_wait3A_288 = arith.constant 0 : i32
      %dma_wait3A_289 = tpu.memref_slice %arg5[%dma_wait3A_287, %dma_wait3A_288] : memref<10240x64xf32, #tpu.memory_space<vmem_shared>> -> memref<10240x64xf32, #tpu.memory_space<vmem_shared>>
      tpu.wait_indirect_dma semaphore(%arg16 : memref<!tpu.dma_semaphore, #tpu.memory_space<semaphore_mem>>) src(%dma_wait3A_289 : memref<10240x64xf32, #tpu.memory_space<vmem_shared>>) dst(%arg9 : memref<128x64xf32, #tpu.memory_space<vmem>>)
      %dma_wait3A_290 = arith.constant 1 : i32
      %dma_wait3A_291 = arith.constant 0 : i32
      %dma_wait3A_292 = tpu.memref_slice %arg13[%dma_wait3A_290, %dma_wait3A_291] : memref<2x128xi32, #tpu.memory_space<vmem>> -> memref<1x128xi32, #tpu.memory_space<vmem>>
      %dma_wait3A_293 = tpu.memref_squeeze %dma_wait3A_292 : memref<1x128xi32, #tpu.memory_space<vmem>> -> memref<128xi32, #tpu.memory_space<vmem>>
      %dma_wait3A_294 = arith.constant 0 : i32
      %dma_wait3A_295 = arith.constant 0 : i32
      %dma_wait3A_296 = tpu.memref_slice %arg5[%dma_wait3A_294, %dma_wait3A_295] : memref<10240x64xf32, #tpu.memory_space<vmem_shared>> -> memref<10240x64xf32, #tpu.memory_space<vmem_shared>>
      tpu.wait_indirect_dma semaphore(%arg16 : memref<!tpu.dma_semaphore, #tpu.memory_space<semaphore_mem>>) src(%dma_wait3A_296 : memref<10240x64xf32, #tpu.memory_space<vmem_shared>>) dst(%arg10 : memref<128x64xf32, #tpu.memory_space<vmem>>)
      %add3A_297 = arith.constant 4 : i32
      %add3A_298 = arith.addi %mul3A_282, %add3A_297 : i32
      %lt3A = arith.constant 158 : i32
      %lt3A_299 = arith.cmpi slt, %add3A_298, %lt3A : i32
      %convert_element_type3A = arith.extui %lt3A_299 : i1 to i32
      %cond3A = arith.constant 0 : i32
      %cond3A_300 = arith.cmpi ne, %convert_element_type3A, %cond3A : i32
      scf.if %cond3A_300 {
        %add3A_426 = arith.constant 2 : i32
        %add3A_427 = arith.addi %add3A_280, %add3A_426 : i32
        %mul3A_428 = arith.constant 2 : i32
        %mul3A_429 = arith.muli %mul3A_428, %add3A_427 : i32
        %dma_start3A_430 = arith.constant 0 : i32
        %dma_start3A_431 = arith.constant 0 : i32
        %dma_start3A_432 = tpu.memref_slice %arg3[%dma_start3A_430, %arg1, %mul3A_429, %dma_start3A_431] : memref<2x16x158x128xi32, #tpu.memory_space<hbm>> -> memref<1x1x2x128xi32, #tpu.memory_space<hbm>>
        %dma_start3A_433 = tpu.memref_squeeze %dma_start3A_432 : memref<1x1x2x128xi32, #tpu.memory_space<hbm>> -> memref<2x128xi32, #tpu.memory_space<hbm>>
        %dma_start3A_434 = arith.constant 0 : i32
        %dma_start3A_435 = tpu.memref_slice %arg3[%dma_start3A_430, %arg1, %mul3A_429, %dma_start3A_434] : memref<2x16x158x128xi32, #tpu.memory_space<hbm>> -> memref<1x1x2x128xi32, #tpu.memory_space<hbm>>
        %dma_start3A_436 = tpu.memref_squeeze %dma_start3A_435 : memref<1x1x2x128xi32, #tpu.memory_space<hbm>> -> memref<2x128xi32, #tpu.memory_space<hbm>>
        tpu.enqueue_dma source(%dma_start3A_436 : memref<2x128xi32, #tpu.memory_space<hbm>>) target(%arg13 : memref<2x128xi32, #tpu.memory_space<vmem>>) target_semaphore(%arg20 : memref<!tpu.dma_semaphore, #tpu.memory_space<semaphore_mem>>)
      } else {
      }
      %dma_wait3A_301 = arith.constant 1 : i32
      %dma_wait3A_302 = arith.constant 0 : i32
      %dma_wait3A_303 = tpu.memref_slice %arg3[%dma_wait3A_301, %arg1, %mul3A_282, %dma_wait3A_302] : memref<2x16x158x128xi32, #tpu.memory_space<hbm>> -> memref<1x1x2x128xi32, #tpu.memory_space<hbm>>
      %dma_wait3A_304 = tpu.memref_squeeze %dma_wait3A_303 : memref<1x1x2x128xi32, #tpu.memory_space<hbm>> -> memref<2x128xi32, #tpu.memory_space<hbm>>
      %dma_wait3A_305 = arith.constant 0 : i32
      %dma_wait3A_306 = tpu.memref_slice %arg3[%dma_wait3A_301, %arg1, %mul3A_282, %dma_wait3A_305] : memref<2x16x158x128xi32, #tpu.memory_space<hbm>> -> memref<1x1x2x128xi32, #tpu.memory_space<hbm>>
      %dma_wait3A_307 = tpu.memref_squeeze %dma_wait3A_306 : memref<1x1x2x128xi32, #tpu.memory_space<hbm>> -> memref<2x128xi32, #tpu.memory_space<hbm>>
      tpu.wait_dma2 semaphore(%arg22 : memref<!tpu.dma_semaphore, #tpu.memory_space<semaphore_mem>>) src(%dma_wait3A_307 : memref<2x128xi32, #tpu.memory_space<hbm>>) dst(%arg14 : memref<2x128xi32, #tpu.memory_space<vmem>>)
      %dma_start3A_308 = arith.constant 0 : i32
      %dma_start3A_309 = arith.constant 0 : i32
      %dma_start3A_310 = tpu.memref_slice %arg14[%dma_start3A_308, %dma_start3A_309] : memref<2x128xi32, #tpu.memory_space<vmem>> -> memref<1x128xi32, #tpu.memory_space<vmem>>
      %dma_start3A_311 = tpu.memref_squeeze %dma_start3A_310 : memref<1x128xi32, #tpu.memory_space<vmem>> -> memref<128xi32, #tpu.memory_space<vmem>>
      %dma_start3A_312 = arith.constant 0 : i32
      %dma_start3A_313 = arith.constant 0 : i32
      %dma_start3A_314 = tpu.memref_slice %arg6[%dma_start3A_312, %dma_start3A_313] : memref<10240x64xf32, #tpu.memory_space<vmem_shared>> -> memref<10240x64xf32, #tpu.memory_space<vmem_shared>>
      tpu.enqueue_indirect_dma source(%arg9 : memref<128x64xf32, #tpu.memory_space<vmem>>) target(%dma_start3A_314 : memref<10240x64xf32, #tpu.memory_space<vmem_shared>>) offsets(%dma_start3A_311 : memref<128xi32, #tpu.memory_space<vmem>>) semaphore(%arg18 : memref<!tpu.dma_semaphore, #tpu.memory_space<semaphore_mem>>) {add = true}
      %dma_start3A_315 = arith.constant 1 : i32
      %dma_start3A_316 = arith.constant 0 : i32
      %dma_start3A_317 = tpu.memref_slice %arg14[%dma_start3A_315, %dma_start3A_316] : memref<2x128xi32, #tpu.memory_space<vmem>> -> memref<1x128xi32, #tpu.memory_space<vmem>>
      %dma_start3A_318 = tpu.memref_squeeze %dma_start3A_317 : memref<1x128xi32, #tpu.memory_space<vmem>> -> memref<128xi32, #tpu.memory_space<vmem>>
      %dma_start3A_319 = arith.constant 0 : i32
      %dma_start3A_320 = arith.constant 0 : i32
      %dma_start3A_321 = tpu.memref_slice %arg6[%dma_start3A_319, %dma_start3A_320] : memref<10240x64xf32, #tpu.memory_space<vmem_shared>> -> memref<10240x64xf32, #tpu.memory_space<vmem_shared>>
      tpu.enqueue_indirect_dma source(%arg10 : memref<128x64xf32, #tpu.memory_space<vmem>>) target(%dma_start3A_321 : memref<10240x64xf32, #tpu.memory_space<vmem_shared>>) offsets(%dma_start3A_318 : memref<128xi32, #tpu.memory_space<vmem>>) semaphore(%arg18 : memref<!tpu.dma_semaphore, #tpu.memory_space<semaphore_mem>>) {add = true}
      %dma_wait3A_322 = arith.constant 0 : i32
      %dma_wait3A_323 = arith.constant 0 : i32
      %dma_wait3A_324 = tpu.memref_slice %arg12[%dma_wait3A_322, %dma_wait3A_323] : memref<2x128xi32, #tpu.memory_space<vmem>> -> memref<1x128xi32, #tpu.memory_space<vmem>>
      %dma_wait3A_325 = tpu.memref_squeeze %dma_wait3A_324 : memref<1x128xi32, #tpu.memory_space<vmem>> -> memref<128xi32, #tpu.memory_space<vmem>>
      %dma_wait3A_326 = arith.constant 0 : i32
      %dma_wait3A_327 = arith.constant 0 : i32
      %dma_wait3A_328 = tpu.memref_slice %arg6[%dma_wait3A_326, %dma_wait3A_327] : memref<10240x64xf32, #tpu.memory_space<vmem_shared>> -> memref<10240x64xf32, #tpu.memory_space<vmem_shared>>
      tpu.wait_indirect_dma semaphore(%arg17 : memref<!tpu.dma_semaphore, #tpu.memory_space<semaphore_mem>>) src(%arg7 : memref<128x64xf32, #tpu.memory_space<vmem>>) dst(%dma_wait3A_328 : memref<10240x64xf32, #tpu.memory_space<vmem_shared>>)
      %dma_wait3A_329 = arith.constant 1 : i32
      %dma_wait3A_330 = arith.constant 0 : i32
      %dma_wait3A_331 = tpu.memref_slice %arg12[%dma_wait3A_329, %dma_wait3A_330] : memref<2x128xi32, #tpu.memory_space<vmem>> -> memref<1x128xi32, #tpu.memory_space<vmem>>
      %dma_wait3A_332 = tpu.memref_squeeze %dma_wait3A_331 : memref<1x128xi32, #tpu.memory_space<vmem>> -> memref<128xi32, #tpu.memory_space<vmem>>
      %dma_wait3A_333 = arith.constant 0 : i32
      %dma_wait3A_334 = arith.constant 0 : i32
      %dma_wait3A_335 = tpu.memref_slice %arg6[%dma_wait3A_333, %dma_wait3A_334] : memref<10240x64xf32, #tpu.memory_space<vmem_shared>> -> memref<10240x64xf32, #tpu.memory_space<vmem_shared>>
      tpu.wait_indirect_dma semaphore(%arg17 : memref<!tpu.dma_semaphore, #tpu.memory_space<semaphore_mem>>) src(%arg8 : memref<128x64xf32, #tpu.memory_space<vmem>>) dst(%dma_wait3A_335 : memref<10240x64xf32, #tpu.memory_space<vmem_shared>>)
      %add3A_336 = arith.constant 2 : i32
      %add3A_337 = arith.addi %mul3A_282, %add3A_336 : i32
      %lt3A_338 = arith.constant 158 : i32
      %lt3A_339 = arith.cmpi slt, %add3A_337, %lt3A_338 : i32
      %convert_element_type3A_340 = arith.extui %lt3A_339 : i1 to i32
      %cond3A_341 = arith.constant 0 : i32
      %cond3A_342 = arith.cmpi ne, %convert_element_type3A_340, %cond3A_341 : i32
      scf.if %cond3A_342 {
        %add3A_426 = arith.constant 2 : i32
        %add3A_427 = arith.addi %mul3A_282, %add3A_426 : i32
        %dma_wait3A_428 = arith.constant 0 : i32
        %dma_wait3A_429 = arith.constant 0 : i32
        %dma_wait3A_430 = tpu.memref_slice %arg3[%dma_wait3A_428, %arg1, %add3A_427, %dma_wait3A_429] : memref<2x16x158x128xi32, #tpu.memory_space<hbm>> -> memref<1x1x2x128xi32, #tpu.memory_space<hbm>>
        %dma_wait3A_431 = tpu.memref_squeeze %dma_wait3A_430 : memref<1x1x2x128xi32, #tpu.memory_space<hbm>> -> memref<2x128xi32, #tpu.memory_space<hbm>>
        %dma_wait3A_432 = arith.constant 0 : i32
        %dma_wait3A_433 = tpu.memref_slice %arg3[%dma_wait3A_428, %arg1, %add3A_427, %dma_wait3A_432] : memref<2x16x158x128xi32, #tpu.memory_space<hbm>> -> memref<1x1x2x128xi32, #tpu.memory_space<hbm>>
        %dma_wait3A_434 = tpu.memref_squeeze %dma_wait3A_433 : memref<1x1x2x128xi32, #tpu.memory_space<hbm>> -> memref<2x128xi32, #tpu.memory_space<hbm>>
        tpu.wait_dma2 semaphore(%arg19 : memref<!tpu.dma_semaphore, #tpu.memory_space<semaphore_mem>>) src(%dma_wait3A_434 : memref<2x128xi32, #tpu.memory_space<hbm>>) dst(%arg11 : memref<2x128xi32, #tpu.memory_space<vmem>>)
        %dma_start3A_435 = arith.constant 0 : i32
        %dma_start3A_436 = arith.constant 0 : i32
        %dma_start3A_437 = tpu.memref_slice %arg11[%dma_start3A_435, %dma_start3A_436] : memref<2x128xi32, #tpu.memory_space<vmem>> -> memref<1x128xi32, #tpu.memory_space<vmem>>
        %dma_start3A_438 = tpu.memref_squeeze %dma_start3A_437 : memref<1x128xi32, #tpu.memory_space<vmem>> -> memref<128xi32, #tpu.memory_space<vmem>>
        %dma_start3A_439 = arith.constant 0 : i32
        %dma_start3A_440 = arith.constant 0 : i32
        %dma_start3A_441 = tpu.memref_slice %arg5[%dma_start3A_439, %dma_start3A_440] : memref<10240x64xf32, #tpu.memory_space<vmem_shared>> -> memref<10240x64xf32, #tpu.memory_space<vmem_shared>>
        tpu.enqueue_indirect_dma source(%dma_start3A_441 : memref<10240x64xf32, #tpu.memory_space<vmem_shared>>) target(%arg7 : memref<128x64xf32, #tpu.memory_space<vmem>>) offsets(%dma_start3A_438 : memref<128xi32, #tpu.memory_space<vmem>>) semaphore(%arg15 : memref<!tpu.dma_semaphore, #tpu.memory_space<semaphore_mem>>)
        %dma_start3A_442 = arith.constant 1 : i32
        %dma_start3A_443 = arith.constant 0 : i32
        %dma_start3A_444 = tpu.memref_slice %arg11[%dma_start3A_442, %dma_start3A_443] : memref<2x128xi32, #tpu.memory_space<vmem>> -> memref<1x128xi32, #tpu.memory_space<vmem>>
        %dma_start3A_445 = tpu.memref_squeeze %dma_start3A_444 : memref<1x128xi32, #tpu.memory_space<vmem>> -> memref<128xi32, #tpu.memory_space<vmem>>
        %dma_start3A_446 = arith.constant 0 : i32
        %dma_start3A_447 = arith.constant 0 : i32
        %dma_start3A_448 = tpu.memref_slice %arg5[%dma_start3A_446, %dma_start3A_447] : memref<10240x64xf32, #tpu.memory_space<vmem_shared>> -> memref<10240x64xf32, #tpu.memory_space<vmem_shared>>
        tpu.enqueue_indirect_dma source(%dma_start3A_448 : memref<10240x64xf32, #tpu.memory_space<vmem_shared>>) target(%arg8 : memref<128x64xf32, #tpu.memory_space<vmem>>) offsets(%dma_start3A_445 : memref<128xi32, #tpu.memory_space<vmem>>) semaphore(%arg15 : memref<!tpu.dma_semaphore, #tpu.memory_space<semaphore_mem>>)
      } else {
      }
      %add3A_343 = arith.constant 2 : i32
      %add3A_344 = arith.addi %mul3A_282, %add3A_343 : i32
      %lt3A_345 = arith.constant 158 : i32
      %lt3A_346 = arith.cmpi slt, %add3A_344, %lt3A_345 : i32
      %convert_element_type3A_347 = arith.extui %lt3A_346 : i1 to i32
      %cond3A_348 = arith.constant 0 : i32
      %cond3A_349 = arith.cmpi ne, %convert_element_type3A_347, %cond3A_348 : i32
      scf.if %cond3A_349 {
        %add3A_426 = arith.constant 1 : i32
        %add3A_427 = arith.addi %add3A_280, %add3A_426 : i32
        %mul3A_428 = arith.constant 2 : i32
        %mul3A_429 = arith.muli %mul3A_428, %add3A_427 : i32
        %dma_start3A_430 = arith.constant 1 : i32
        %dma_start3A_431 = arith.constant 0 : i32
        %dma_start3A_432 = tpu.memref_slice %arg3[%dma_start3A_430, %arg1, %mul3A_429, %dma_start3A_431] : memref<2x16x158x128xi32, #tpu.memory_space<hbm>> -> memref<1x1x2x128xi32, #tpu.memory_space<hbm>>
        %dma_start3A_433 = tpu.memref_squeeze %dma_start3A_432 : memref<1x1x2x128xi32, #tpu.memory_space<hbm>> -> memref<2x128xi32, #tpu.memory_space<hbm>>
        %dma_start3A_434 = arith.constant 0 : i32
        %dma_start3A_435 = tpu.memref_slice %arg3[%dma_start3A_430, %arg1, %mul3A_429, %dma_start3A_434] : memref<2x16x158x128xi32, #tpu.memory_space<hbm>> -> memref<1x1x2x128xi32, #tpu.memory_space<hbm>>
        %dma_start3A_436 = tpu.memref_squeeze %dma_start3A_435 : memref<1x1x2x128xi32, #tpu.memory_space<hbm>> -> memref<2x128xi32, #tpu.memory_space<hbm>>
        tpu.enqueue_dma source(%dma_start3A_436 : memref<2x128xi32, #tpu.memory_space<hbm>>) target(%arg12 : memref<2x128xi32, #tpu.memory_space<vmem>>) target_semaphore(%arg21 : memref<!tpu.dma_semaphore, #tpu.memory_space<semaphore_mem>>)
      } else {
      }
      %mul3A_350 = arith.constant 2 : i32
      %mul3A_351 = arith.muli %mul3A_350, %scan3A_276 : i32
      %add3A_352 = arith.constant 2 : i32
      %add3A_353 = arith.addi %mul3A_351, %add3A_352 : i32
      %mul3A_354 = arith.constant 2 : i32
      %mul3A_355 = arith.muli %mul3A_354, %add3A_353 : i32
      %dma_wait3A_356 = arith.constant 0 : i32
      %dma_wait3A_357 = arith.constant 0 : i32
      %dma_wait3A_358 = tpu.memref_slice %arg11[%dma_wait3A_356, %dma_wait3A_357] : memref<2x128xi32, #tpu.memory_space<vmem>> -> memref<1x128xi32, #tpu.memory_space<vmem>>
      %dma_wait3A_359 = tpu.memref_squeeze %dma_wait3A_358 : memref<1x128xi32, #tpu.memory_space<vmem>> -> memref<128xi32, #tpu.memory_space<vmem>>
      %dma_wait3A_360 = arith.constant 0 : i32
      %dma_wait3A_361 = arith.constant 0 : i32
      %dma_wait3A_362 = tpu.memref_slice %arg5[%dma_wait3A_360, %dma_wait3A_361] : memref<10240x64xf32, #tpu.memory_space<vmem_shared>> -> memref<10240x64xf32, #tpu.memory_space<vmem_shared>>
      tpu.wait_indirect_dma semaphore(%arg15 : memref<!tpu.dma_semaphore, #tpu.memory_space<semaphore_mem>>) src(%dma_wait3A_362 : memref<10240x64xf32, #tpu.memory_space<vmem_shared>>) dst(%arg7 : memref<128x64xf32, #tpu.memory_space<vmem>>)
      %dma_wait3A_363 = arith.constant 1 : i32
      %dma_wait3A_364 = arith.constant 0 : i32
      %dma_wait3A_365 = tpu.memref_slice %arg11[%dma_wait3A_363, %dma_wait3A_364] : memref<2x128xi32, #tpu.memory_space<vmem>> -> memref<1x128xi32, #tpu.memory_space<vmem>>
      %dma_wait3A_366 = tpu.memref_squeeze %dma_wait3A_365 : memref<1x128xi32, #tpu.memory_space<vmem>> -> memref<128xi32, #tpu.memory_space<vmem>>
      %dma_wait3A_367 = arith.constant 0 : i32
      %dma_wait3A_368 = arith.constant 0 : i32
      %dma_wait3A_369 = tpu.memref_slice %arg5[%dma_wait3A_367, %dma_wait3A_368] : memref<10240x64xf32, #tpu.memory_space<vmem_shared>> -> memref<10240x64xf32, #tpu.memory_space<vmem_shared>>
      tpu.wait_indirect_dma semaphore(%arg15 : memref<!tpu.dma_semaphore, #tpu.memory_space<semaphore_mem>>) src(%dma_wait3A_369 : memref<10240x64xf32, #tpu.memory_space<vmem_shared>>) dst(%arg8 : memref<128x64xf32, #tpu.memory_space<vmem>>)
      %add3A_370 = arith.constant 4 : i32
      %add3A_371 = arith.addi %mul3A_355, %add3A_370 : i32
      %lt3A_372 = arith.constant 158 : i32
      %lt3A_373 = arith.cmpi slt, %add3A_371, %lt3A_372 : i32
      %convert_element_type3A_374 = arith.extui %lt3A_373 : i1 to i32
      %cond3A_375 = arith.constant 0 : i32
      %cond3A_376 = arith.cmpi ne, %convert_element_type3A_374, %cond3A_375 : i32
      scf.if %cond3A_376 {
        %add3A_426 = arith.constant 2 : i32
        %add3A_427 = arith.addi %add3A_353, %add3A_426 : i32
        %mul3A_428 = arith.constant 2 : i32
        %mul3A_429 = arith.muli %mul3A_428, %add3A_427 : i32
        %dma_start3A_430 = arith.constant 0 : i32
        %dma_start3A_431 = arith.constant 0 : i32
        %dma_start3A_432 = tpu.memref_slice %arg3[%dma_start3A_430, %arg1, %mul3A_429, %dma_start3A_431] : memref<2x16x158x128xi32, #tpu.memory_space<hbm>> -> memref<1x1x2x128xi32, #tpu.memory_space<hbm>>
        %dma_start3A_433 = tpu.memref_squeeze %dma_start3A_432 : memref<1x1x2x128xi32, #tpu.memory_space<hbm>> -> memref<2x128xi32, #tpu.memory_space<hbm>>
        %dma_start3A_434 = arith.constant 0 : i32
        %dma_start3A_435 = tpu.memref_slice %arg3[%dma_start3A_430, %arg1, %mul3A_429, %dma_start3A_434] : memref<2x16x158x128xi32, #tpu.memory_space<hbm>> -> memref<1x1x2x128xi32, #tpu.memory_space<hbm>>
        %dma_start3A_436 = tpu.memref_squeeze %dma_start3A_435 : memref<1x1x2x128xi32, #tpu.memory_space<hbm>> -> memref<2x128xi32, #tpu.memory_space<hbm>>
        tpu.enqueue_dma source(%dma_start3A_436 : memref<2x128xi32, #tpu.memory_space<hbm>>) target(%arg11 : memref<2x128xi32, #tpu.memory_space<vmem>>) target_semaphore(%arg19 : memref<!tpu.dma_semaphore, #tpu.memory_space<semaphore_mem>>)
      } else {
      }
      %dma_wait3A_377 = arith.constant 1 : i32
      %dma_wait3A_378 = arith.constant 0 : i32
      %dma_wait3A_379 = tpu.memref_slice %arg3[%dma_wait3A_377, %arg1, %mul3A_355, %dma_wait3A_378] : memref<2x16x158x128xi32, #tpu.memory_space<hbm>> -> memref<1x1x2x128xi32, #tpu.memory_space<hbm>>
      %dma_wait3A_380 = tpu.memref_squeeze %dma_wait3A_379 : memref<1x1x2x128xi32, #tpu.memory_space<hbm>> -> memref<2x128xi32, #tpu.memory_space<hbm>>
      %dma_wait3A_381 = arith.constant 0 : i32
      %dma_wait3A_382 = tpu.memref_slice %arg3[%dma_wait3A_377, %arg1, %mul3A_355, %dma_wait3A_381] : memref<2x16x158x128xi32, #tpu.memory_space<hbm>> -> memref<1x1x2x128xi32, #tpu.memory_space<hbm>>
      %dma_wait3A_383 = tpu.memref_squeeze %dma_wait3A_382 : memref<1x1x2x128xi32, #tpu.memory_space<hbm>> -> memref<2x128xi32, #tpu.memory_space<hbm>>
      tpu.wait_dma2 semaphore(%arg21 : memref<!tpu.dma_semaphore, #tpu.memory_space<semaphore_mem>>) src(%dma_wait3A_383 : memref<2x128xi32, #tpu.memory_space<hbm>>) dst(%arg12 : memref<2x128xi32, #tpu.memory_space<vmem>>)
      %dma_start3A_384 = arith.constant 0 : i32
      %dma_start3A_385 = arith.constant 0 : i32
      %dma_start3A_386 = tpu.memref_slice %arg12[%dma_start3A_384, %dma_start3A_385] : memref<2x128xi32, #tpu.memory_space<vmem>> -> memref<1x128xi32, #tpu.memory_space<vmem>>
      %dma_start3A_387 = tpu.memref_squeeze %dma_start3A_386 : memref<1x128xi32, #tpu.memory_space<vmem>> -> memref<128xi32, #tpu.memory_space<vmem>>
      %dma_start3A_388 = arith.constant 0 : i32
      %dma_start3A_389 = arith.constant 0 : i32
      %dma_start3A_390 = tpu.memref_slice %arg6[%dma_start3A_388, %dma_start3A_389] : memref<10240x64xf32, #tpu.memory_space<vmem_shared>> -> memref<10240x64xf32, #tpu.memory_space<vmem_shared>>
      tpu.enqueue_indirect_dma source(%arg7 : memref<128x64xf32, #tpu.memory_space<vmem>>) target(%dma_start3A_390 : memref<10240x64xf32, #tpu.memory_space<vmem_shared>>) offsets(%dma_start3A_387 : memref<128xi32, #tpu.memory_space<vmem>>) semaphore(%arg17 : memref<!tpu.dma_semaphore, #tpu.memory_space<semaphore_mem>>) {add = true}
      %dma_start3A_391 = arith.constant 1 : i32
      %dma_start3A_392 = arith.constant 0 : i32
      %dma_start3A_393 = tpu.memref_slice %arg12[%dma_start3A_391, %dma_start3A_392] : memref<2x128xi32, #tpu.memory_space<vmem>> -> memref<1x128xi32, #tpu.memory_space<vmem>>
      %dma_start3A_394 = tpu.memref_squeeze %dma_start3A_393 : memref<1x128xi32, #tpu.memory_space<vmem>> -> memref<128xi32, #tpu.memory_space<vmem>>
      %dma_start3A_395 = arith.constant 0 : i32
      %dma_start3A_396 = arith.constant 0 : i32
      %dma_start3A_397 = tpu.memref_slice %arg6[%dma_start3A_395, %dma_start3A_396] : memref<10240x64xf32, #tpu.memory_space<vmem_shared>> -> memref<10240x64xf32, #tpu.memory_space<vmem_shared>>
      tpu.enqueue_indirect_dma source(%arg8 : memref<128x64xf32, #tpu.memory_space<vmem>>) target(%dma_start3A_397 : memref<10240x64xf32, #tpu.memory_space<vmem_shared>>) offsets(%dma_start3A_394 : memref<128xi32, #tpu.memory_space<vmem>>) semaphore(%arg17 : memref<!tpu.dma_semaphore, #tpu.memory_space<semaphore_mem>>) {add = true}
      %dma_wait3A_398 = arith.constant 0 : i32
      %dma_wait3A_399 = arith.constant 0 : i32
      %dma_wait3A_400 = tpu.memref_slice %arg14[%dma_wait3A_398, %dma_wait3A_399] : memref<2x128xi32, #tpu.memory_space<vmem>> -> memref<1x128xi32, #tpu.memory_space<vmem>>
      %dma_wait3A_401 = tpu.memref_squeeze %dma_wait3A_400 : memref<1x128xi32, #tpu.memory_space<vmem>> -> memref<128xi32, #tpu.memory_space<vmem>>
      %dma_wait3A_402 = arith.constant 0 : i32
      %dma_wait3A_403 = arith.constant 0 : i32
      %dma_wait3A_404 = tpu.memref_slice %arg6[%dma_wait3A_402, %dma_wait3A_403] : memref<10240x64xf32, #tpu.memory_space<vmem_shared>> -> memref<10240x64xf32, #tpu.memory_space<vmem_shared>>
      tpu.wait_indirect_dma semaphore(%arg18 : memref<!tpu.dma_semaphore, #tpu.memory_space<semaphore_mem>>) src(%arg9 : memref<128x64xf32, #tpu.memory_space<vmem>>) dst(%dma_wait3A_404 : memref<10240x64xf32, #tpu.memory_space<vmem_shared>>)
      %dma_wait3A_405 = arith.constant 1 : i32
      %dma_wait3A_406 = arith.constant 0 : i32
      %dma_wait3A_407 = tpu.memref_slice %arg14[%dma_wait3A_405, %dma_wait3A_406] : memref<2x128xi32, #tpu.memory_space<vmem>> -> memref<1x128xi32, #tpu.memory_space<vmem>>
      %dma_wait3A_408 = tpu.memref_squeeze %dma_wait3A_407 : memref<1x128xi32, #tpu.memory_space<vmem>> -> memref<128xi32, #tpu.memory_space<vmem>>
      %dma_wait3A_409 = arith.constant 0 : i32
      %dma_wait3A_410 = arith.constant 0 : i32
      %dma_wait3A_411 = tpu.memref_slice %arg6[%dma_wait3A_409, %dma_wait3A_410] : memref<10240x64xf32, #tpu.memory_space<vmem_shared>> -> memref<10240x64xf32, #tpu.memory_space<vmem_shared>>
      tpu.wait_indirect_dma semaphore(%arg18 : memref<!tpu.dma_semaphore, #tpu.memory_space<semaphore_mem>>) src(%arg10 : memref<128x64xf32, #tpu.memory_space<vmem>>) dst(%dma_wait3A_411 : memref<10240x64xf32, #tpu.memory_space<vmem_shared>>)
      %add3A_412 = arith.constant 2 : i32
      %add3A_413 = arith.addi %mul3A_355, %add3A_412 : i32
      %lt3A_414 = arith.constant 158 : i32
      %lt3A_415 = arith.cmpi slt, %add3A_413, %lt3A_414 : i32
      %convert_element_type3A_416 = arith.extui %lt3A_415 : i1 to i32
      %cond3A_417 = arith.constant 0 : i32
      %cond3A_418 = arith.cmpi ne, %convert_element_type3A_416, %cond3A_417 : i32
      scf.if %cond3A_418 {
        %add3A_426 = arith.constant 2 : i32
        %add3A_427 = arith.addi %mul3A_355, %add3A_426 : i32
        %dma_wait3A_428 = arith.constant 0 : i32
        %dma_wait3A_429 = arith.constant 0 : i32
        %dma_wait3A_430 = tpu.memref_slice %arg3[%dma_wait3A_428, %arg1, %add3A_427, %dma_wait3A_429] : memref<2x16x158x128xi32, #tpu.memory_space<hbm>> -> memref<1x1x2x128xi32, #tpu.memory_space<hbm>>
        %dma_wait3A_431 = tpu.memref_squeeze %dma_wait3A_430 : memref<1x1x2x128xi32, #tpu.memory_space<hbm>> -> memref<2x128xi32, #tpu.memory_space<hbm>>
        %dma_wait3A_432 = arith.constant 0 : i32
        %dma_wait3A_433 = tpu.memref_slice %arg3[%dma_wait3A_428, %arg1, %add3A_427, %dma_wait3A_432] : memref<2x16x158x128xi32, #tpu.memory_space<hbm>> -> memref<1x1x2x128xi32, #tpu.memory_space<hbm>>
        %dma_wait3A_434 = tpu.memref_squeeze %dma_wait3A_433 : memref<1x1x2x128xi32, #tpu.memory_space<hbm>> -> memref<2x128xi32, #tpu.memory_space<hbm>>
        tpu.wait_dma2 semaphore(%arg20 : memref<!tpu.dma_semaphore, #tpu.memory_space<semaphore_mem>>) src(%dma_wait3A_434 : memref<2x128xi32, #tpu.memory_space<hbm>>) dst(%arg13 : memref<2x128xi32, #tpu.memory_space<vmem>>)
        %dma_start3A_435 = arith.constant 0 : i32
        %dma_start3A_436 = arith.constant 0 : i32
        %dma_start3A_437 = tpu.memref_slice %arg13[%dma_start3A_435, %dma_start3A_436] : memref<2x128xi32, #tpu.memory_space<vmem>> -> memref<1x128xi32, #tpu.memory_space<vmem>>
        %dma_start3A_438 = tpu.memref_squeeze %dma_start3A_437 : memref<1x128xi32, #tpu.memory_space<vmem>> -> memref<128xi32, #tpu.memory_space<vmem>>
        %dma_start3A_439 = arith.constant 0 : i32
        %dma_start3A_440 = arith.constant 0 : i32
        %dma_start3A_441 = tpu.memref_slice %arg5[%dma_start3A_439, %dma_start3A_440] : memref<10240x64xf32, #tpu.memory_space<vmem_shared>> -> memref<10240x64xf32, #tpu.memory_space<vmem_shared>>
        tpu.enqueue_indirect_dma source(%dma_start3A_441 : memref<10240x64xf32, #tpu.memory_space<vmem_shared>>) target(%arg9 : memref<128x64xf32, #tpu.memory_space<vmem>>) offsets(%dma_start3A_438 : memref<128xi32, #tpu.memory_space<vmem>>) semaphore(%arg16 : memref<!tpu.dma_semaphore, #tpu.memory_space<semaphore_mem>>)
        %dma_start3A_442 = arith.constant 1 : i32
        %dma_start3A_443 = arith.constant 0 : i32
        %dma_start3A_444 = tpu.memref_slice %arg13[%dma_start3A_442, %dma_start3A_443] : memref<2x128xi32, #tpu.memory_space<vmem>> -> memref<1x128xi32, #tpu.memory_space<vmem>>
        %dma_start3A_445 = tpu.memref_squeeze %dma_start3A_444 : memref<1x128xi32, #tpu.memory_space<vmem>> -> memref<128xi32, #tpu.memory_space<vmem>>
        %dma_start3A_446 = arith.constant 0 : i32
        %dma_start3A_447 = arith.constant 0 : i32
        %dma_start3A_448 = tpu.memref_slice %arg5[%dma_start3A_446, %dma_start3A_447] : memref<10240x64xf32, #tpu.memory_space<vmem_shared>> -> memref<10240x64xf32, #tpu.memory_space<vmem_shared>>
        tpu.enqueue_indirect_dma source(%dma_start3A_448 : memref<10240x64xf32, #tpu.memory_space<vmem_shared>>) target(%arg10 : memref<128x64xf32, #tpu.memory_space<vmem>>) offsets(%dma_start3A_445 : memref<128xi32, #tpu.memory_space<vmem>>) semaphore(%arg16 : memref<!tpu.dma_semaphore, #tpu.memory_space<semaphore_mem>>)
      } else {
      }
      %add3A_419 = arith.constant 2 : i32
      %add3A_420 = arith.addi %mul3A_355, %add3A_419 : i32
      %lt3A_421 = arith.constant 158 : i32
      %lt3A_422 = arith.cmpi slt, %add3A_420, %lt3A_421 : i32
      %convert_element_type3A_423 = arith.extui %lt3A_422 : i1 to i32
      %cond3A_424 = arith.constant 0 : i32
      %cond3A_425 = arith.cmpi ne, %convert_element_type3A_423, %cond3A_424 : i32
      scf.if %cond3A_425 {
        %add3A_426 = arith.constant 1 : i32
        %add3A_427 = arith.addi %add3A_353, %add3A_426 : i32
        %mul3A_428 = arith.constant 2 : i32
        %mul3A_429 = arith.muli %mul3A_428, %add3A_427 : i32
        %dma_start3A_430 = arith.constant 1 : i32
        %dma_start3A_431 = arith.constant 0 : i32
        %dma_start3A_432 = tpu.memref_slice %arg3[%dma_start3A_430, %arg1, %mul3A_429, %dma_start3A_431] : memref<2x16x158x128xi32, #tpu.memory_space<hbm>> -> memref<1x1x2x128xi32, #tpu.memory_space<hbm>>
        %dma_start3A_433 = tpu.memref_squeeze %dma_start3A_432 : memref<1x1x2x128xi32, #tpu.memory_space<hbm>> -> memref<2x128xi32, #tpu.memory_space<hbm>>
        %dma_start3A_434 = arith.constant 0 : i32
        %dma_start3A_435 = tpu.memref_slice %arg3[%dma_start3A_430, %arg1, %mul3A_429, %dma_start3A_434] : memref<2x16x158x128xi32, #tpu.memory_space<hbm>> -> memref<1x1x2x128xi32, #tpu.memory_space<hbm>>
        %dma_start3A_436 = tpu.memref_squeeze %dma_start3A_435 : memref<1x1x2x128xi32, #tpu.memory_space<hbm>> -> memref<2x128xi32, #tpu.memory_space<hbm>>
        tpu.enqueue_dma source(%dma_start3A_436 : memref<2x128xi32, #tpu.memory_space<hbm>>) target(%arg14 : memref<2x128xi32, #tpu.memory_space<vmem>>) target_semaphore(%arg22 : memref<!tpu.dma_semaphore, #tpu.memory_space<semaphore_mem>>)
      } else {
      }
    }
    %scan3A_141 = arith.constant 39 : i32
    %dma_wait3A_142 = arith.constant 0 : i32
    %dma_wait3A_143 = arith.constant 0 : i32
    %dma_wait3A_144 = tpu.memref_slice %arg12[%dma_wait3A_142, %dma_wait3A_143] : memref<2x128xi32, #tpu.memory_space<vmem>> -> memref<1x128xi32, #tpu.memory_space<vmem>>
    %dma_wait3A_145 = tpu.memref_squeeze %dma_wait3A_144 : memref<1x128xi32, #tpu.memory_space<vmem>> -> memref<128xi32, #tpu.memory_space<vmem>>
    %dma_wait3A_146 = arith.constant 0 : i32
    %dma_wait3A_147 = arith.constant 0 : i32
    %dma_wait3A_148 = tpu.memref_slice %arg6[%dma_wait3A_146, %dma_wait3A_147] : memref<10240x64xf32, #tpu.memory_space<vmem_shared>> -> memref<10240x64xf32, #tpu.memory_space<vmem_shared>>
    tpu.wait_indirect_dma semaphore(%arg17 : memref<!tpu.dma_semaphore, #tpu.memory_space<semaphore_mem>>) src(%arg7 : memref<128x64xf32, #tpu.memory_space<vmem>>) dst(%dma_wait3A_148 : memref<10240x64xf32, #tpu.memory_space<vmem_shared>>)
    %dma_wait3A_149 = arith.constant 1 : i32
    %dma_wait3A_150 = arith.constant 0 : i32
    %dma_wait3A_151 = tpu.memref_slice %arg12[%dma_wait3A_149, %dma_wait3A_150] : memref<2x128xi32, #tpu.memory_space<vmem>> -> memref<1x128xi32, #tpu.memory_space<vmem>>
    %dma_wait3A_152 = tpu.memref_squeeze %dma_wait3A_151 : memref<1x128xi32, #tpu.memory_space<vmem>> -> memref<128xi32, #tpu.memory_space<vmem>>
    %dma_wait3A_153 = arith.constant 0 : i32
    %dma_wait3A_154 = arith.constant 0 : i32
    %dma_wait3A_155 = tpu.memref_slice %arg6[%dma_wait3A_153, %dma_wait3A_154] : memref<10240x64xf32, #tpu.memory_space<vmem_shared>> -> memref<10240x64xf32, #tpu.memory_space<vmem_shared>>
    tpu.wait_indirect_dma semaphore(%arg17 : memref<!tpu.dma_semaphore, #tpu.memory_space<semaphore_mem>>) src(%arg8 : memref<128x64xf32, #tpu.memory_space<vmem>>) dst(%dma_wait3A_155 : memref<10240x64xf32, #tpu.memory_space<vmem_shared>>)
    %barrier3A_156 = arith.constant 0 : index
    tpu.barrier barrier_id(%barrier3A_156)
    %mul3A_157 = arith.constant 640 : i32
    %mul3A_158 = arith.muli %arg1, %mul3A_157 : i32
    %dma_start3A_159 = arith.constant 0 : i32
    %dma_start3A_160 = tpu.memref_slice %arg6[%mul3A_158, %dma_start3A_159] : memref<10240x64xf32, #tpu.memory_space<vmem_shared>> -> memref<128x64xf32, #tpu.memory_space<vmem_shared>>
    %dma_start3A_161 = arith.constant 0 : i32
    %dma_start3A_162 = tpu.memref_slice %arg6[%mul3A_158, %dma_start3A_161] : memref<10240x64xf32, #tpu.memory_space<vmem_shared>> -> memref<128x64xf32, #tpu.memory_space<vmem_shared>>
    tpu.enqueue_dma source(%dma_start3A_162 : memref<128x64xf32, #tpu.memory_space<vmem_shared>>) target(%arg7 : memref<128x64xf32, #tpu.memory_space<vmem>>) target_semaphore(%arg15 : memref<!tpu.dma_semaphore, #tpu.memory_space<semaphore_mem>>)
    %mul3A_163 = arith.constant 640 : i32
    %mul3A_164 = arith.muli %arg1, %mul3A_163 : i32
    %add3A = arith.constant 0 : i32
    %add3A_165 = arith.addi %mul3A_164, %add3A : i32
    %dma_wait3A_166 = arith.constant 0 : i32
    %dma_wait3A_167 = tpu.memref_slice %arg6[%add3A_165, %dma_wait3A_166] : memref<10240x64xf32, #tpu.memory_space<vmem_shared>> -> memref<128x64xf32, #tpu.memory_space<vmem_shared>>
    %dma_wait3A_168 = arith.constant 0 : i32
    %dma_wait3A_169 = tpu.memref_slice %arg6[%add3A_165, %dma_wait3A_168] : memref<10240x64xf32, #tpu.memory_space<vmem_shared>> -> memref<128x64xf32, #tpu.memory_space<vmem_shared>>
    tpu.wait_dma2 semaphore(%arg15 : memref<!tpu.dma_semaphore, #tpu.memory_space<semaphore_mem>>) src(%dma_wait3A_169 : memref<128x64xf32, #tpu.memory_space<vmem_shared>>) dst(%arg7 : memref<128x64xf32, #tpu.memory_space<vmem>>)
    %add3A_170 = arith.constant 128 : i32
    %add3A_171 = arith.addi %add3A_165, %add3A_170 : i32
    %dma_start3A_172 = arith.constant 0 : i32
    %dma_start3A_173 = tpu.memref_slice %arg6[%add3A_171, %dma_start3A_172] : memref<10240x64xf32, #tpu.memory_space<vmem_shared>> -> memref<128x64xf32, #tpu.memory_space<vmem_shared>>
    %dma_start3A_174 = arith.constant 0 : i32
    %dma_start3A_175 = tpu.memref_slice %arg6[%add3A_171, %dma_start3A_174] : memref<10240x64xf32, #tpu.memory_space<vmem_shared>> -> memref<128x64xf32, #tpu.memory_space<vmem_shared>>
    tpu.enqueue_dma source(%dma_start3A_175 : memref<128x64xf32, #tpu.memory_space<vmem_shared>>) target(%arg8 : memref<128x64xf32, #tpu.memory_space<vmem>>) target_semaphore(%arg15 : memref<!tpu.dma_semaphore, #tpu.memory_space<semaphore_mem>>)
    %mul3A_176 = arith.constant 64 : i32
    %mul3A_177 = arith.muli %arg0, %mul3A_176 : i32
    %dma_start3A_178 = tpu.memref_slice %arg4[%add3A_165, %mul3A_177] : memref<10240x128xf32, #tpu.memory_space<hbm>> -> memref<128x64xf32, #tpu.memory_space<hbm>>
    %dma_start3A_179 = tpu.memref_slice %arg4[%add3A_165, %mul3A_177] : memref<10240x128xf32, #tpu.memory_space<hbm>> -> memref<128x64xf32, #tpu.memory_space<hbm>>
    tpu.enqueue_dma source(%arg7 : memref<128x64xf32, #tpu.memory_space<vmem>>) target(%dma_start3A_179 : memref<128x64xf32, #tpu.memory_space<hbm>>) target_semaphore(%arg17 : memref<!tpu.dma_semaphore, #tpu.memory_space<semaphore_mem>>)
    %mul3A_180 = arith.constant 640 : i32
    %mul3A_181 = arith.muli %arg1, %mul3A_180 : i32
    %add3A_182 = arith.constant 128 : i32
    %add3A_183 = arith.addi %mul3A_181, %add3A_182 : i32
    %dma_wait3A_184 = arith.constant 0 : i32
    %dma_wait3A_185 = tpu.memref_slice %arg6[%add3A_183, %dma_wait3A_184] : memref<10240x64xf32, #tpu.memory_space<vmem_shared>> -> memref<128x64xf32, #tpu.memory_space<vmem_shared>>
    %dma_wait3A_186 = arith.constant 0 : i32
    %dma_wait3A_187 = tpu.memref_slice %arg6[%add3A_183, %dma_wait3A_186] : memref<10240x64xf32, #tpu.memory_space<vmem_shared>> -> memref<128x64xf32, #tpu.memory_space<vmem_shared>>
    tpu.wait_dma2 semaphore(%arg15 : memref<!tpu.dma_semaphore, #tpu.memory_space<semaphore_mem>>) src(%dma_wait3A_187 : memref<128x64xf32, #tpu.memory_space<vmem_shared>>) dst(%arg8 : memref<128x64xf32, #tpu.memory_space<vmem>>)
    %add3A_188 = arith.constant 128 : i32
    %add3A_189 = arith.addi %add3A_183, %add3A_188 : i32
    %dma_start3A_190 = arith.constant 0 : i32
    %dma_start3A_191 = tpu.memref_slice %arg6[%add3A_189, %dma_start3A_190] : memref<10240x64xf32, #tpu.memory_space<vmem_shared>> -> memref<128x64xf32, #tpu.memory_space<vmem_shared>>
    %dma_start3A_192 = arith.constant 0 : i32
    %dma_start3A_193 = tpu.memref_slice %arg6[%add3A_189, %dma_start3A_192] : memref<10240x64xf32, #tpu.memory_space<vmem_shared>> -> memref<128x64xf32, #tpu.memory_space<vmem_shared>>
    tpu.enqueue_dma source(%dma_start3A_193 : memref<128x64xf32, #tpu.memory_space<vmem_shared>>) target(%arg9 : memref<128x64xf32, #tpu.memory_space<vmem>>) target_semaphore(%arg15 : memref<!tpu.dma_semaphore, #tpu.memory_space<semaphore_mem>>)
    %mul3A_194 = arith.constant 64 : i32
    %mul3A_195 = arith.muli %arg0, %mul3A_194 : i32
    %dma_start3A_196 = tpu.memref_slice %arg4[%add3A_183, %mul3A_195] : memref<10240x128xf32, #tpu.memory_space<hbm>> -> memref<128x64xf32, #tpu.memory_space<hbm>>
    %dma_start3A_197 = tpu.memref_slice %arg4[%add3A_183, %mul3A_195] : memref<10240x128xf32, #tpu.memory_space<hbm>> -> memref<128x64xf32, #tpu.memory_space<hbm>>
    tpu.enqueue_dma source(%arg8 : memref<128x64xf32, #tpu.memory_space<vmem>>) target(%dma_start3A_197 : memref<128x64xf32, #tpu.memory_space<hbm>>) target_semaphore(%arg17 : memref<!tpu.dma_semaphore, #tpu.memory_space<semaphore_mem>>)
    %mul3A_198 = arith.constant 640 : i32
    %mul3A_199 = arith.muli %arg1, %mul3A_198 : i32
    %add3A_200 = arith.constant 256 : i32
    %add3A_201 = arith.addi %mul3A_199, %add3A_200 : i32
    %dma_wait3A_202 = arith.constant 0 : i32
    %dma_wait3A_203 = tpu.memref_slice %arg6[%add3A_201, %dma_wait3A_202] : memref<10240x64xf32, #tpu.memory_space<vmem_shared>> -> memref<128x64xf32, #tpu.memory_space<vmem_shared>>
    %dma_wait3A_204 = arith.constant 0 : i32
    %dma_wait3A_205 = tpu.memref_slice %arg6[%add3A_201, %dma_wait3A_204] : memref<10240x64xf32, #tpu.memory_space<vmem_shared>> -> memref<128x64xf32, #tpu.memory_space<vmem_shared>>
    tpu.wait_dma2 semaphore(%arg15 : memref<!tpu.dma_semaphore, #tpu.memory_space<semaphore_mem>>) src(%dma_wait3A_205 : memref<128x64xf32, #tpu.memory_space<vmem_shared>>) dst(%arg9 : memref<128x64xf32, #tpu.memory_space<vmem>>)
    %add3A_206 = arith.constant 128 : i32
    %add3A_207 = arith.addi %add3A_201, %add3A_206 : i32
    %dma_start3A_208 = arith.constant 0 : i32
    %dma_start3A_209 = tpu.memref_slice %arg6[%add3A_207, %dma_start3A_208] : memref<10240x64xf32, #tpu.memory_space<vmem_shared>> -> memref<128x64xf32, #tpu.memory_space<vmem_shared>>
    %dma_start3A_210 = arith.constant 0 : i32
    %dma_start3A_211 = tpu.memref_slice %arg6[%add3A_207, %dma_start3A_210] : memref<10240x64xf32, #tpu.memory_space<vmem_shared>> -> memref<128x64xf32, #tpu.memory_space<vmem_shared>>
    tpu.enqueue_dma source(%dma_start3A_211 : memref<128x64xf32, #tpu.memory_space<vmem_shared>>) target(%arg10 : memref<128x64xf32, #tpu.memory_space<vmem>>) target_semaphore(%arg15 : memref<!tpu.dma_semaphore, #tpu.memory_space<semaphore_mem>>)
    %mul3A_212 = arith.constant 64 : i32
    %mul3A_213 = arith.muli %arg0, %mul3A_212 : i32
    %dma_start3A_214 = tpu.memref_slice %arg4[%add3A_201, %mul3A_213] : memref<10240x128xf32, #tpu.memory_space<hbm>> -> memref<128x64xf32, #tpu.memory_space<hbm>>
    %dma_start3A_215 = tpu.memref_slice %arg4[%add3A_201, %mul3A_213] : memref<10240x128xf32, #tpu.memory_space<hbm>> -> memref<128x64xf32, #tpu.memory_space<hbm>>
    tpu.enqueue_dma source(%arg9 : memref<128x64xf32, #tpu.memory_space<vmem>>) target(%dma_start3A_215 : memref<128x64xf32, #tpu.memory_space<hbm>>) target_semaphore(%arg17 : memref<!tpu.dma_semaphore, #tpu.memory_space<semaphore_mem>>)
    %mul3A_216 = arith.constant 640 : i32
    %mul3A_217 = arith.muli %arg1, %mul3A_216 : i32
    %add3A_218 = arith.constant 384 : i32
    %add3A_219 = arith.addi %mul3A_217, %add3A_218 : i32
    %dma_wait3A_220 = arith.constant 0 : i32
    %dma_wait3A_221 = tpu.memref_slice %arg6[%add3A_219, %dma_wait3A_220] : memref<10240x64xf32, #tpu.memory_space<vmem_shared>> -> memref<128x64xf32, #tpu.memory_space<vmem_shared>>
    %dma_wait3A_222 = arith.constant 0 : i32
    %dma_wait3A_223 = tpu.memref_slice %arg6[%add3A_219, %dma_wait3A_222] : memref<10240x64xf32, #tpu.memory_space<vmem_shared>> -> memref<128x64xf32, #tpu.memory_space<vmem_shared>>
    tpu.wait_dma2 semaphore(%arg15 : memref<!tpu.dma_semaphore, #tpu.memory_space<semaphore_mem>>) src(%dma_wait3A_223 : memref<128x64xf32, #tpu.memory_space<vmem_shared>>) dst(%arg10 : memref<128x64xf32, #tpu.memory_space<vmem>>)
    %mul3A_224 = arith.constant 640 : i32
    %mul3A_225 = arith.muli %arg1, %mul3A_224 : i32
    %mul3A_226 = arith.constant 64 : i32
    %mul3A_227 = arith.muli %arg0, %mul3A_226 : i32
    %dma_wait3A_228 = tpu.memref_slice %arg4[%mul3A_225, %mul3A_227] : memref<10240x128xf32, #tpu.memory_space<hbm>> -> memref<128x64xf32, #tpu.memory_space<hbm>>
    %dma_wait3A_229 = tpu.memref_slice %arg4[%mul3A_225, %mul3A_227] : memref<10240x128xf32, #tpu.memory_space<hbm>> -> memref<128x64xf32, #tpu.memory_space<hbm>>
    tpu.wait_dma2 semaphore(%arg17 : memref<!tpu.dma_semaphore, #tpu.memory_space<semaphore_mem>>) src(%arg7 : memref<128x64xf32, #tpu.memory_space<vmem>>) dst(%dma_wait3A_229 : memref<128x64xf32, #tpu.memory_space<hbm>>)
    %add3A_230 = arith.constant 128 : i32
    %add3A_231 = arith.addi %add3A_219, %add3A_230 : i32
    %dma_start3A_232 = arith.constant 0 : i32
    %dma_start3A_233 = tpu.memref_slice %arg6[%add3A_231, %dma_start3A_232] : memref<10240x64xf32, #tpu.memory_space<vmem_shared>> -> memref<128x64xf32, #tpu.memory_space<vmem_shared>>
    %dma_start3A_234 = arith.constant 0 : i32
    %dma_start3A_235 = tpu.memref_slice %arg6[%add3A_231, %dma_start3A_234] : memref<10240x64xf32, #tpu.memory_space<vmem_shared>> -> memref<128x64xf32, #tpu.memory_space<vmem_shared>>
    tpu.enqueue_dma source(%dma_start3A_235 : memref<128x64xf32, #tpu.memory_space<vmem_shared>>) target(%arg7 : memref<128x64xf32, #tpu.memory_space<vmem>>) target_semaphore(%arg15 : memref<!tpu.dma_semaphore, #tpu.memory_space<semaphore_mem>>)
    %mul3A_236 = arith.constant 64 : i32
    %mul3A_237 = arith.muli %arg0, %mul3A_236 : i32
    %dma_start3A_238 = tpu.memref_slice %arg4[%add3A_219, %mul3A_237] : memref<10240x128xf32, #tpu.memory_space<hbm>> -> memref<128x64xf32, #tpu.memory_space<hbm>>
    %dma_start3A_239 = tpu.memref_slice %arg4[%add3A_219, %mul3A_237] : memref<10240x128xf32, #tpu.memory_space<hbm>> -> memref<128x64xf32, #tpu.memory_space<hbm>>
    tpu.enqueue_dma source(%arg10 : memref<128x64xf32, #tpu.memory_space<vmem>>) target(%dma_start3A_239 : memref<128x64xf32, #tpu.memory_space<hbm>>) target_semaphore(%arg17 : memref<!tpu.dma_semaphore, #tpu.memory_space<semaphore_mem>>)
    %mul3A_240 = arith.constant 640 : i32
    %mul3A_241 = arith.muli %arg1, %mul3A_240 : i32
    %add3A_242 = arith.constant 512 : i32
    %add3A_243 = arith.addi %mul3A_241, %add3A_242 : i32
    %dma_wait3A_244 = arith.constant 0 : i32
    %dma_wait3A_245 = tpu.memref_slice %arg6[%add3A_243, %dma_wait3A_244] : memref<10240x64xf32, #tpu.memory_space<vmem_shared>> -> memref<128x64xf32, #tpu.memory_space<vmem_shared>>
    %dma_wait3A_246 = arith.constant 0 : i32
    %dma_wait3A_247 = tpu.memref_slice %arg6[%add3A_243, %dma_wait3A_246] : memref<10240x64xf32, #tpu.memory_space<vmem_shared>> -> memref<128x64xf32, #tpu.memory_space<vmem_shared>>
    tpu.wait_dma2 semaphore(%arg15 : memref<!tpu.dma_semaphore, #tpu.memory_space<semaphore_mem>>) src(%dma_wait3A_247 : memref<128x64xf32, #tpu.memory_space<vmem_shared>>) dst(%arg7 : memref<128x64xf32, #tpu.memory_space<vmem>>)
    %mul3A_248 = arith.constant 64 : i32
    %mul3A_249 = arith.muli %arg0, %mul3A_248 : i32
    %dma_start3A_250 = tpu.memref_slice %arg4[%add3A_243, %mul3A_249] : memref<10240x128xf32, #tpu.memory_space<hbm>> -> memref<128x64xf32, #tpu.memory_space<hbm>>
    %dma_start3A_251 = tpu.memref_slice %arg4[%add3A_243, %mul3A_249] : memref<10240x128xf32, #tpu.memory_space<hbm>> -> memref<128x64xf32, #tpu.memory_space<hbm>>
    tpu.enqueue_dma source(%arg7 : memref<128x64xf32, #tpu.memory_space<vmem>>) target(%dma_start3A_251 : memref<128x64xf32, #tpu.memory_space<hbm>>) target_semaphore(%arg17 : memref<!tpu.dma_semaphore, #tpu.memory_space<semaphore_mem>>)
    %mul3A_252 = arith.constant 640 : i32
    %mul3A_253 = arith.muli %arg1, %mul3A_252 : i32
    %mul3A_254 = arith.constant 64 : i32
    %mul3A_255 = arith.muli %arg0, %mul3A_254 : i32
    %dma_wait3A_256 = tpu.memref_slice %arg4[%mul3A_253, %mul3A_255] : memref<10240x128xf32, #tpu.memory_space<hbm>> -> memref<128x64xf32, #tpu.memory_space<hbm>>
    %dma_wait3A_257 = tpu.memref_slice %arg4[%mul3A_253, %mul3A_255] : memref<10240x128xf32, #tpu.memory_space<hbm>> -> memref<128x64xf32, #tpu.memory_space<hbm>>
    tpu.wait_dma2 semaphore(%arg17 : memref<!tpu.dma_semaphore, #tpu.memory_space<semaphore_mem>>) src(%arg7 : memref<128x64xf32, #tpu.memory_space<vmem>>) dst(%dma_wait3A_257 : memref<128x64xf32, #tpu.memory_space<hbm>>)
    %mul3A_258 = arith.constant 640 : i32
    %mul3A_259 = arith.muli %arg1, %mul3A_258 : i32
    %mul3A_260 = arith.constant 64 : i32
    %mul3A_261 = arith.muli %arg0, %mul3A_260 : i32
    %dma_wait3A_262 = tpu.memref_slice %arg4[%mul3A_259, %mul3A_261] : memref<10240x128xf32, #tpu.memory_space<hbm>> -> memref<128x64xf32, #tpu.memory_space<hbm>>
    %dma_wait3A_263 = tpu.memref_slice %arg4[%mul3A_259, %mul3A_261] : memref<10240x128xf32, #tpu.memory_space<hbm>> -> memref<128x64xf32, #tpu.memory_space<hbm>>
    tpu.wait_dma2 semaphore(%arg17 : memref<!tpu.dma_semaphore, #tpu.memory_space<semaphore_mem>>) src(%arg7 : memref<128x64xf32, #tpu.memory_space<vmem>>) dst(%dma_wait3A_263 : memref<128x64xf32, #tpu.memory_space<hbm>>)
    %mul3A_264 = arith.constant 640 : i32
    %mul3A_265 = arith.muli %arg1, %mul3A_264 : i32
    %mul3A_266 = arith.constant 64 : i32
    %mul3A_267 = arith.muli %arg0, %mul3A_266 : i32
    %dma_wait3A_268 = tpu.memref_slice %arg4[%mul3A_265, %mul3A_267] : memref<10240x128xf32, #tpu.memory_space<hbm>> -> memref<128x64xf32, #tpu.memory_space<hbm>>
    %dma_wait3A_269 = tpu.memref_slice %arg4[%mul3A_265, %mul3A_267] : memref<10240x128xf32, #tpu.memory_space<hbm>> -> memref<128x64xf32, #tpu.memory_space<hbm>>
    tpu.wait_dma2 semaphore(%arg17 : memref<!tpu.dma_semaphore, #tpu.memory_space<semaphore_mem>>) src(%arg7 : memref<128x64xf32, #tpu.memory_space<vmem>>) dst(%dma_wait3A_269 : memref<128x64xf32, #tpu.memory_space<hbm>>)
    %mul3A_270 = arith.constant 640 : i32
    %mul3A_271 = arith.muli %arg1, %mul3A_270 : i32
    %mul3A_272 = arith.constant 64 : i32
    %mul3A_273 = arith.muli %arg0, %mul3A_272 : i32
    %dma_wait3A_274 = tpu.memref_slice %arg4[%mul3A_271, %mul3A_273] : memref<10240x128xf32, #tpu.memory_space<hbm>> -> memref<128x64xf32, #tpu.memory_space<hbm>>
    %dma_wait3A_275 = tpu.memref_slice %arg4[%mul3A_271, %mul3A_273] : memref<10240x128xf32, #tpu.memory_space<hbm>> -> memref<128x64xf32, #tpu.memory_space<hbm>>
    tpu.wait_dma2 semaphore(%arg17 : memref<!tpu.dma_semaphore, #tpu.memory_space<semaphore_mem>>) src(%arg7 : memref<128x64xf32, #tpu.memory_space<vmem>>) dst(%dma_wait3A_275 : memref<128x64xf32, #tpu.memory_space<hbm>>)
    return
  }
}

#map = affine_map<(d0, d1) -> (0, 0, 0)>
#map1 = affine_map<(d0, d1) -> (0)>
module attributes {stable_mosaic.version = 14 : i64} {
  func.func @_sc_deg_body(%arg0: i32, %arg1: i32, %arg2: memref<2x2500x128xi32, #tpu.memory_space<hbm>>, %arg3: memref<640xf32, #tpu.memory_space<hbm>>, %arg4: memref<128xf32, #tpu.memory_space<hbm>>, %arg5: memref<20480xf32, #tpu.memory_space<hbm>>, %arg6: memref<10240xf32, #tpu.memory_space<vmem_shared>>, %arg7: memref<80x128xi32, #tpu.memory_space<vmem>>, %arg8: memref<128xf32, #tpu.memory_space<vmem>>, %arg9: memref<640xf32, #tpu.memory_space<vmem>>) attributes {dimension_semantics = [#tpu.dimension_semantics<core_parallel>, #tpu.dimension_semantics<subcore_parallel>], iteration_bounds = array<i64: 2, 16>, scalar_prefetch = 0 : i64, scratch_operands = 4 : i64, tpu.core_type = #tpu.core_type<sc_vector_subcore>, window_params = [{transform_indices = #map}, {transform_indices = #map1}, {transform_indices = #map1}, {transform_indices = #map1}]} {
    %mul3A = arith.constant 2 : i32
    %mul3A_0 = arith.muli %arg1, %mul3A : i32
    %add3A = arith.addi %mul3A_0, %arg0 : i32
    "tpu.region"() ({
      %run_scoped3A = tpu.sem_alloc : memref<!tpu.dma_semaphore, #tpu.memory_space<semaphore_mem>>
      tpu.enqueue_dma source(%arg4 : memref<128xf32, #tpu.memory_space<hbm>>) target(%arg8 : memref<128xf32, #tpu.memory_space<vmem>>) target_semaphore(%run_scoped3A : memref<!tpu.dma_semaphore, #tpu.memory_space<semaphore_mem>>)
      tpu.wait_dma2 semaphore(%run_scoped3A : memref<!tpu.dma_semaphore, #tpu.memory_space<semaphore_mem>>) src(%arg4 : memref<128xf32, #tpu.memory_space<hbm>>) dst(%arg8 : memref<128xf32, #tpu.memory_space<vmem>>)
      tpu.yield
    }) : () -> ()
    "tpu.region"() ({
      %run_scoped3A = tpu.sem_alloc : memref<!tpu.dma_semaphore, #tpu.memory_space<semaphore_mem>>
      tpu.enqueue_dma source(%arg3 : memref<640xf32, #tpu.memory_space<hbm>>) target(%arg9 : memref<640xf32, #tpu.memory_space<vmem>>) target_semaphore(%run_scoped3A : memref<!tpu.dma_semaphore, #tpu.memory_space<semaphore_mem>>)
      tpu.wait_dma2 semaphore(%run_scoped3A : memref<!tpu.dma_semaphore, #tpu.memory_space<semaphore_mem>>) src(%arg3 : memref<640xf32, #tpu.memory_space<hbm>>) dst(%arg9 : memref<640xf32, #tpu.memory_space<vmem>>)
      tpu.yield
    }) : () -> ()
    %mul3A_1 = arith.constant 640 : i32
    %mul3A_2 = arith.muli %arg1, %mul3A_1 : i32
    "tpu.region"() ({
      %run_scoped3A = tpu.sem_alloc : memref<!tpu.dma_semaphore, #tpu.memory_space<semaphore_mem>>
      %dma_start3A = tpu.memref_slice %arg6[%mul3A_2] : memref<10240xf32, #tpu.memory_space<vmem_shared>> -> memref<640xf32, #tpu.memory_space<vmem_shared>>
      %dma_start3A_29 = tpu.memref_slice %arg6[%mul3A_2] : memref<10240xf32, #tpu.memory_space<vmem_shared>> -> memref<640xf32, #tpu.memory_space<vmem_shared>>
      tpu.enqueue_dma source(%arg9 : memref<640xf32, #tpu.memory_space<vmem>>) target(%dma_start3A_29 : memref<640xf32, #tpu.memory_space<vmem_shared>>) target_semaphore(%run_scoped3A : memref<!tpu.dma_semaphore, #tpu.memory_space<semaphore_mem>>)
      %dma_wait3A = tpu.memref_slice %arg6[%mul3A_2] : memref<10240xf32, #tpu.memory_space<vmem_shared>> -> memref<640xf32, #tpu.memory_space<vmem_shared>>
      %dma_wait3A_30 = tpu.memref_slice %arg6[%mul3A_2] : memref<10240xf32, #tpu.memory_space<vmem_shared>> -> memref<640xf32, #tpu.memory_space<vmem_shared>>
      tpu.wait_dma2 semaphore(%run_scoped3A : memref<!tpu.dma_semaphore, #tpu.memory_space<semaphore_mem>>) src(%arg9 : memref<640xf32, #tpu.memory_space<vmem>>) dst(%dma_wait3A_30 : memref<640xf32, #tpu.memory_space<vmem_shared>>)
      tpu.yield
    }) : () -> ()
    %lt3A = arith.constant 31 : i32
    %lt3A_3 = arith.cmpi slt, %add3A, %lt3A : i32
    %convert_element_type3A = arith.extui %lt3A_3 : i1 to i32
    %cond3A = arith.constant 0 : i32
    %cond3A_4 = arith.cmpi ne, %convert_element_type3A, %cond3A : i32
    scf.if %cond3A_4 {
      %mul3A_29 = arith.constant 80 : i32
      %mul3A_30 = arith.muli %add3A, %mul3A_29 : i32
      %run_scoped3A = arith.constant 1 : i32
      "tpu.region"() ({
        %run_scoped3A_31 = tpu.sem_alloc : memref<!tpu.dma_semaphore, #tpu.memory_space<semaphore_mem>>
        %dma_start3A = arith.constant 0 : i32
        %dma_start3A_32 = tpu.memref_slice %arg2[%run_scoped3A, %mul3A_30, %dma_start3A] : memref<2x2500x128xi32, #tpu.memory_space<hbm>> -> memref<1x80x128xi32, #tpu.memory_space<hbm>>
        %dma_start3A_33 = tpu.memref_squeeze %dma_start3A_32 : memref<1x80x128xi32, #tpu.memory_space<hbm>> -> memref<80x128xi32, #tpu.memory_space<hbm>>
        %dma_start3A_34 = arith.constant 0 : i32
        %dma_start3A_35 = tpu.memref_slice %arg2[%run_scoped3A, %mul3A_30, %dma_start3A_34] : memref<2x2500x128xi32, #tpu.memory_space<hbm>> -> memref<1x80x128xi32, #tpu.memory_space<hbm>>
        %dma_start3A_36 = tpu.memref_squeeze %dma_start3A_35 : memref<1x80x128xi32, #tpu.memory_space<hbm>> -> memref<80x128xi32, #tpu.memory_space<hbm>>
        tpu.enqueue_dma source(%dma_start3A_36 : memref<80x128xi32, #tpu.memory_space<hbm>>) target(%arg7 : memref<80x128xi32, #tpu.memory_space<vmem>>) target_semaphore(%run_scoped3A_31 : memref<!tpu.dma_semaphore, #tpu.memory_space<semaphore_mem>>)
        %dma_wait3A = arith.constant 0 : i32
        %dma_wait3A_37 = tpu.memref_slice %arg2[%run_scoped3A, %mul3A_30, %dma_wait3A] : memref<2x2500x128xi32, #tpu.memory_space<hbm>> -> memref<1x80x128xi32, #tpu.memory_space<hbm>>
        %dma_wait3A_38 = tpu.memref_squeeze %dma_wait3A_37 : memref<1x80x128xi32, #tpu.memory_space<hbm>> -> memref<80x128xi32, #tpu.memory_space<hbm>>
        %dma_wait3A_39 = arith.constant 0 : i32
        %dma_wait3A_40 = tpu.memref_slice %arg2[%run_scoped3A, %mul3A_30, %dma_wait3A_39] : memref<2x2500x128xi32, #tpu.memory_space<hbm>> -> memref<1x80x128xi32, #tpu.memory_space<hbm>>
        %dma_wait3A_41 = tpu.memref_squeeze %dma_wait3A_40 : memref<1x80x128xi32, #tpu.memory_space<hbm>> -> memref<80x128xi32, #tpu.memory_space<hbm>>
        tpu.wait_dma2 semaphore(%run_scoped3A_31 : memref<!tpu.dma_semaphore, #tpu.memory_space<semaphore_mem>>) src(%dma_wait3A_41 : memref<80x128xi32, #tpu.memory_space<hbm>>) dst(%arg7 : memref<80x128xi32, #tpu.memory_space<vmem>>)
        tpu.yield
      }) : () -> ()
    } else {
    }
    %eq3A = arith.constant 31 : i32
    %eq3A_5 = arith.cmpi eq, %add3A, %eq3A : i32
    %convert_element_type3A_6 = arith.extui %eq3A_5 : i1 to i32
    %cond3A_7 = arith.constant 0 : i32
    %cond3A_8 = arith.cmpi ne, %convert_element_type3A_6, %cond3A_7 : i32
    scf.if %cond3A_8 {
      %run_scoped3A = arith.constant 1 : i32
      "tpu.region"() ({
        %run_scoped3A_29 = tpu.sem_alloc : memref<!tpu.dma_semaphore, #tpu.memory_space<semaphore_mem>>
        %dma_start3A = arith.constant 0 : i32
        %dma_start3A_30 = arith.constant 0 : i32
        %dma_start3A_31 = tpu.memref_slice %arg7[%dma_start3A, %dma_start3A_30] : memref<80x128xi32, #tpu.memory_space<vmem>> -> memref<20x128xi32, #tpu.memory_space<vmem>>
        %dma_start3A_32 = arith.constant 2480 : i32
        %dma_start3A_33 = arith.constant 0 : i32
        %dma_start3A_34 = tpu.memref_slice %arg2[%run_scoped3A, %dma_start3A_32, %dma_start3A_33] : memref<2x2500x128xi32, #tpu.memory_space<hbm>> -> memref<1x20x128xi32, #tpu.memory_space<hbm>>
        %dma_start3A_35 = tpu.memref_squeeze %dma_start3A_34 : memref<1x20x128xi32, #tpu.memory_space<hbm>> -> memref<20x128xi32, #tpu.memory_space<hbm>>
        %dma_start3A_36 = arith.constant 0 : i32
        %dma_start3A_37 = arith.constant 0 : i32
        %dma_start3A_38 = tpu.memref_slice %arg7[%dma_start3A_36, %dma_start3A_37] : memref<80x128xi32, #tpu.memory_space<vmem>> -> memref<20x128xi32, #tpu.memory_space<vmem>>
        %dma_start3A_39 = arith.constant 2480 : i32
        %dma_start3A_40 = arith.constant 0 : i32
        %dma_start3A_41 = tpu.memref_slice %arg2[%run_scoped3A, %dma_start3A_39, %dma_start3A_40] : memref<2x2500x128xi32, #tpu.memory_space<hbm>> -> memref<1x20x128xi32, #tpu.memory_space<hbm>>
        %dma_start3A_42 = tpu.memref_squeeze %dma_start3A_41 : memref<1x20x128xi32, #tpu.memory_space<hbm>> -> memref<20x128xi32, #tpu.memory_space<hbm>>
        tpu.enqueue_dma source(%dma_start3A_42 : memref<20x128xi32, #tpu.memory_space<hbm>>) target(%dma_start3A_38 : memref<20x128xi32, #tpu.memory_space<vmem>>) target_semaphore(%run_scoped3A_29 : memref<!tpu.dma_semaphore, #tpu.memory_space<semaphore_mem>>)
        %dma_wait3A = arith.constant 0 : i32
        %dma_wait3A_43 = arith.constant 0 : i32
        %dma_wait3A_44 = tpu.memref_slice %arg7[%dma_wait3A, %dma_wait3A_43] : memref<80x128xi32, #tpu.memory_space<vmem>> -> memref<20x128xi32, #tpu.memory_space<vmem>>
        %dma_wait3A_45 = arith.constant 2480 : i32
        %dma_wait3A_46 = arith.constant 0 : i32
        %dma_wait3A_47 = tpu.memref_slice %arg2[%run_scoped3A, %dma_wait3A_45, %dma_wait3A_46] : memref<2x2500x128xi32, #tpu.memory_space<hbm>> -> memref<1x20x128xi32, #tpu.memory_space<hbm>>
        %dma_wait3A_48 = tpu.memref_squeeze %dma_wait3A_47 : memref<1x20x128xi32, #tpu.memory_space<hbm>> -> memref<20x128xi32, #tpu.memory_space<hbm>>
        %dma_wait3A_49 = arith.constant 0 : i32
        %dma_wait3A_50 = arith.constant 0 : i32
        %dma_wait3A_51 = tpu.memref_slice %arg7[%dma_wait3A_49, %dma_wait3A_50] : memref<80x128xi32, #tpu.memory_space<vmem>> -> memref<20x128xi32, #tpu.memory_space<vmem>>
        %dma_wait3A_52 = arith.constant 2480 : i32
        %dma_wait3A_53 = arith.constant 0 : i32
        %dma_wait3A_54 = tpu.memref_slice %arg2[%run_scoped3A, %dma_wait3A_52, %dma_wait3A_53] : memref<2x2500x128xi32, #tpu.memory_space<hbm>> -> memref<1x20x128xi32, #tpu.memory_space<hbm>>
        %dma_wait3A_55 = tpu.memref_squeeze %dma_wait3A_54 : memref<1x20x128xi32, #tpu.memory_space<hbm>> -> memref<20x128xi32, #tpu.memory_space<hbm>>
        tpu.wait_dma2 semaphore(%run_scoped3A_29 : memref<!tpu.dma_semaphore, #tpu.memory_space<semaphore_mem>>) src(%dma_wait3A_55 : memref<20x128xi32, #tpu.memory_space<hbm>>) dst(%dma_wait3A_51 : memref<20x128xi32, #tpu.memory_space<vmem>>)
        tpu.yield
      }) : () -> ()
    } else {
    }
    %barrier3A = arith.constant 0 : index
    tpu.barrier barrier_id(%barrier3A)
    %eq3A_9 = arith.constant 31 : i32
    %eq3A_10 = arith.cmpi eq, %add3A, %eq3A_9 : i32
    %jit3A = arith.constant 20 : i32
    %jit3A_11 = arith.constant 80 : i32
    %select_n3A = arith.select %eq3A_10, %jit3A, %jit3A_11 : i32
    %while3A = arith.constant 0 : i32
    %while3A_12 = arith.constant 0 : i32
    %while3A_13 = arith.subi %select_n3A, %while3A_12 : i32
    %while3A_14 = arith.addi %while3A_12, %while3A_13 : i32
    %while3A_15 = arith.constant 1 : i32
    %while3A_16 = arith.divsi %while3A_13, %while3A_15 : i32
    %while3A_17 = arith.muli %while3A_16, %while3A_15 : i32
    %while3A_18 = arith.addi %while3A_12, %while3A_17 : i32
    %while3A_19 = arith.constant 1 : i32
    scf.for %while3A_29 = %while3A_12 to %while3A_18 step %while3A_19  : i32 {
      "tpu.region"() ({
        %run_scoped3A = tpu.sem_alloc : memref<!tpu.dma_semaphore, #tpu.memory_space<semaphore_mem>>
        %dma_start3A = arith.constant 0 : i32
        %dma_start3A_30 = tpu.memref_slice %arg7[%while3A_29, %dma_start3A] : memref<80x128xi32, #tpu.memory_space<vmem>> -> memref<1x128xi32, #tpu.memory_space<vmem>>
        %dma_start3A_31 = tpu.memref_squeeze %dma_start3A_30 : memref<1x128xi32, #tpu.memory_space<vmem>> -> memref<128xi32, #tpu.memory_space<vmem>>
        %dma_start3A_32 = arith.constant 0 : i32
        %dma_start3A_33 = tpu.memref_slice %arg6[%dma_start3A_32] : memref<10240xf32, #tpu.memory_space<vmem_shared>> -> memref<10240xf32, #tpu.memory_space<vmem_shared>>
        tpu.enqueue_indirect_dma source(%arg8 : memref<128xf32, #tpu.memory_space<vmem>>) target(%dma_start3A_33 : memref<10240xf32, #tpu.memory_space<vmem_shared>>) offsets(%dma_start3A_31 : memref<128xi32, #tpu.memory_space<vmem>>) semaphore(%run_scoped3A : memref<!tpu.dma_semaphore, #tpu.memory_space<semaphore_mem>>) {add = true}
        %dma_wait3A = arith.constant 0 : i32
        %dma_wait3A_34 = tpu.memref_slice %arg7[%while3A_29, %dma_wait3A] : memref<80x128xi32, #tpu.memory_space<vmem>> -> memref<1x128xi32, #tpu.memory_space<vmem>>
        %dma_wait3A_35 = tpu.memref_squeeze %dma_wait3A_34 : memref<1x128xi32, #tpu.memory_space<vmem>> -> memref<128xi32, #tpu.memory_space<vmem>>
        %dma_wait3A_36 = arith.constant 0 : i32
        %dma_wait3A_37 = tpu.memref_slice %arg6[%dma_wait3A_36] : memref<10240xf32, #tpu.memory_space<vmem_shared>> -> memref<10240xf32, #tpu.memory_space<vmem_shared>>
        tpu.wait_indirect_dma semaphore(%run_scoped3A : memref<!tpu.dma_semaphore, #tpu.memory_space<semaphore_mem>>) src(%arg8 : memref<128xf32, #tpu.memory_space<vmem>>) dst(%dma_wait3A_37 : memref<10240xf32, #tpu.memory_space<vmem_shared>>)
        tpu.yield
      }) : () -> ()
    }
    %while3A_20 = arith.constant 1 : i32
    scf.for %while3A_29 = %while3A_18 to %while3A_14 step %while3A_20  : i32 {
      "tpu.region"() ({
        %run_scoped3A = tpu.sem_alloc : memref<!tpu.dma_semaphore, #tpu.memory_space<semaphore_mem>>
        %dma_start3A = arith.constant 0 : i32
        %dma_start3A_30 = tpu.memref_slice %arg7[%while3A_29, %dma_start3A] : memref<80x128xi32, #tpu.memory_space<vmem>> -> memref<1x128xi32, #tpu.memory_space<vmem>>
        %dma_start3A_31 = tpu.memref_squeeze %dma_start3A_30 : memref<1x128xi32, #tpu.memory_space<vmem>> -> memref<128xi32, #tpu.memory_space<vmem>>
        %dma_start3A_32 = arith.constant 0 : i32
        %dma_start3A_33 = tpu.memref_slice %arg6[%dma_start3A_32] : memref<10240xf32, #tpu.memory_space<vmem_shared>> -> memref<10240xf32, #tpu.memory_space<vmem_shared>>
        tpu.enqueue_indirect_dma source(%arg8 : memref<128xf32, #tpu.memory_space<vmem>>) target(%dma_start3A_33 : memref<10240xf32, #tpu.memory_space<vmem_shared>>) offsets(%dma_start3A_31 : memref<128xi32, #tpu.memory_space<vmem>>) semaphore(%run_scoped3A : memref<!tpu.dma_semaphore, #tpu.memory_space<semaphore_mem>>) {add = true}
        %dma_wait3A = arith.constant 0 : i32
        %dma_wait3A_34 = tpu.memref_slice %arg7[%while3A_29, %dma_wait3A] : memref<80x128xi32, #tpu.memory_space<vmem>> -> memref<1x128xi32, #tpu.memory_space<vmem>>
        %dma_wait3A_35 = tpu.memref_squeeze %dma_wait3A_34 : memref<1x128xi32, #tpu.memory_space<vmem>> -> memref<128xi32, #tpu.memory_space<vmem>>
        %dma_wait3A_36 = arith.constant 0 : i32
        %dma_wait3A_37 = tpu.memref_slice %arg6[%dma_wait3A_36] : memref<10240xf32, #tpu.memory_space<vmem_shared>> -> memref<10240xf32, #tpu.memory_space<vmem_shared>>
        tpu.wait_indirect_dma semaphore(%run_scoped3A : memref<!tpu.dma_semaphore, #tpu.memory_space<semaphore_mem>>) src(%arg8 : memref<128xf32, #tpu.memory_space<vmem>>) dst(%dma_wait3A_37 : memref<10240xf32, #tpu.memory_space<vmem_shared>>)
        tpu.yield
      }) : () -> ()
    }
    %barrier3A_21 = arith.constant 0 : index
    tpu.barrier barrier_id(%barrier3A_21)
    %mul3A_22 = arith.constant 640 : i32
    %mul3A_23 = arith.muli %arg1, %mul3A_22 : i32
    "tpu.region"() ({
      %run_scoped3A = tpu.sem_alloc : memref<!tpu.dma_semaphore, #tpu.memory_space<semaphore_mem>>
      %dma_start3A = tpu.memref_slice %arg6[%mul3A_23] : memref<10240xf32, #tpu.memory_space<vmem_shared>> -> memref<640xf32, #tpu.memory_space<vmem_shared>>
      %dma_start3A_29 = tpu.memref_slice %arg6[%mul3A_23] : memref<10240xf32, #tpu.memory_space<vmem_shared>> -> memref<640xf32, #tpu.memory_space<vmem_shared>>
      tpu.enqueue_dma source(%dma_start3A_29 : memref<640xf32, #tpu.memory_space<vmem_shared>>) target(%arg9 : memref<640xf32, #tpu.memory_space<vmem>>) target_semaphore(%run_scoped3A : memref<!tpu.dma_semaphore, #tpu.memory_space<semaphore_mem>>)
      %dma_wait3A = tpu.memref_slice %arg6[%mul3A_23] : memref<10240xf32, #tpu.memory_space<vmem_shared>> -> memref<640xf32, #tpu.memory_space<vmem_shared>>
      %dma_wait3A_30 = tpu.memref_slice %arg6[%mul3A_23] : memref<10240xf32, #tpu.memory_space<vmem_shared>> -> memref<640xf32, #tpu.memory_space<vmem_shared>>
      tpu.wait_dma2 semaphore(%run_scoped3A : memref<!tpu.dma_semaphore, #tpu.memory_space<semaphore_mem>>) src(%dma_wait3A_30 : memref<640xf32, #tpu.memory_space<vmem_shared>>) dst(%arg9 : memref<640xf32, #tpu.memory_space<vmem>>)
      tpu.yield
    }) : () -> ()
    %mul3A_24 = arith.constant 10240 : i32
    %mul3A_25 = arith.muli %arg0, %mul3A_24 : i32
    %mul3A_26 = arith.constant 640 : i32
    %mul3A_27 = arith.muli %arg1, %mul3A_26 : i32
    %add3A_28 = arith.addi %mul3A_25, %mul3A_27 : i32
    "tpu.region"() ({
      %run_scoped3A = tpu.sem_alloc : memref<!tpu.dma_semaphore, #tpu.memory_space<semaphore_mem>>
      %dma_start3A = tpu.memref_slice %arg5[%add3A_28] : memref<20480xf32, #tpu.memory_space<hbm>> -> memref<640xf32, #tpu.memory_space<hbm>>
      %dma_start3A_29 = tpu.memref_slice %arg5[%add3A_28] : memref<20480xf32, #tpu.memory_space<hbm>> -> memref<640xf32, #tpu.memory_space<hbm>>
      tpu.enqueue_dma source(%arg9 : memref<640xf32, #tpu.memory_space<vmem>>) target(%dma_start3A_29 : memref<640xf32, #tpu.memory_space<hbm>>) target_semaphore(%run_scoped3A : memref<!tpu.dma_semaphore, #tpu.memory_space<semaphore_mem>>)
      %dma_wait3A = tpu.memref_slice %arg5[%add3A_28] : memref<20480xf32, #tpu.memory_space<hbm>> -> memref<640xf32, #tpu.memory_space<hbm>>
      %dma_wait3A_30 = tpu.memref_slice %arg5[%add3A_28] : memref<20480xf32, #tpu.memory_space<hbm>> -> memref<640xf32, #tpu.memory_space<hbm>>
      tpu.wait_dma2 semaphore(%run_scoped3A : memref<!tpu.dma_semaphore, #tpu.memory_space<semaphore_mem>>) src(%arg9 : memref<640xf32, #tpu.memory_space<vmem>>) dst(%dma_wait3A_30 : memref<640xf32, #tpu.memory_space<hbm>>)
      tpu.yield
    }) : () -> ()
    return
  }
}

module attributes {stable_mosaic.version = 14 : i64} {
  func.func @_tc_prep_body(%arg0: memref<10000x128xf32, #tpu.memory_space<vmem>>, %arg1: memref<128x128xf32, #tpu.memory_space<vmem>>, %arg2: memref<20480xf32, #tpu.memory_space<vmem>>, %arg3: memref<10240x128xf32, #tpu.memory_space<vmem>>) attributes {dimension_semantics = [], scalar_prefetch = 0 : i64, scratch_operands = 0 : i64, tpu.core_type = #tpu.core_type<tc>} {
    %get3A = arith.constant 0 : index
    %get3A_0 = arith.constant 0 : index
    %get3A_1 = vector.load %arg0[%get3A, %get3A_0] : memref<10000x128xf32, #tpu.memory_space<vmem>>, vector<10000x128xf32>
    %get3A_2 = arith.constant 0 : index
    %get3A_3 = arith.constant 0 : index
    %get3A_4 = vector.load %arg1[%get3A_2, %get3A_3] : memref<128x128xf32, #tpu.memory_space<vmem>>, vector<128x128xf32>
    %dot_general3A = arith.constant dense<0.000000e+00> : vector<10000x128xf32>
    %dot_general3A_5 = tpu.matmul %get3A_1, %get3A_4, %dot_general3A {dimension_numbers = #tpu.dot_dimension_numbers<[1], [0], [0], [1], [0, 0, 1, 1], [], []>, transpose_lhs_hint = false} : vector<10000x128xf32>, vector<128x128xf32>, vector<10000x128xf32> -> vector<10000x128xf32>
    %get3A_6 = arith.constant 0 : index
    %get3A_7 = vector.load %arg2[%get3A_6] : memref<20480xf32, #tpu.memory_space<vmem>>, vector<20480xf32>
    %slice3A = vector.extract_strided_slice %get3A_7 {offsets = [0], sizes = [10000], strides = [1]} : vector<20480xf32> to vector<10000xf32>
    %add3A = arith.constant 1.000000e+00 : f32
    %add3A_8 = vector.broadcast %add3A : f32 to vector<10000xf32>
    %add3A_9 = arith.addf %add3A_8, %slice3A : vector<10000xf32>
    %slice3A_10 = vector.extract_strided_slice %get3A_7 {offsets = [10240], sizes = [10000], strides = [1]} : vector<20480xf32> to vector<10000xf32>
    %add3A_11 = arith.addf %add3A_9, %slice3A_10 : vector<10000xf32>
    %rsqrt3A = math.rsqrt %add3A_11 : vector<10000xf32>
    %broadcast_in_dim3A = vector.shape_cast %rsqrt3A : vector<10000xf32> to vector<10000x1xf32>
    %mul3A = vector.broadcast %broadcast_in_dim3A : vector<10000x1xf32> to vector<10000x128xf32>
    %mul3A_12 = arith.mulf %dot_general3A_5, %mul3A : vector<10000x128xf32>
    %swap3A = arith.constant 0 : index
    %swap3A_13 = arith.constant 0 : index
    %swap3A_14 = vector.load %arg3[%swap3A, %swap3A_13] : memref<10240x128xf32, #tpu.memory_space<vmem>>, vector<10000x128xf32>
    tpu.vector_store %arg3[%swap3A, %swap3A_13], %mul3A_12 {strides = array<i32>} : memref<10240x128xf32, #tpu.memory_space<vmem>>, vector<10000x128xf32>,
    %broadcast_in_dim3A_15 = arith.constant 0.000000e+00 : f32
    %broadcast_in_dim3A_16 = vector.broadcast %broadcast_in_dim3A_15 : f32 to vector<240x128xf32>
    %swap3A_17 = arith.constant 10000 : index
    %swap3A_18 = arith.constant 0 : index
    %swap3A_19 = vector.load %arg3[%swap3A_17, %swap3A_18] : memref<10240x128xf32, #tpu.memory_space<vmem>>, vector<240x128xf32>
    tpu.vector_store %arg3[%swap3A_17, %swap3A_18], %broadcast_in_dim3A_16 {strides = array<i32>} : memref<10240x128xf32, #tpu.memory_space<vmem>>, vector<240x128xf32>,
    return
  }
}

module attributes {stable_mosaic.version = 14 : i64} {
  func.func @_tc_mid_body(%arg0: memref<10240x128xf32, #tpu.memory_space<vmem>>, %arg1: memref<20480xf32, #tpu.memory_space<vmem>>, %arg2: memref<128xf32, #tpu.memory_space<vmem>>, %arg3: memref<128xf32, #tpu.memory_space<vmem>>, %arg4: memref<128x128xf32, #tpu.memory_space<vmem>>, %arg5: memref<10240x128xf32, #tpu.memory_space<vmem>>) attributes {dimension_semantics = [], scalar_prefetch = 0 : i64, scratch_operands = 0 : i64, tpu.core_type = #tpu.core_type<tc>} {
    %get3A = arith.constant 0 : index
    %get3A_0 = vector.load %arg1[%get3A] : memref<20480xf32, #tpu.memory_space<vmem>>, vector<20480xf32>
    %slice3A = vector.extract_strided_slice %get3A_0 {offsets = [0], sizes = [10000], strides = [1]} : vector<20480xf32> to vector<10000xf32>
    %add3A = arith.constant 1.000000e+00 : f32
    %add3A_1 = vector.broadcast %add3A : f32 to vector<10000xf32>
    %add3A_2 = arith.addf %add3A_1, %slice3A : vector<10000xf32>
    %slice3A_3 = vector.extract_strided_slice %get3A_0 {offsets = [10240], sizes = [10000], strides = [1]} : vector<20480xf32> to vector<10000xf32>
    %add3A_4 = arith.addf %add3A_2, %slice3A_3 : vector<10000xf32>
    %rsqrt3A = math.rsqrt %add3A_4 : vector<10000xf32>
    %broadcast_in_dim3A = vector.shape_cast %rsqrt3A : vector<10000xf32> to vector<10000x1xf32>
    %get3A_5 = arith.constant 0 : index
    %get3A_6 = arith.constant 0 : index
    %get3A_7 = vector.load %arg0[%get3A_5, %get3A_6] : memref<10240x128xf32, #tpu.memory_space<vmem>>, vector<10000x128xf32>
    %mul3A = vector.broadcast %broadcast_in_dim3A : vector<10000x1xf32> to vector<10000x128xf32>
    %mul3A_8 = arith.mulf %get3A_7, %mul3A : vector<10000x128xf32>
    %get3A_9 = arith.constant 0 : index
    %get3A_10 = vector.load %arg2[%get3A_9] : memref<128xf32, #tpu.memory_space<vmem>>, vector<128xf32>
    %get3A_11 = arith.constant 0 : index
    %get3A_12 = vector.load %arg3[%get3A_11] : memref<128xf32, #tpu.memory_space<vmem>>, vector<128xf32>
    %reduce_sum3A = arith.constant dense<0.000000e+00> : vector<128xf32>
    %reduce_sum3A_13 = vector.multi_reduction <add>, %mul3A_8, %reduce_sum3A [0] : vector<10000x128xf32> to vector<128xf32>
    %div3A = arith.constant 1.000000e+04 : f32
    %div3A_14 = vector.broadcast %div3A : f32 to vector<128xf32>
    %div3A_15 = arith.divf %reduce_sum3A_13, %div3A_14 : vector<128xf32>
    %broadcast_in_dim3A_16 = vector.shape_cast %div3A_15 : vector<128xf32> to vector<1x128xf32>
    %sub3A = vector.broadcast %broadcast_in_dim3A_16 : vector<1x128xf32> to vector<10000x128xf32>
    %sub3A_17 = arith.subf %mul3A_8, %sub3A : vector<10000x128xf32>
    %integer_pow3A = arith.mulf %sub3A_17, %sub3A_17 : vector<10000x128xf32>
    %reduce_sum3A_18 = arith.constant dense<0.000000e+00> : vector<128xf32>
    %reduce_sum3A_19 = vector.multi_reduction <add>, %integer_pow3A, %reduce_sum3A_18 [0] : vector<10000x128xf32> to vector<128xf32>
    %div3A_20 = arith.constant 1.000000e+04 : f32
    %div3A_21 = vector.broadcast %div3A_20 : f32 to vector<128xf32>
    %div3A_22 = arith.divf %reduce_sum3A_19, %div3A_21 : vector<128xf32>
    %broadcast_in_dim3A_23 = vector.shape_cast %div3A_15 : vector<128xf32> to vector<1x128xf32>
    %sub3A_24 = vector.broadcast %broadcast_in_dim3A_23 : vector<1x128xf32> to vector<10000x128xf32>
    %sub3A_25 = arith.subf %mul3A_8, %sub3A_24 : vector<10000x128xf32>
    %add3A_26 = arith.constant 9.99999974E-6 : f32
    %add3A_27 = vector.broadcast %add3A_26 : f32 to vector<128xf32>
    %add3A_28 = arith.addf %div3A_22, %add3A_27 : vector<128xf32>
    %rsqrt3A_29 = math.rsqrt %add3A_28 : vector<128xf32>
    %broadcast_in_dim3A_30 = vector.shape_cast %rsqrt3A_29 : vector<128xf32> to vector<1x128xf32>
    %mul3A_31 = vector.broadcast %broadcast_in_dim3A_30 : vector<1x128xf32> to vector<10000x128xf32>
    %mul3A_32 = arith.mulf %sub3A_25, %mul3A_31 : vector<10000x128xf32>
    %broadcast_in_dim3A_33 = vector.shape_cast %get3A_10 : vector<128xf32> to vector<1x128xf32>
    %mul3A_34 = vector.broadcast %broadcast_in_dim3A_33 : vector<1x128xf32> to vector<10000x128xf32>
    %mul3A_35 = arith.mulf %mul3A_32, %mul3A_34 : vector<10000x128xf32>
    %broadcast_in_dim3A_36 = vector.shape_cast %get3A_12 : vector<128xf32> to vector<1x128xf32>
    %add3A_37 = vector.broadcast %broadcast_in_dim3A_36 : vector<1x128xf32> to vector<10000x128xf32>
    %add3A_38 = arith.addf %mul3A_35, %add3A_37 : vector<10000x128xf32>
    %max3A = arith.constant 0.000000e+00 : f32
    %max3A_39 = vector.broadcast %max3A : f32 to vector<10000x128xf32>
    %max3A_40 = arith.maximumf %add3A_38, %max3A_39 : vector<10000x128xf32>
    %get3A_41 = arith.constant 0 : index
    %get3A_42 = arith.constant 0 : index
    %get3A_43 = vector.load %arg4[%get3A_41, %get3A_42] : memref<128x128xf32, #tpu.memory_space<vmem>>, vector<128x128xf32>
    %dot_general3A = arith.constant dense<0.000000e+00> : vector<10000x128xf32>
    %dot_general3A_44 = tpu.matmul %max3A_40, %get3A_43, %dot_general3A {dimension_numbers = #tpu.dot_dimension_numbers<[1], [0], [0], [1], [0, 0, 1, 1], [], []>, transpose_lhs_hint = false} : vector<10000x128xf32>, vector<128x128xf32>, vector<10000x128xf32> -> vector<10000x128xf32>
    %mul3A_45 = vector.broadcast %broadcast_in_dim3A : vector<10000x1xf32> to vector<10000x128xf32>
    %mul3A_46 = arith.mulf %dot_general3A_44, %mul3A_45 : vector<10000x128xf32>
    %swap3A = arith.constant 0 : index
    %swap3A_47 = arith.constant 0 : index
    %swap3A_48 = vector.load %arg5[%swap3A, %swap3A_47] : memref<10240x128xf32, #tpu.memory_space<vmem>>, vector<10000x128xf32>
    tpu.vector_store %arg5[%swap3A, %swap3A_47], %mul3A_46 {strides = array<i32>} : memref<10240x128xf32, #tpu.memory_space<vmem>>, vector<10000x128xf32>,
    %broadcast_in_dim3A_49 = arith.constant 0.000000e+00 : f32
    %broadcast_in_dim3A_50 = vector.broadcast %broadcast_in_dim3A_49 : f32 to vector<240x128xf32>
    %swap3A_51 = arith.constant 10000 : index
    %swap3A_52 = arith.constant 0 : index
    %swap3A_53 = vector.load %arg5[%swap3A_51, %swap3A_52] : memref<10240x128xf32, #tpu.memory_space<vmem>>, vector<240x128xf32>
    tpu.vector_store %arg5[%swap3A_51, %swap3A_52], %broadcast_in_dim3A_50 {strides = array<i32>} : memref<10240x128xf32, #tpu.memory_space<vmem>>, vector<240x128xf32>,
    return
  }
}

module attributes {stable_mosaic.version = 14 : i64} {
  func.func @_tc_final_body(%arg0: memref<10240x128xf32, #tpu.memory_space<vmem>>, %arg1: memref<20480xf32, #tpu.memory_space<vmem>>, %arg2: memref<128xf32, #tpu.memory_space<vmem>>, %arg3: memref<128xf32, #tpu.memory_space<vmem>>, %arg4: memref<10000x128xf32, #tpu.memory_space<vmem>>, %arg5: memref<10000x128xf32, #tpu.memory_space<vmem>>) attributes {dimension_semantics = [], scalar_prefetch = 0 : i64, scratch_operands = 0 : i64, tpu.core_type = #tpu.core_type<tc>} {
    %get3A = arith.constant 0 : index
    %get3A_0 = vector.load %arg1[%get3A] : memref<20480xf32, #tpu.memory_space<vmem>>, vector<20480xf32>
    %slice3A = vector.extract_strided_slice %get3A_0 {offsets = [0], sizes = [10000], strides = [1]} : vector<20480xf32> to vector<10000xf32>
    %add3A = arith.constant 1.000000e+00 : f32
    %add3A_1 = vector.broadcast %add3A : f32 to vector<10000xf32>
    %add3A_2 = arith.addf %add3A_1, %slice3A : vector<10000xf32>
    %slice3A_3 = vector.extract_strided_slice %get3A_0 {offsets = [10240], sizes = [10000], strides = [1]} : vector<20480xf32> to vector<10000xf32>
    %add3A_4 = arith.addf %add3A_2, %slice3A_3 : vector<10000xf32>
    %rsqrt3A = math.rsqrt %add3A_4 : vector<10000xf32>
    %broadcast_in_dim3A = vector.shape_cast %rsqrt3A : vector<10000xf32> to vector<10000x1xf32>
    %get3A_5 = arith.constant 0 : index
    %get3A_6 = arith.constant 0 : index
    %get3A_7 = vector.load %arg0[%get3A_5, %get3A_6] : memref<10240x128xf32, #tpu.memory_space<vmem>>, vector<10000x128xf32>
    %mul3A = vector.broadcast %broadcast_in_dim3A : vector<10000x1xf32> to vector<10000x128xf32>
    %mul3A_8 = arith.mulf %get3A_7, %mul3A : vector<10000x128xf32>
    %get3A_9 = arith.constant 0 : index
    %get3A_10 = vector.load %arg2[%get3A_9] : memref<128xf32, #tpu.memory_space<vmem>>, vector<128xf32>
    %get3A_11 = arith.constant 0 : index
    %get3A_12 = vector.load %arg3[%get3A_11] : memref<128xf32, #tpu.memory_space<vmem>>, vector<128xf32>
    %reduce_sum3A = arith.constant dense<0.000000e+00> : vector<128xf32>
    %reduce_sum3A_13 = vector.multi_reduction <add>, %mul3A_8, %reduce_sum3A [0] : vector<10000x128xf32> to vector<128xf32>
    %div3A = arith.constant 1.000000e+04 : f32
    %div3A_14 = vector.broadcast %div3A : f32 to vector<128xf32>
    %div3A_15 = arith.divf %reduce_sum3A_13, %div3A_14 : vector<128xf32>
    %broadcast_in_dim3A_16 = vector.shape_cast %div3A_15 : vector<128xf32> to vector<1x128xf32>
    %sub3A = vector.broadcast %broadcast_in_dim3A_16 : vector<1x128xf32> to vector<10000x128xf32>
    %sub3A_17 = arith.subf %mul3A_8, %sub3A : vector<10000x128xf32>
    %integer_pow3A = arith.mulf %sub3A_17, %sub3A_17 : vector<10000x128xf32>
    %reduce_sum3A_18 = arith.constant dense<0.000000e+00> : vector<128xf32>
    %reduce_sum3A_19 = vector.multi_reduction <add>, %integer_pow3A, %reduce_sum3A_18 [0] : vector<10000x128xf32> to vector<128xf32>
    %div3A_20 = arith.constant 1.000000e+04 : f32
    %div3A_21 = vector.broadcast %div3A_20 : f32 to vector<128xf32>
    %div3A_22 = arith.divf %reduce_sum3A_19, %div3A_21 : vector<128xf32>
    %broadcast_in_dim3A_23 = vector.shape_cast %div3A_15 : vector<128xf32> to vector<1x128xf32>
    %sub3A_24 = vector.broadcast %broadcast_in_dim3A_23 : vector<1x128xf32> to vector<10000x128xf32>
    %sub3A_25 = arith.subf %mul3A_8, %sub3A_24 : vector<10000x128xf32>
    %add3A_26 = arith.constant 9.99999974E-6 : f32
    %add3A_27 = vector.broadcast %add3A_26 : f32 to vector<128xf32>
    %add3A_28 = arith.addf %div3A_22, %add3A_27 : vector<128xf32>
    %rsqrt3A_29 = math.rsqrt %add3A_28 : vector<128xf32>
    %broadcast_in_dim3A_30 = vector.shape_cast %rsqrt3A_29 : vector<128xf32> to vector<1x128xf32>
    %mul3A_31 = vector.broadcast %broadcast_in_dim3A_30 : vector<1x128xf32> to vector<10000x128xf32>
    %mul3A_32 = arith.mulf %sub3A_25, %mul3A_31 : vector<10000x128xf32>
    %broadcast_in_dim3A_33 = vector.shape_cast %get3A_10 : vector<128xf32> to vector<1x128xf32>
    %mul3A_34 = vector.broadcast %broadcast_in_dim3A_33 : vector<1x128xf32> to vector<10000x128xf32>
    %mul3A_35 = arith.mulf %mul3A_32, %mul3A_34 : vector<10000x128xf32>
    %broadcast_in_dim3A_36 = vector.shape_cast %get3A_12 : vector<128xf32> to vector<1x128xf32>
    %add3A_37 = vector.broadcast %broadcast_in_dim3A_36 : vector<1x128xf32> to vector<10000x128xf32>
    %add3A_38 = arith.addf %mul3A_35, %add3A_37 : vector<10000x128xf32>
    %max3A = arith.constant 0.000000e+00 : f32
    %max3A_39 = vector.broadcast %max3A : f32 to vector<10000x128xf32>
    %max3A_40 = arith.maximumf %add3A_38, %max3A_39 : vector<10000x128xf32>
    %get3A_41 = arith.constant 0 : index
    %get3A_42 = arith.constant 0 : index
    %get3A_43 = vector.load %arg4[%get3A_41, %get3A_42] : memref<10000x128xf32, #tpu.memory_space<vmem>>, vector<10000x128xf32>
    %add3A_44 = arith.addf %max3A_40, %get3A_43 : vector<10000x128xf32>
    %swap3A = arith.constant 0 : index
    %swap3A_45 = arith.constant 0 : index
    %swap3A_46 = vector.load %arg5[%swap3A, %swap3A_45] : memref<10000x128xf32, #tpu.memory_space<vmem>>, vector<10000x128xf32>
    tpu.vector_store %arg5[%swap3A, %swap3A_45], %add3A_44 {strides = array<i32>} : memref<10000x128xf32, #tpu.memory_space<vmem>>, vector<10000x128xf32>,
    return
  }
}

</mosaic_0001>

<sc_bundles>
// kernel: kernel.11.cloned.1.call-start
scs
__scs_entry_jumppad:
0x0: {  	(pc) =	sbr.rel $0x88, $3  }
0x1: {  	(tag) =	ssettag $0x0;
	lr =	simm.s32 $0x1  }
0x2: {  	[smem:$0x3F99] =	sst lr;
	_ =	strace $0xD0000000  }
0x3: {  	_ = 	snop  }
0x4: {  	_ = 	snop  }
0x5: {  	_ = 	snop  }
0x6: {  	_ = 	snop  }
0x7: {  	_ = 	snop  }
__scs_overlays_trampoline_lowered:
0x8: {  	[smem:$0x3FA8] =	sst s0  }
0x9: {  	[smem:$0x3FA9] =	sst s1  }
0xa: {  	[smem:$0x3FAA] =	sst s2  }
0xb: {  	[smem:$0x3FAB] =	sst s3  }
0xc: {  	[smem:$0x3FAC] =	sst s4  }
0xd: {  	[smem:$0x3FAD] =	sst s5  }
0xe: {  	[smem:$0x3FAE] =	sst s6  }
0xf: {  	[smem:$0x3FAF] =	sst s7  }
0x10: {  	[smem:$0x3FB0] =	sst s8  }
0x11: {  	[smem:$0x3FB1] =	sst s9;
	s0 =	simm.s32 @!p0 $0x0  }
0x12: {  	s1 =	sld [smem:$0x3F97];
	s0 =	simm.s32 @p0 $0x1  }
0x13: {  	[smem:$0x3FB2] =	sst s0;
	s0 =	simm.s32 @!p1 $0x0  }
0x14: {  	s2 =	sld [smem:$0x3F96];
	s0 =	simm.s32 @p1 $0x1  }
0x15: {  	[smem:$0x3FB3] =	sst s0;
	s0 =	simm.s32 @!p2 $0x0  }
0x16: {  	s3 =	sld [smem:$0x3FDB];
	s0 =	simm.s32 @p2 $0x1  }
0x17: {  	s4 =	simm.s32 $0x1BF5;
	[smem:$0x3FB5] =	sst s0  }
0x18: {  	s0 =	sld [smem:$0x3F98];
	_ =	swait.ge [sflag:s4], $0x0  }
0x19: {  	s7 =	sld [smem:$0x3F99]  }
0x1a: {  	s8 =	sadd.s32 $0xFFFFE003, lr  }
0x1b: {  	s9 =	sadd.s32 $0xFFFFFEF7, lr;
	s5 =	simm.s32 $0xFFFFFFFF;
	p2 =	slt.u32 s8, $0xFFFFF086  }
0x1c: {  	p1 =	slt.u32 s9, $0xF7A;
	s5 =	simm.s32 @!p2 $0x0  }
0x1d: {  	s5 =	simm.s32 @p1 $0x1;
	p0 =	seq.s32 s7, s2  }
0x1e: {  	s7 =	smul.u32 @!p0 $0xF7A, s2;
	p2 =	seq.s32 @!p0 s5, $0x0  }
0x1f: {  	s9 =	smul.u32 $0xF7A, s1;
	s8 =	simm.s32 @!p0 $0x1BF5;
	p2 =	por !p2, p0  }
0x20: {  	[sflag:s8] =	ssyncset.s32 @!p0 $0xFFFFF086;
	s6 =	sadd.s32 @!p0 s3, s7;
	s7 =	simm.s32 @!p0 $0x108  }
0x21: {  	s3 =	sadd.s32 s3, s9;
	s6 =	sadd.s32 @!p0 $0x88, s6;
	s7 =	simm.s32 @p2 $0x1082  }
0x22: {  	[simem:s7], [sflag:s8] =	dma.local @!p0 [hbm:s6], $0xF7A  }
0x23: {  	s9 =	sor.u32 $0xD0000000, s2;
	s6 =	simm.s32 $0x108;
	_ =	swait.ge @!p0 [sflag:s8], $0x0  }
0x24: {  	s3 =	sadd.s32 $0x88, s3;
	s6 =	simm.s32 @!p1 $0x1082;
	[sflag:s4] =	ssyncset.s32 $0xFFFFF086  }
0x25: {  	[simem:s6], [sflag:s4] =	dma.local [hbm:s3], $0xF7A  }
0x26: {  	[smem:$0x3F99] =	sst s1;
	(tag) =	ssettag s2;
	_ =	strace s9  }
0x27: {  	s1 =	sld [smem:$0x3FA9]  }
0x28: {  	s2 =	sld [smem:$0x3FAA]  }
0x29: {  	s4 =	sld [smem:$0x3FAC]  }
0x2a: {  	p0 =	seq.s32 s5, $0x0;
	s5 =	sld [smem:$0x3FAD]  }
0x2b: {  	s6 =	sld [smem:$0x3FAE]  }
0x2c: {  	s7 =	sld [smem:$0x3FAF]  }
0x2d: {  	s3 =	simm.s32 $0x108;
	s8 =	sld [smem:$0x3FB0]  }
0x2e: {  	s3 =	simm.s32 @!p0 $0x1082;
	s9 =	sld [smem:$0x3FB1]  }
0x2f: {  	lr =	sadd.s32 s0, s3;
	s0 =	sld [smem:$0x3FA8]  }
0x30: {  	s3 =	sld [smem:$0x3FAB]  }
0x31: {  	[smem:$0x3FB4] =	sst s10  }
0x32: {  	s10 =	sld [smem:$0x3FB2];
	_ =	sdelay $0x3  }
0x33: {  	p0 =	seq.s32 s10, $0x1;
	s10 =	sld [smem:$0x3FB4];
	_ =	sdelay $0x3  }
0x34: {  	[smem:$0x3FB4] =	sst s10  }
0x35: {  	s10 =	sld [smem:$0x3FB3];
	_ =	sdelay $0x3  }
0x36: {  	p1 =	seq.s32 s10, $0x1;
	s10 =	sld [smem:$0x3FB4];
	_ =	sdelay $0x3  }
0x37: {  	[smem:$0x3FB4] =	sst s10  }
0x38: {  	s10 =	sld [smem:$0x3FB5]  }
0x39: {  	_ = 	snop;
	(pc) =	sbr.ind lr, $3  }
0x3a: {  	_ = 	snop  }
0x3b: {  	_ = 	snop  }
0x3c: {  	p2 =	seq.s32 s10, $0x1;
	s10 =	sld [smem:$0x3FB4]  }
0x3d: {  	_ =	shalt  }
0x3e: {  	_ =	shalt  }
0x3f: {  	_ =	shalt  }
0x40: {  	_ =	shalt  }
0x41: {  	_ =	shalt  }
0x42: {  	_ =	shalt  }
0x43: {  	_ =	shalt  }
0x44: {  	_ =	shalt  }
0x45: {  	_ =	shalt  }
0x46: {  	_ =	shalt  }
0x47: {  	_ =	shalt  }
0x48: {  	_ =	shalt  }
0x49: {  	_ =	shalt  }
0x4a: {  	_ =	shalt  }
0x4b: {  	_ =	shalt  }
0x4c: {  	_ =	shalt  }
0x4d: {  	_ =	shalt  }
0x4e: {  	_ =	shalt  }
0x4f: {  	_ =	shalt  }
0x50: {  	_ =	shalt  }
0x51: {  	_ =	shalt  }
0x52: {  	_ =	shalt  }
0x53: {  	_ =	shalt  }
0x54: {  	_ =	shalt  }
0x55: {  	_ =	shalt  }
0x56: {  	_ =	shalt  }
0x57: {  	_ =	shalt  }
0x58: {  	_ =	shalt  }
0x59: {  	_ =	shalt  }
0x5a: {  	_ =	shalt  }
0x5b: {  	_ =	shalt  }
0x5c: {  	_ =	shalt  }
0x5d: {  	_ =	shalt  }
0x5e: {  	_ =	shalt  }
0x5f: {  	_ =	shalt  }
0x60: {  	_ =	shalt  }
0x61: {  	_ =	shalt  }
0x62: {  	_ =	shalt  }
0x63: {  	_ =	shalt  }
0x64: {  	_ =	shalt  }
0x65: {  	_ =	shalt  }
0x66: {  	_ =	shalt  }
0x67: {  	_ =	shalt  }
0x68: {  	_ =	shalt  }
0x69: {  	_ =	shalt  }
0x6a: {  	_ =	shalt  }
0x6b: {  	_ =	shalt  }
0x6c: {  	_ =	shalt  }
0x6d: {  	_ =	shalt  }
0x6e: {  	_ =	shalt  }
0x6f: {  	_ =	shalt  }
0x70: {  	_ =	shalt  }
0x71: {  	_ =	shalt  }
0x72: {  	_ =	shalt  }
0x73: {  	_ =	shalt  }
0x74: {  	_ =	shalt  }
0x75: {  	_ =	shalt  }
0x76: {  	_ =	shalt  }
0x77: {  	_ =	shalt  }
0x78: {  	_ =	shalt  }
0x79: {  	_ =	shalt  }
0x7a: {  	_ =	shalt  }
0x7b: {  	_ =	shalt  }
0x7c: {  	_ =	shalt  }
0x7d: {  	_ =	shalt  }
0x7e: {  	_ =	shalt  }
0x7f: {  	_ =	shalt  }
0x80: {  	_ =	shalt  }
0x81: {  	_ =	shalt  }
0x82: {  	_ =	shalt  }
0x83: {  	_ =	shalt  }
0x84: {  	_ =	shalt  }
0x85: {  	_ =	shalt  }
0x86: {  	_ =	shalt  }
0x87: {  	_ =	shalt  }
.Lfunc_end0:
.L_simem_size_0:
called_computation.1_lowered:
.L_overlay_start_0:
0x88: {  	s2 =	sld [smem:$0x3FD9]  }
0x89: {  	s3 =	sld [smem:$0x3FFE];
	_ =	sdelay $0x1  }
0x8a: {  	s1 =	srdreg.scid  }
0x8b: {  	s0 =	sand.u32 $0x1, s1  }
0x8c: {  	s17 =	sshll.u32 s0, $0xA;
	s2 =	sadd.s32 s3, s2  }
0x8d: {  	s2 =	sadd.s32 s2, s17  }
0x8e: {  	[smem:$0x3FC0] =	sst s2  }
0x8f: {  	_ = 	snop  }
0x90: {  	s2 =	sld [smem:$0x3FD0];
	(tm) =	ssettm $0x1  }
0x91: {  	s18 =	sld [smem:$0x3FFB];
	_ =	sdelay $0x3  }
0x92: {  	_ =	strace s18  }
0x93: {  	s3 =	sld [smem:$0x3FFC];
	_ =	sdelay $0x3  }
0x94: {  	_ =	strace s3  }
0x95: {  	s3 =	sld [smem:$0x3FFD];
	_ =	sdelay $0x3  }
0x96: {  	_ =	strace s3  }
0x97: {  	_ =	strace $0x8FFFFFFF  }
0x98: {  	s19 =	sld [smem:$0x3FDB];
	_ =	sdelay $0x1  }
0x99: {  	s4 =	simm.s32 $_scs_section_size  }
0x9a: {  	s5 =	simm.s32 $_size__tile_overlayer_lowered;
	s6 =	simm.s32 $_tile_overlayer_lowered  }
0x9b: {  	s22 =	simm.s32 $0x1BFF;
	s21 =	sshll.u32 s6, $0x1;
	s3 =	sadd.s32 s4, s19  }
0x9c: {  	s7 =	simm.s32 $0x0;
	s20 =	sshll.u32 s5, $0x1;
	s5 =	sadd.s32 s21, s3  }
0x9d: {  	[timem:s7], [sflag:s22] =	dma.local [hbm:s5], s20  }
0x9e: {  	_ =	swait.ge [sflag:s22], s20  }
0x9f: {  	s4 =	ssub.s32 $0x0, s20;
	[sflag:s22] =	ssyncset.done $0x0  }
0xa0: {  	[sflag:s22] =	ssyncadd.s32 s4;
	_ =	sdelay $0x1  }
0xa1: {  	s23 =	simm.s32 $0x1B8B  }
0xa2: {  	_ =	swait.ge [sflag:s23], $0x1  }
0xa3: {  	[sflag:s23] =	ssyncset.done $0x0  }
0xa4: {  	s25 =	simm.s32 $0x1B8E;
	s24 =	sld [smem:$0x3FFE];
	[sflag:s23] =	ssyncadd.s32 $0xFFFFFFFF  }
0xa5: {  	s26 =	simm.s32 $execute0_lowered;
	[smem:$0x3FD2] =	sst s25  }
0xa6: {  	s5 =	sshll.u32 s26, $0x1;
	_ =	strace $0x80000049;
	[dreg:$0x1] =	wrdreg $0xFFFFFFFF  }
0xa7: {  	s28 =	simm.s32 $_size_execute0_lowered;
	s3 =	sadd.s32 s3, s5;
	[dreg:$0x0] =	wrdreg $0x0  }
0xa8: {  	s5 =	sshll.u32 s28, $0x1;
	[dreg:$0x2] =	wrdreg s3  }
0xa9: {  	[dreg:$0x3] =	wrdreg s5  }
0xaa: {  	[dreg:$0x4] =	wrdreg $0xC0  }
0xab: {  	_ =	task [dreg:s7], $0x5FFFF  }
0xac: {  	[dreg:$0x1] =	wrdreg $0xFFFFFFFF  }
0xad: {  	[dreg:$0x0] =	wrdreg $0x60  }
0xae: {  	[dreg:$0x2] =	wrdreg s24  }
0xaf: {  	[dreg:$0x3] =	wrdreg s2  }
0xb0: {  	[dreg:$0x4] =	wrdreg $0x0  }
0xb1: {  	[dreg:$0x5] =	wrdreg $0xA0000  }
0xb2: {  	[dreg:$0x6] =	wrdreg $0x9  }
0xb3: {  	_ =	task.clear_ibuf [dreg:s7], $0x7FFFF;
	_ =	strace $0x90000049  }
0xb4: {  	s29 =	simm.s32 $0x9;
	_ =	strace $0x8000004B  }
0xb5: {  	_ =	swait.ge [sflag:s29], $0x1  }
0xb6: {  	[sflag:s29] =	ssyncadd.s32 $0xFFFFFFFF  }
0xb7: {  	_ =	strace $0x9000004B  }
0xb8: {  	_ =	sfence  }
0xb9: {  	s30 =	sld [smem:$0x0];
	_ =	sdelay $0x2  }
0xba: {  	s31 =	sshll.u32 s1, $0xD;
	s1 =	sshrl.u32 s1, $0x2  }
0xbb: {  	s3 =	sand.u32 $0x4000, s31;
	s1 =	sadd.s32 s1, s30  }
0xbc: {  	s0 =	sor.u32 s3, s0;
	s1 =	sshll.u32 s1, $0x11  }
0xbd: {  	s0 =	sor.u32 s1, s0  }
0xbe: {  	s0 =	sadd.s32 $0x8F2B, s0  }
0xbf: {  	[sflag:s0] =	ssyncadd.remote.s32 $0x1  }
0xc0: {  	_ =	sfence.sel $0xFFFF  }
0xc1: {  	[dreg:$0x0] =	wrdreg $0xFFFFFFFF;
	(pc) =	sbr.abs _section_cstart, $3  }
0xc2: {  	[dreg:$0x1] =	wrdreg $0xFFFFFFFF  }
0xc3: {  	_ =	task.clear_ibuf [dreg:s7], $0x2FFFF;
	_ =	strace $0x9FFFFFFF  }
0xc4: {  	(tm) =	ssettm $0x7FFFFFFF  }
0xc5: {  	_ =	shalt  }
tec
execute0_lowered:
.L_overlay_start_1:
0x0: {  	(tag) =	ssettag $0x1  }
0x1: {  	s1 =	rddreg [dreg:$0x0]  }
0x2: {  	s0 =	rddreg [dreg:$0x1]  }
0x3: {  	s2 =	rddreg [dreg:$0x2]  }
0x4: {  	s3 =	rddreg [dreg:$0x3];
	s18 =	stileid.u32  }
0x5: {  	s5 =	srdreg.scid;
	s6 =	smul.u32 $0x14000, s18  }
0x6: {  	s4 =	simm.s32 $0x0;
	s30 =	simm.s32 $0x1C000;
	s8 =	smul.u32 $0xA000, s18  }
0x7: {  	s31 =	simm.s32 $0x1C100;
	s5 =	sand.u32 $0x1, s5;
	s11 =	smul.u32 $0x4F00, s18  }
0x8: {  	[smem:$0x7FF] =	sst s4;
	s17 =	smul.u32 $0x280, s18;
	s13 =	sshll.u32 s18, $0x6  }
0x9: {  	s7 =	sshll.u32 s5, $0x6;
	_ =	strace $0x8000004A;
	s5 =	ssub.s32 $0x2, s5  }
0xa: {  	s20 =	sor.u32 $0x1C09, s13;
	s6 =	sor.u32 s7, s6;
	s10 =	sshrl.u32 s5, $0x1  }
0xb: {  	s12 =	sadd.s32 s8, s2;
	s11 =	sshrl.u32 s11, $0x3;
	[dreg:$0x6] =	wrdreg s20  }
0xc: {  	s28 =	sadd.s32 s8, s3;
	s22 =	sadd.s32 $0x80, s17;
	s26 =	sadd.s32 $0x100, s17  }
0xd: {  	s14 =	sadd.s32 $0x180, s17;
	s6 =	sshrl.u32 s6, $0x3;
	s5 =	ssub.s32 s5, s10  }
0xe: {  	s19 =	sadd.s32 s0, s11;
	s25 =	sshll.u32 s22, $0x7;
	s15 =	sshll.u32 s26, $0x7  }
0xf: {  	s10 =	sadd.s32 $0x200, s17;
	s16 =	sshll.u32 s14, $0x7;
	s13 =	sshll.u32 s26, $0x6  }
0x10: {  	s20 =	sshll.u32 s14, $0x6;
	s14 =	simm.s32 $0x7;
	[dreg:$0x8] =	wrdreg s28  }
0x11: {  	s9 =	sadd.s32 s6, s1;
	s1 =	sadd.s32 $0x3D800, s1;
	s21 =	sadd.s32 $0x9E00, s19  }
0x12: {  	s23 =	sadd.s32 $0x20, s19;
	s24 =	sadd.s32 $0x9E20, s19;
	s11 =	sor.u32 s7, s25  }
0x13: {  	s15 =	sor.u32 s7, s15;
	s16 =	sor.u32 s7, s16;
	[dreg:$0x7] =	wrdreg s19  }
0x14: {  	s17 =	sshll.u32 s10, $0x7;
	s29 =	sadd.s32 $0x40, s19;
	[dreg:$0x9] =	wrdreg s21  }
0x15: {  	s25 =	smul.u32 $0x9E0, s18;
	s5 =	smax.u32 s5, $0x1;
	[dreg:$0xa] =	wrdreg s23  }
0x16: {  	s18 =	simm.s32 $0x1A000;
	s9 =	sadd.s32 $0x15800, s9;
	[dreg:$0xb] =	wrdreg s24  }
0x17: {  	s7 =	sor.u32 s7, s17;
	[dreg:$0xc] =	wrdreg s29;
	s6 =	sadd.s32 s1, s6  }
0x18: {  	s17 =	sshrl.u32 s11, $0x3;
	s19 =	sshrl.u32 s15, $0x3;
	s23 =	sshrl.u32 s16, $0x3  }
0x19: {  	[dreg:$0x16] =	wrdreg s5;
	s29 =	sshrl.u32 s12, $0x3;
	s11 =	simm.s32 $0x14000  }
0x1a: {  	s12 =	simm.s32 $0x1C080;
	s15 =	simm.s32 $0x1C180;
	[dreg:$0x5] =	wrdreg s9  }
0x1b: {  	s16 =	simm.s32 $0x6;
	s9 =	sshll.u32 s22, $0x6;
	[dreg:$0xe] =	wrdreg s6  }
0x1c: {  	s6 =	sadd.s32 s13, s3;
	s21 =	sadd.s32 s1, s19;
	s22 =	sshll.u32 s10, $0x6  }
0x1d: {  	s7 =	sshrl.u32 s7, $0x3;
	s24 =	sadd.s32 s1, s23;
	s23 =	sadd.s32 s25, s0  }
0x1e: {  	[dreg:$0x17] =	wrdreg s29;
	s25 =	simm.s32 $0x1;
	s0 =	simm.s32 $0x1C200  }
0x1f: {  	s10 =	simm.s32 $0x80;
	s13 =	simm.s32 $0x16000;
	[dreg:$0xf] =	wrdreg s6  }
0x20: {  	s19 =	simm.s32 $0x2;
	s9 =	sadd.s32 s9, s3;
	[dreg:$0x11] =	wrdreg s21  }
0x21: {  	s6 =	sadd.s32 s1, s17;
	[dreg:$0x12] =	wrdreg s24;
	s1 =	sadd.s32 s1, s7  }
0x22: {  	s26 =	sadd.s32 s22, s3;
	s7 =	simm.s32 $0x18000;
	[dreg:$0xd] =	wrdreg s9  }
.Ltmp0:
0x23: {  	s17 =	simm.s32 $0x1C280;
	[dreg:$0x10] =	wrdreg s6;
	(pc) =	sbr.rel .LBB2_1-.Ltmp0, $4  }
0x24: {  	s21 =	simm.s32 $0x3;
	s22 =	simm.s32 $0x4;
	[dreg:$0x13] =	wrdreg s1  }
0x25: {  	s24 =	simm.s32 $0x9;
	s6 =	sadd.s32 s20, s3;
	[dreg:$0x15] =	wrdreg s26  }
0x26: {  	s26 =	simm.s32 $0x8;
	s1 =	simm.s32 $0x1C300;
	s9 =	simm.s32 $0x5  }
0x27: {  	s20 =	simm.s32 $0x1C380;
	[dreg:$0x14] =	wrdreg s6;
	s6 =	simm.s32 $0x0  }
.LBB2_4:
0x28: {  	_ =	swait.ge [sflag:s21], $0x2000  }
0x29: {  	[sflag:s21] =	ssyncset.done $0x0  }
0x2a: {  	[sflag:s21] =	ssyncadd.s32 $0xFFFFE000  }
0x2b: {  	_ =	swait.ge [sflag:s21], $0x2000  }
0x2c: {  	[sflag:s21] =	ssyncset.done $0x0  }
0x2d: {  	[sflag:s21] =	ssyncadd.s32 $0xFFFFE000  }
0x2e: {  	[bflag:$0x0] =	sbarrier.arrive $0xFFFF  }
0x2f: {  	s28 =	rddreg [dreg:$0x8]  }
0x30: {  	[tilespmem:s11], [sflag:$0x1] =	stream.linear.gather [spmem:s28], $0x2000, $0x38;
	[tilespmem:$0x1C400] =	vst v63  }
0x31: {  	_ =	swait.ge [sflag:s25], $0x2000  }
0x32: {  	[sflag:s25] =	ssyncset.done $0x0  }
0x33: {  	s5 =	rddreg [dreg:$0xd];
	[sflag:s25] =	ssyncadd.s32 $0xFFFFE000  }
0x34: {  	[tilespmem:s13], [sflag:$0x1] =	stream.linear.gather [spmem:s5], $0x2000, $0x38;
	[tilespmem:$0x1C400] =	vst v63  }
0x35: {  	s6 =	simm.s32 $0x40;
	s8 =	rddreg [dreg:$0xe]  }
0x36: {  	[hbm4b:s8+s6] =	stream.strided.scatter [tilespmem:s11], [sflag:$0x3], $0x2000, s10, s6, $0x38;
	[tilespmem:$0x1C400] =	vst v63  }
0x37: {  	_ =	swait.ge [sflag:s25], $0x2000  }
0x38: {  	[sflag:s25] =	ssyncset.done $0x0  }
0x39: {  	s29 =	rddreg [dreg:$0xf];
	[sflag:s25] =	ssyncadd.s32 $0xFFFFE000  }
0x3a: {  	[tilespmem:s7], [sflag:$0x1] =	stream.linear.gather [spmem:s29], $0x2000, $0x38;
	[tilespmem:$0x1C400] =	vst v63  }
0x3b: {  	s8 =	rddreg [dreg:$0x10]  }
0x3c: {  	[hbm4b:s8+s6] =	stream.strided.scatter [tilespmem:s13], [sflag:$0x3], $0x2000, s10, s6, $0x38;
	[tilespmem:$0x1C400] =	vst v63  }
0x3d: {  	_ =	swait.ge [sflag:s25], $0x2000  }
0x3e: {  	[sflag:s25] =	ssyncset.done $0x0  }
0x3f: {  	s29 =	rddreg [dreg:$0x14];
	[sflag:s25] =	ssyncadd.s32 $0xFFFFE000  }
0x40: {  	[tilespmem:s18], [sflag:$0x1] =	stream.linear.gather [spmem:s29], $0x2000, $0x38;
	[tilespmem:$0x1C400] =	vst v63  }
0x41: {  	s8 =	rddreg [dreg:$0x11]  }
0x42: {  	[hbm4b:s8+s6] =	stream.strided.scatter [tilespmem:s7], [sflag:$0x3], $0x2000, s10, s6, $0x38;
	[tilespmem:$0x1C400] =	vst v63  }
0x43: {  	_ =	swait.ge [sflag:s25], $0x2000  }
0x44: {  	[sflag:s25] =	ssyncset.done $0x0  }
0x45: {  	[sflag:s25] =	ssyncadd.s32 $0xFFFFE000  }
0x46: {  	_ =	swait.ge [sflag:s21], $0x2000  }
0x47: {  	[sflag:s21] =	ssyncset.done $0x0  }
0x48: {  	s29 =	rddreg [dreg:$0x15];
	[sflag:s21] =	ssyncadd.s32 $0xFFFFE000  }
0x49: {  	[tilespmem:s11], [sflag:$0x1] =	stream.linear.gather [spmem:s29], $0x2000, $0x38;
	[tilespmem:$0x1C400] =	vst v63  }
0x4a: {  	s8 =	rddreg [dreg:$0x12]  }
0x4b: {  	[hbm4b:s8+s6] =	stream.strided.scatter [tilespmem:s18], [sflag:$0x3], $0x2000, s10, s6, $0x38;
	[tilespmem:$0x1C400] =	vst v63  }
0x4c: {  	_ =	swait.ge [sflag:s25], $0x2000  }
0x4d: {  	[sflag:s25] =	ssyncset.done $0x0  }
0x4e: {  	s29 =	rddreg [dreg:$0x13];
	[sflag:s25] =	ssyncadd.s32 $0xFFFFE000  }
0x4f: {  	[hbm4b:s29+s6] =	stream.strided.scatter [tilespmem:s11], [sflag:$0x3], $0x2000, s10, s6, $0x38;
	[tilespmem:$0x1C400] =	vst v63  }
0x50: {  	_ =	swait.ge [sflag:s21], $0x2000  }
0x51: {  	[sflag:s21] =	ssyncset.done $0x0  }
0x52: {  	[sflag:s21] =	ssyncadd.s32 $0xFFFFE000  }
0x53: {  	_ =	swait.ge [sflag:s21], $0x2000  }
0x54: {  	[sflag:s21] =	ssyncset.done $0x0  }
0x55: {  	[sflag:s21] =	ssyncadd.s32 $0xFFFFE000  }
0x56: {  	_ =	swait.ge [sflag:s21], $0x2000  }
0x57: {  	[sflag:s21] =	ssyncset.done $0x0  }
0x58: {  	[sflag:s21] =	ssyncadd.s32 $0xFFFFE000  }
0x59: {  	_ =	swait.ge [sflag:s21], $0x2000  }
0x5a: {  	s8 =	rddreg [dreg:$0x18]  }
0x5b: {  	s29 =	rddreg [dreg:$0x16];
	s6 =	sadd.s32 $0x1, s8  }
0x5c: {  	p0 =	sne.s32 s6, s29  }
.Ltmp1:
0x5d: {  	_ = 	snop;
	(pc) =	sbr.rel @!p0 .LBB2_5-.Ltmp1, $3  }
0x5e: {  	_ =	sdelay $0x1  }
0x5f: {  	[sflag:s21] =	ssyncset.done $0x0  }
0x60: {  	[sflag:s21] =	ssyncadd.s32 $0xFFFFE000  }
.LBB2_1:
0x61: {  	[dreg:$0x18] =	wrdreg s6  }
0x62: {  	s6 =	rddreg [dreg:$0x5]  }
0x63: {  	s8 =	rddreg [dreg:$0x6]  }
0x64: {  	s5 =	rddreg [dreg:$0x17];
	s29 =	simm.s32 $0x10  }
0x65: {  	[spmem:s5@s26], [sflag:s8] =	dma.strided [hbm:s6@s29], $0x1400, s25, $0x8   }
0x66: {  	_ =	swait.ge [sflag:s24], $0x1400  }
0x67: {  	[sflag:s24] =	ssyncset.done $0x0  }
0x68: {  	s28 =	sshrl.u32 s28, $0x3;
	[sflag:s24] =	ssyncadd.s32 $0xFFFFEC00  }
0x69: {  	[spmem:s28@s26], [sflag:s8] =	dma.strided [hbm:s6@s29], $0x1400, s25, $0x8   }
0x6a: {  	_ =	swait.ge [sflag:s24], $0x1400  }
0x6b: {  	[sflag:s24] =	ssyncset.done $0x0  }
0x6c: {  	[sflag:s24] =	ssyncadd.s32 $0xFFFFEC00  }
0x6d: {  	[bflag:$0x0] =	sbarrier.arrive $0xFFFF  }
0x6e: {  	s29 =	rddreg [dreg:$0x7]  }
0x6f: {  	[tilespmem:s30], [sflag:$0x5] =	stream.linear.gather [hbm4b:s29+s4], $0x100, $0x38;
	[tilespmem:$0x1C400] =	vst v63  }
0x70: {  	s6 =	rddreg [dreg:$0x9]  }
0x71: {  	[tilespmem:s31], [sflag:$0x7] =	stream.linear.gather [hbm4b:s6+s4], $0x100, $0x38;
	[tilespmem:$0x1C400] =	vst v63  }
0x72: {  	s8 =	rddreg [dreg:$0xa]  }
0x73: {  	[tilespmem:s0], [sflag:$0x6] =	stream.linear.gather [hbm4b:s8+s4], $0x100, $0x38;
	[tilespmem:$0x1C400] =	vst v63  }
0x74: {  	s28 =	rddreg [dreg:$0xb]  }
0x75: {  	[tilespmem:s1], [sflag:$0x8] =	stream.linear.gather [hbm4b:s28+s4], $0x100, $0x38;
	[tilespmem:$0x1C400] =	vst v63  }
0x76: {  	_ =	swait.ge [sflag:s9], $0x100  }
0x77: {  	[sflag:s9] =	ssyncset.done $0x0  }
0x78: {  	[sflag:s9] =	ssyncadd.s32 $0xFFFFFF00  }
0x79: {  	[tilespmem:s11], [sflag:$0x1] =	stream.indirect.gather [spmem:s2], $0x40, s30, s10, $0xb8;
	[tilespmem:$0x1C400] =	vst v63  }
0x7a: {  	_ = 	snop  }
0x7b: {  	[tilespmem:s13], [sflag:$0x1] =	stream.indirect.gather [spmem:s2], $0x40, s12, s10, $0xb8;
	[tilespmem:$0x1C400] =	vst v63  }
0x7c: {  	_ =	swait.ge [sflag:s25], $0x2000  }
0x7d: {  	[sflag:s25] =	ssyncset.done $0x0  }
0x7e: {  	[sflag:s25] =	ssyncadd.s32 $0xFFFFE000  }
0x7f: {  	_ =	swait.ge [sflag:s25], $0x2000  }
0x80: {  	[sflag:s25] =	ssyncset.done $0x0  }
0x81: {  	s29 =	rddreg [dreg:$0xc];
	[sflag:s25] =	ssyncadd.s32 $0xFFFFE000  }
0x82: {  	[tilespmem:s30], [sflag:$0x5] =	stream.linear.gather [hbm4b:s29+s4], $0x100, $0x38;
	[tilespmem:$0x1C400] =	vst v63  }
0x83: {  	_ =	swait.ge [sflag:s14], $0x100  }
0x84: {  	[sflag:s14] =	ssyncset.done $0x0  }
0x85: {  	[sflag:s14] =	ssyncadd.s32 $0xFFFFFF00  }
0x86: {  	[spmem:s3] =	stream.indirect.scatter.add.f32 [tilespmem:s11], [sflag:$0x3], $0x40, s31, s10, $0xb8;
	[tilespmem:$0x1C400] =	vst v63  }
0x87: {  	_ = 	snop  }
0x88: {  	[spmem:s3] =	stream.indirect.scatter.add.f32 [tilespmem:s13], [sflag:$0x3], $0x40, s15, s10, $0xb8;
	[tilespmem:$0x1C400] =	vst v63  }
0x89: {  	_ =	swait.ge [sflag:s16], $0x100  }
0x8a: {  	[sflag:s16] =	ssyncset.done $0x0  }
0x8b: {  	[sflag:s16] =	ssyncadd.s32 $0xFFFFFF00  }
0x8c: {  	[tilespmem:s7], [sflag:$0x2] =	stream.indirect.gather [spmem:s2], $0x40, s0, s10, $0xb8;
	[tilespmem:$0x1C400] =	vst v63  }
0x8d: {  	s5 =	simm.s32 $0xFFFFF680  }
0x8e: {  	[tilespmem:s18], [sflag:$0x2] =	stream.indirect.gather [spmem:s2], $0x40, s17, s10, $0xb8;
	[tilespmem:$0x1C400] =	vst v63  }
.LBB2_2:
0x8f: {  	_ =	swait.ge [sflag:s19], $0x2000  }
0x90: {  	[sflag:s19] =	ssyncset.done $0x0  }
0x91: {  	[sflag:s19] =	ssyncadd.s32 $0xFFFFE000  }
0x92: {  	p0 =	seq.s32 s5, $0x0;
	_ =	swait.ge [sflag:s19], $0x2000  }
0x93: {  	s8 =	sadd.s32 @!p0 s5, s23;
	s28 =	simm.s32 @!p0 $0x0;
	[sflag:s19] =	ssyncset.done $0x0  }
0x94: {  	s29 =	simm.s32 @!p0 $0x1C200;
	s6 =	sadd.s32 @!p0 $0x9E0, s8;
	[sflag:s19] =	ssyncadd.s32 $0xFFFFE000  }
0x95: {  	[tilespmem:s29], [sflag:$0x6] =	stream.linear.gather @!p0 [hbm4b:s6+s28], $0x100, $0x38;
	[tilespmem:$0x1C400] =	vst v63  }
0x96: {  	_ =	swait.ge [sflag:s26], $0x100  }
0x97: {  	[sflag:s26] =	ssyncset.done $0x0  }
0x98: {  	[sflag:s26] =	ssyncadd.s32 $0xFFFFFF00  }
0x99: {  	[spmem:s3] =	stream.indirect.scatter.add.f32 [tilespmem:s7], [sflag:$0x4], $0x40, s1, s10, $0xb8;
	[tilespmem:$0x1C400] =	vst v63  }
0x9a: {  	_ = 	snop  }
0x9b: {  	[spmem:s3] =	stream.indirect.scatter.add.f32 [tilespmem:s18], [sflag:$0x4], $0x40, s20, s10, $0xb8;
	[tilespmem:$0x1C400] =	vst v63  }
0x9c: {  	_ =	swait.ge [sflag:s21], $0x2000  }
0x9d: {  	[sflag:s21] =	ssyncset.done $0x0  }
0x9e: {  	[sflag:s21] =	ssyncadd.s32 $0xFFFFE000  }
0x9f: {  	_ =	swait.ge [sflag:s21], $0x2000  }
0xa0: {  	[sflag:s21] =	ssyncset.done $0x0  }
0xa1: {  	[sflag:s21] =	ssyncadd.s32 $0xFFFFE000  }
0xa2: {  	_ =	swait.ge [sflag:s9], $0x100  }
0xa3: {  	[sflag:s9] =	ssyncset.done $0x0  }
0xa4: {  	[sflag:s9] =	ssyncadd.s32 $0xFFFFFF00  }
0xa5: {  	[tilespmem:s11], [sflag:$0x1] =	stream.indirect.gather [spmem:s2], $0x40, s30, s10, $0xb8;
	[tilespmem:$0x1C400] =	vst v63  }
0xa6: {  	s6 =	sadd.s32 s5, s23  }
0xa7: {  	[tilespmem:s13], [sflag:$0x1] =	stream.indirect.gather [spmem:s2], $0x40, s12, s10, $0xb8;
	[tilespmem:$0x1C400] =	vst v63  }
0xa8: {  	s29 =	sadd.s32 $0xA7C0, s6  }
0xa9: {  	[tilespmem:s31], [sflag:$0x7] =	stream.linear.gather [hbm4b:s29+s4], $0x100, $0x38;
	[tilespmem:$0x1C400] =	vst v63  }
0xaa: {  	_ =	swait.ge [sflag:s25], $0x2000  }
0xab: {  	[sflag:s25] =	ssyncset.done $0x0  }
0xac: {  	[sflag:s25] =	ssyncadd.s32 $0xFFFFE000  }
0xad: {  	_ =	swait.ge [sflag:s25], $0x2000  }
0xae: {  	[sflag:s25] =	ssyncset.done $0x0  }
0xaf: {  	s8 =	sadd.s32 @!p0 $0xA00, s8;
	s29 =	simm.s32 @!p0 $0x1C000;
	[sflag:s25] =	ssyncadd.s32 $0xFFFFE000  }
0xb0: {  	[tilespmem:s29], [sflag:$0x5] =	stream.linear.gather @!p0 [hbm4b:s8+s28], $0x100, $0x38;
	[tilespmem:$0x1C400] =	vst v63  }
0xb1: {  	_ =	swait.ge [sflag:s14], $0x100  }
0xb2: {  	[sflag:s14] =	ssyncset.done $0x0  }
0xb3: {  	[sflag:s14] =	ssyncadd.s32 $0xFFFFFF00  }
0xb4: {  	[spmem:s3] =	stream.indirect.scatter.add.f32 [tilespmem:s11], [sflag:$0x3], $0x40, s31, s10, $0xb8;
	[tilespmem:$0x1C400] =	vst v63  }
0xb5: {  	_ = 	snop  }
0xb6: {  	[spmem:s3] =	stream.indirect.scatter.add.f32 [tilespmem:s13], [sflag:$0x3], $0x40, s15, s10, $0xb8;
	[tilespmem:$0x1C400] =	vst v63  }
0xb7: {  	_ =	swait.ge [sflag:s22], $0x2000  }
.Ltmp2:
0xb8: {  	[sflag:s22] =	ssyncset.done $0x0;
	(pc) =	sbr.rel @p0 .LBB2_4-.Ltmp2, $4  }
0xb9: {  	[sflag:s22] =	ssyncadd.s32 $0xFFFFE000  }
0xba: {  	_ =	swait.ge [sflag:s22], $0x2000  }
0xbb: {  	[sflag:s22] =	ssyncset.done $0x0  }
0xbc: {  	[sflag:s22] =	ssyncadd.s32 $0xFFFFE000  }
0xbd: {  	_ =	swait.ge [sflag:s16], $0x100  }
0xbe: {  	[sflag:s16] =	ssyncset.done $0x0  }
0xbf: {  	[sflag:s16] =	ssyncadd.s32 $0xFFFFFF00  }
0xc0: {  	[tilespmem:s7], [sflag:$0x2] =	stream.indirect.gather [spmem:s2], $0x40, s0, s10, $0xb8;
	[tilespmem:$0x1C400] =	vst v63  }
.Ltmp3:
0xc1: {  	_ = 	snop;
	(pc) =	sbr.rel .LBB2_2-.Ltmp3, $4  }
0xc2: {  	_ = 	snop  }
0xc3: {  	[tilespmem:s18], [sflag:$0x2] =	stream.indirect.gather [spmem:s2], $0x40, s17, s10, $0xb8;
	[tilespmem:$0x1C400] =	vst v63  }
0xc4: {  	s6 =	sadd.s32 $0xA7E0, s6;
	s5 =	sadd.s32 $0x40, s5  }
0xc5: {  	[tilespmem:s1], [sflag:$0x8] =	stream.linear.gather [hbm4b:s6+s4], $0x100, $0x38;
	[tilespmem:$0x1C400] =	vst v63  }
.LBB2_5:
0xc6: {  	_ =	sfence.sel $0x180000  }
0xc7: {  	[bflag:$0x0] =	sbarrier.arrive $0xFFFF  }
0xc8: {  	_ =	strace $0x9000004A  }
0xc9: {  	s0 =	stileid.u32;
	[bflag:$0x2] =	sbarrier.arrive $0xFFFF  }
0xca: {  	p0 =	sne.s32 s0, $0x0;
	s0 =	rddreg [dreg:$0x4]  }
0xcb: {  	s0 =	sadd.s32 @!p0 $0x100000, s0  }
0xcc: {  	[sflag:s0] =	ssyncadd.tile.s32 @!p0 $0x1;
	_ =	shalt  }
.Lfunc_end2:
_tile_overlayer_lowered:
.L_overlay_start_2:
0xcd: {  	(tag) =	ssettag $0x2  }
0xce: {  	s0 =	rddreg [dreg:$0x0];
	s2 =	stileid.u32  }
0xcf: {  	s1 =	rddreg [dreg:$0x1];
	p0 =	sne.s32 s2, $0x0  }
0xd0: {  	s3 =	rddreg [dreg:$0x2];
	[bflag:$0x3] =	sbarrier.arrive $0xFFFF;
	s2 =	simm.s32 @!p0 $0x1C09  }
0xd1: {  	[timem:s3], [sflag:s2] =	dma.local @!p0 [hbm:s0], s1  }
0xd2: {  	s0 =	simm.s32 @!p0 $0x9  }
0xd3: {  	_ =	swait.ge @!p0 [sflag:s0], s1  }
0xd4: {  	s1 =	ssub.s32 @!p0 $0x0, s1;
	[sflag:s0] =	ssyncset.done @!p0 $0x0  }
0xd5: {  	[sflag:s0] =	ssyncadd.s32 @!p0 s1  }
0xd6: {  	[bflag:$0x3] =	sbarrier.arrive $0xFFFF  }
0xd7: {  	_ =	shalt  }

// kernel: kernel.14.cloned.1.call-start
scs
__scs_entry_jumppad:
0x0: {  	(pc) =	sbr.rel $0x88, $3  }
0x1: {  	(tag) =	ssettag $0x0;
	lr =	simm.s32 $0x1  }
0x2: {  	[smem:$0x3F99] =	sst lr;
	_ =	strace $0xD0000000  }
0x3: {  	_ = 	snop  }
0x4: {  	_ = 	snop  }
0x5: {  	_ = 	snop  }
0x6: {  	_ = 	snop  }
0x7: {  	_ = 	snop  }
__scs_overlays_trampoline_lowered:
0x8: {  	[smem:$0x3FA8] =	sst s0  }
0x9: {  	[smem:$0x3FA9] =	sst s1  }
0xa: {  	[smem:$0x3FAA] =	sst s2  }
0xb: {  	[smem:$0x3FAB] =	sst s3  }
0xc: {  	[smem:$0x3FAC] =	sst s4  }
0xd: {  	[smem:$0x3FAD] =	sst s5  }
0xe: {  	[smem:$0x3FAE] =	sst s6  }
0xf: {  	[smem:$0x3FAF] =	sst s7  }
0x10: {  	[smem:$0x3FB0] =	sst s8  }
0x11: {  	[smem:$0x3FB1] =	sst s9;
	s0 =	simm.s32 @!p0 $0x0  }
0x12: {  	s1 =	sld [smem:$0x3F97];
	s0 =	simm.s32 @p0 $0x1  }
0x13: {  	[smem:$0x3FB2] =	sst s0;
	s0 =	simm.s32 @!p1 $0x0  }
0x14: {  	s2 =	sld [smem:$0x3F96];
	s0 =	simm.s32 @p1 $0x1  }
0x15: {  	[smem:$0x3FB3] =	sst s0;
	s0 =	simm.s32 @!p2 $0x0  }
0x16: {  	s3 =	sld [smem:$0x3FDB];
	s0 =	simm.s32 @p2 $0x1  }
0x17: {  	s4 =	simm.s32 $0x1BF5;
	[smem:$0x3FB5] =	sst s0  }
0x18: {  	s0 =	sld [smem:$0x3F98];
	_ =	swait.ge [sflag:s4], $0x0  }
0x19: {  	s7 =	sld [smem:$0x3F99]  }
0x1a: {  	s8 =	sadd.s32 $0xFFFFE003, lr  }
0x1b: {  	s9 =	sadd.s32 $0xFFFFFEF7, lr;
	s5 =	simm.s32 $0xFFFFFFFF;
	p2 =	slt.u32 s8, $0xFFFFF086  }
0x1c: {  	p1 =	slt.u32 s9, $0xF7A;
	s5 =	simm.s32 @!p2 $0x0  }
0x1d: {  	s5 =	simm.s32 @p1 $0x1;
	p0 =	seq.s32 s7, s2  }
0x1e: {  	s7 =	smul.u32 @!p0 $0xF7A, s2;
	p2 =	seq.s32 @!p0 s5, $0x0  }
0x1f: {  	s9 =	smul.u32 $0xF7A, s1;
	s8 =	simm.s32 @!p0 $0x1BF5;
	p2 =	por !p2, p0  }
0x20: {  	[sflag:s8] =	ssyncset.s32 @!p0 $0xFFFFF086;
	s6 =	sadd.s32 @!p0 s3, s7;
	s7 =	simm.s32 @!p0 $0x108  }
0x21: {  	s3 =	sadd.s32 s3, s9;
	s6 =	sadd.s32 @!p0 $0x88, s6;
	s7 =	simm.s32 @p2 $0x1082  }
0x22: {  	[simem:s7], [sflag:s8] =	dma.local @!p0 [hbm:s6], $0xF7A  }
0x23: {  	s9 =	sor.u32 $0xD0000000, s2;
	s6 =	simm.s32 $0x108;
	_ =	swait.ge @!p0 [sflag:s8], $0x0  }
0x24: {  	s3 =	sadd.s32 $0x88, s3;
	s6 =	simm.s32 @!p1 $0x1082;
	[sflag:s4] =	ssyncset.s32 $0xFFFFF086  }
0x25: {  	[simem:s6], [sflag:s4] =	dma.local [hbm:s3], $0xF7A  }
0x26: {  	[smem:$0x3F99] =	sst s1;
	(tag) =	ssettag s2;
	_ =	strace s9  }
0x27: {  	s1 =	sld [smem:$0x3FA9]  }
0x28: {  	s2 =	sld [smem:$0x3FAA]  }
0x29: {  	s4 =	sld [smem:$0x3FAC]  }
0x2a: {  	p0 =	seq.s32 s5, $0x0;
	s5 =	sld [smem:$0x3FAD]  }
0x2b: {  	s6 =	sld [smem:$0x3FAE]  }
0x2c: {  	s7 =	sld [smem:$0x3FAF]  }
0x2d: {  	s3 =	simm.s32 $0x108;
	s8 =	sld [smem:$0x3FB0]  }
0x2e: {  	s3 =	simm.s32 @!p0 $0x1082;
	s9 =	sld [smem:$0x3FB1]  }
0x2f: {  	lr =	sadd.s32 s0, s3;
	s0 =	sld [smem:$0x3FA8]  }
0x30: {  	s3 =	sld [smem:$0x3FAB]  }
0x31: {  	[smem:$0x3FB4] =	sst s10  }
0x32: {  	s10 =	sld [smem:$0x3FB2];
	_ =	sdelay $0x3  }
0x33: {  	p0 =	seq.s32 s10, $0x1;
	s10 =	sld [smem:$0x3FB4];
	_ =	sdelay $0x3  }
0x34: {  	[smem:$0x3FB4] =	sst s10  }
0x35: {  	s10 =	sld [smem:$0x3FB3];
	_ =	sdelay $0x3  }
0x36: {  	p1 =	seq.s32 s10, $0x1;
	s10 =	sld [smem:$0x3FB4];
	_ =	sdelay $0x3  }
0x37: {  	[smem:$0x3FB4] =	sst s10  }
0x38: {  	s10 =	sld [smem:$0x3FB5]  }
0x39: {  	_ = 	snop;
	(pc) =	sbr.ind lr, $3  }
0x3a: {  	_ = 	snop  }
0x3b: {  	_ = 	snop  }
0x3c: {  	p2 =	seq.s32 s10, $0x1;
	s10 =	sld [smem:$0x3FB4]  }
0x3d: {  	_ =	shalt  }
0x3e: {  	_ =	shalt  }
0x3f: {  	_ =	shalt  }
0x40: {  	_ =	shalt  }
0x41: {  	_ =	shalt  }
0x42: {  	_ =	shalt  }
0x43: {  	_ =	shalt  }
0x44: {  	_ =	shalt  }
0x45: {  	_ =	shalt  }
0x46: {  	_ =	shalt  }
0x47: {  	_ =	shalt  }
0x48: {  	_ =	shalt  }
0x49: {  	_ =	shalt  }
0x4a: {  	_ =	shalt  }
0x4b: {  	_ =	shalt  }
0x4c: {  	_ =	shalt  }
0x4d: {  	_ =	shalt  }
0x4e: {  	_ =	shalt  }
0x4f: {  	_ =	shalt  }
0x50: {  	_ =	shalt  }
0x51: {  	_ =	shalt  }
0x52: {  	_ =	shalt  }
0x53: {  	_ =	shalt  }
0x54: {  	_ =	shalt  }
0x55: {  	_ =	shalt  }
0x56: {  	_ =	shalt  }
0x57: {  	_ =	shalt  }
0x58: {  	_ =	shalt  }
0x59: {  	_ =	shalt  }
0x5a: {  	_ =	shalt  }
0x5b: {  	_ =	shalt  }
0x5c: {  	_ =	shalt  }
0x5d: {  	_ =	shalt  }
0x5e: {  	_ =	shalt  }
0x5f: {  	_ =	shalt  }
0x60: {  	_ =	shalt  }
0x61: {  	_ =	shalt  }
0x62: {  	_ =	shalt  }
0x63: {  	_ =	shalt  }
0x64: {  	_ =	shalt  }
0x65: {  	_ =	shalt  }
0x66: {  	_ =	shalt  }
0x67: {  	_ =	shalt  }
0x68: {  	_ =	shalt  }
0x69: {  	_ =	shalt  }
0x6a: {  	_ =	shalt  }
0x6b: {  	_ =	shalt  }
0x6c: {  	_ =	shalt  }
0x6d: {  	_ =	shalt  }
0x6e: {  	_ =	shalt  }
0x6f: {  	_ =	shalt  }
0x70: {  	_ =	shalt  }
0x71: {  	_ =	shalt  }
0x72: {  	_ =	shalt  }
0x73: {  	_ =	shalt  }
0x74: {  	_ =	shalt  }
0x75: {  	_ =	shalt  }
0x76: {  	_ =	shalt  }
0x77: {  	_ =	shalt  }
0x78: {  	_ =	shalt  }
0x79: {  	_ =	shalt  }
0x7a: {  	_ =	shalt  }
0x7b: {  	_ =	shalt  }
0x7c: {  	_ =	shalt  }
0x7d: {  	_ =	shalt  }
0x7e: {  	_ =	shalt  }
0x7f: {  	_ =	shalt  }
0x80: {  	_ =	shalt  }
0x81: {  	_ =	shalt  }
0x82: {  	_ =	shalt  }
0x83: {  	_ =	shalt  }
0x84: {  	_ =	shalt  }
0x85: {  	_ =	shalt  }
0x86: {  	_ =	shalt  }
0x87: {  	_ =	shalt  }
.Lfunc_end0:
.L_simem_size_0:
called_computation.2_lowered:
.L_overlay_start_0:
0x88: {  	s2 =	sld [smem:$0x3FD9]  }
0x89: {  	s3 =	sld [smem:$0x3FFE];
	_ =	sdelay $0x1  }
0x8a: {  	s1 =	srdreg.scid  }
0x8b: {  	s0 =	sand.u32 $0x1, s1  }
0x8c: {  	s17 =	sshll.u32 s0, $0xA;
	s2 =	sadd.s32 s3, s2  }
0x8d: {  	s2 =	sadd.s32 s2, s17  }
0x8e: {  	[smem:$0x3FC0] =	sst s2  }
0x8f: {  	_ = 	snop  }
0x90: {  	s2 =	sld [smem:$0x3FD0];
	(tm) =	ssettm $0x1  }
0x91: {  	s18 =	sld [smem:$0x3FFB];
	_ =	sdelay $0x3  }
0x92: {  	_ =	strace s18  }
0x93: {  	s3 =	sld [smem:$0x3FFC];
	_ =	sdelay $0x3  }
0x94: {  	_ =	strace s3  }
0x95: {  	s3 =	sld [smem:$0x3FFD];
	_ =	sdelay $0x3  }
0x96: {  	_ =	strace s3  }
0x97: {  	_ =	strace $0x8FFFFFFF  }
0x98: {  	s19 =	sld [smem:$0x3FDB];
	_ =	sdelay $0x1  }
0x99: {  	s4 =	simm.s32 $_scs_section_size  }
0x9a: {  	s5 =	simm.s32 $_size__tile_overlayer_lowered;
	s6 =	simm.s32 $_tile_overlayer_lowered  }
0x9b: {  	s22 =	simm.s32 $0x1BFF;
	s21 =	sshll.u32 s6, $0x1;
	s3 =	sadd.s32 s4, s19  }
0x9c: {  	s7 =	simm.s32 $0x0;
	s20 =	sshll.u32 s5, $0x1;
	s5 =	sadd.s32 s21, s3  }
0x9d: {  	[timem:s7], [sflag:s22] =	dma.local [hbm:s5], s20  }
0x9e: {  	_ =	swait.ge [sflag:s22], s20  }
0x9f: {  	s4 =	ssub.s32 $0x0, s20;
	[sflag:s22] =	ssyncset.done $0x0  }
0xa0: {  	[sflag:s22] =	ssyncadd.s32 s4;
	_ =	sdelay $0x1  }
0xa1: {  	s23 =	simm.s32 $0x1B8B  }
0xa2: {  	_ =	swait.ge [sflag:s23], $0x1  }
0xa3: {  	[sflag:s23] =	ssyncset.done $0x0  }
0xa4: {  	s25 =	simm.s32 $0x1B8E;
	s24 =	sld [smem:$0x3FFE];
	[sflag:s23] =	ssyncadd.s32 $0xFFFFFFFF  }
0xa5: {  	s26 =	simm.s32 $execute0_lowered;
	[smem:$0x3FD2] =	sst s25  }
0xa6: {  	s5 =	sshll.u32 s26, $0x1;
	_ =	strace $0x8000004C;
	[dreg:$0x1] =	wrdreg $0xFFFFFFFF  }
0xa7: {  	s28 =	simm.s32 $_size_execute0_lowered;
	s3 =	sadd.s32 s3, s5;
	[dreg:$0x0] =	wrdreg $0x0  }
0xa8: {  	s5 =	sshll.u32 s28, $0x1;
	[dreg:$0x2] =	wrdreg s3  }
0xa9: {  	[dreg:$0x3] =	wrdreg s5  }
0xaa: {  	[dreg:$0x4] =	wrdreg $0xC0  }
0xab: {  	_ =	task [dreg:s7], $0x5FFFF  }
0xac: {  	[dreg:$0x1] =	wrdreg $0xFFFFFFFF  }
0xad: {  	[dreg:$0x0] =	wrdreg $0x60  }
0xae: {  	[dreg:$0x2] =	wrdreg s24  }
0xaf: {  	[dreg:$0x3] =	wrdreg s2  }
0xb0: {  	[dreg:$0x4] =	wrdreg $0x0  }
0xb1: {  	[dreg:$0x5] =	wrdreg $0xA0000  }
0xb2: {  	[dreg:$0x6] =	wrdreg $0x9  }
0xb3: {  	_ =	task.clear_ibuf [dreg:s7], $0x7FFFF;
	_ =	strace $0x9000004C  }
0xb4: {  	s29 =	simm.s32 $0x9;
	_ =	strace $0x8000004E  }
0xb5: {  	_ =	swait.ge [sflag:s29], $0x1  }
0xb6: {  	[sflag:s29] =	ssyncadd.s32 $0xFFFFFFFF  }
0xb7: {  	_ =	strace $0x9000004E  }
0xb8: {  	_ =	sfence  }
0xb9: {  	s30 =	sld [smem:$0x0];
	_ =	sdelay $0x2  }
0xba: {  	s31 =	sshll.u32 s1, $0xD;
	s1 =	sshrl.u32 s1, $0x2  }
0xbb: {  	s3 =	sand.u32 $0x4000, s31;
	s1 =	sadd.s32 s1, s30  }
0xbc: {  	s0 =	sor.u32 s3, s0;
	s1 =	sshll.u32 s1, $0x11  }
0xbd: {  	s0 =	sor.u32 s1, s0  }
0xbe: {  	s0 =	sadd.s32 $0x8F2B, s0  }
0xbf: {  	[sflag:s0] =	ssyncadd.remote.s32 $0x1  }
0xc0: {  	_ =	sfence.sel $0xFFFF  }
0xc1: {  	[dreg:$0x0] =	wrdreg $0xFFFFFFFF;
	(pc) =	sbr.abs _section_cstart, $3  }
0xc2: {  	[dreg:$0x1] =	wrdreg $0xFFFFFFFF  }
0xc3: {  	_ =	task.clear_ibuf [dreg:s7], $0x2FFFF;
	_ =	strace $0x9FFFFFFF  }
0xc4: {  	(tm) =	ssettm $0x7FFFFFFF  }
0xc5: {  	_ =	shalt  }
tec
execute0_lowered:
.L_overlay_start_1:
0x0: {  	(tag) =	ssettag $0x1  }
0x1: {  	s1 =	rddreg [dreg:$0x0]  }
0x2: {  	s0 =	rddreg [dreg:$0x1]  }
0x3: {  	s2 =	rddreg [dreg:$0x2]  }
0x4: {  	s3 =	rddreg [dreg:$0x3];
	s18 =	stileid.u32  }
0x5: {  	s5 =	srdreg.scid;
	s6 =	smul.u32 $0x14000, s18  }
0x6: {  	s4 =	simm.s32 $0x0;
	s30 =	simm.s32 $0x1C000;
	s8 =	smul.u32 $0xA000, s18  }
0x7: {  	s31 =	simm.s32 $0x1C100;
	s5 =	sand.u32 $0x1, s5;
	s11 =	smul.u32 $0x4F00, s18  }
0x8: {  	[smem:$0x7FF] =	sst s4;
	s17 =	smul.u32 $0x280, s18;
	s13 =	sshll.u32 s18, $0x6  }
0x9: {  	s7 =	sshll.u32 s5, $0x6;
	_ =	strace $0x8000004D;
	s5 =	ssub.s32 $0x2, s5  }
0xa: {  	s20 =	sor.u32 $0x1C09, s13;
	s6 =	sor.u32 s7, s6;
	s10 =	sshrl.u32 s5, $0x1  }
0xb: {  	s12 =	sadd.s32 s8, s2;
	s11 =	sshrl.u32 s11, $0x3;
	[dreg:$0x6] =	wrdreg s20  }
0xc: {  	s28 =	sadd.s32 s8, s3;
	s22 =	sadd.s32 $0x80, s17;
	s26 =	sadd.s32 $0x100, s17  }
0xd: {  	s14 =	sadd.s32 $0x180, s17;
	s6 =	sshrl.u32 s6, $0x3;
	s5 =	ssub.s32 s5, s10  }
0xe: {  	s19 =	sadd.s32 s0, s11;
	s25 =	sshll.u32 s22, $0x7;
	s15 =	sshll.u32 s26, $0x7  }
0xf: {  	s10 =	sadd.s32 $0x200, s17;
	s16 =	sshll.u32 s14, $0x7;
	s13 =	sshll.u32 s26, $0x6  }
0x10: {  	s20 =	sshll.u32 s14, $0x6;
	s14 =	simm.s32 $0x7;
	[dreg:$0x8] =	wrdreg s28  }
0x11: {  	s9 =	sadd.s32 s6, s1;
	s1 =	sadd.s32 $0x3D800, s1;
	s21 =	sadd.s32 $0x9E00, s19  }
0x12: {  	s23 =	sadd.s32 $0x20, s19;
	s24 =	sadd.s32 $0x9E20, s19;
	s11 =	sor.u32 s7, s25  }
0x13: {  	s15 =	sor.u32 s7, s15;
	s16 =	sor.u32 s7, s16;
	[dreg:$0x7] =	wrdreg s19  }
0x14: {  	s17 =	sshll.u32 s10, $0x7;
	s29 =	sadd.s32 $0x40, s19;
	[dreg:$0x9] =	wrdreg s21  }
0x15: {  	s25 =	smul.u32 $0x9E0, s18;
	s5 =	smax.u32 s5, $0x1;
	[dreg:$0xa] =	wrdreg s23  }
0x16: {  	s18 =	simm.s32 $0x1A000;
	s9 =	sadd.s32 $0x15800, s9;
	[dreg:$0xb] =	wrdreg s24  }
0x17: {  	s7 =	sor.u32 s7, s17;
	[dreg:$0xc] =	wrdreg s29;
	s6 =	sadd.s32 s1, s6  }
0x18: {  	s17 =	sshrl.u32 s11, $0x3;
	s19 =	sshrl.u32 s15, $0x3;
	s23 =	sshrl.u32 s16, $0x3  }
0x19: {  	[dreg:$0x16] =	wrdreg s5;
	s29 =	sshrl.u32 s12, $0x3;
	s11 =	simm.s32 $0x14000  }
0x1a: {  	s12 =	simm.s32 $0x1C080;
	s15 =	simm.s32 $0x1C180;
	[dreg:$0x5] =	wrdreg s9  }
0x1b: {  	s16 =	simm.s32 $0x6;
	s9 =	sshll.u32 s22, $0x6;
	[dreg:$0xe] =	wrdreg s6  }
0x1c: {  	s6 =	sadd.s32 s13, s3;
	s21 =	sadd.s32 s1, s19;
	s22 =	sshll.u32 s10, $0x6  }
0x1d: {  	s7 =	sshrl.u32 s7, $0x3;
	s24 =	sadd.s32 s1, s23;
	s23 =	sadd.s32 s25, s0  }
0x1e: {  	[dreg:$0x17] =	wrdreg s29;
	s25 =	simm.s32 $0x1;
	s0 =	simm.s32 $0x1C200  }
0x1f: {  	s10 =	simm.s32 $0x80;
	s13 =	simm.s32 $0x16000;
	[dreg:$0xf] =	wrdreg s6  }
0x20: {  	s19 =	simm.s32 $0x2;
	s9 =	sadd.s32 s9, s3;
	[dreg:$0x11] =	wrdreg s21  }
0x21: {  	s6 =	sadd.s32 s1, s17;
	[dreg:$0x12] =	wrdreg s24;
	s1 =	sadd.s32 s1, s7  }
0x22: {  	s26 =	sadd.s32 s22, s3;
	s7 =	simm.s32 $0x18000;
	[dreg:$0xd] =	wrdreg s9  }
.Ltmp0:
0x23: {  	s17 =	simm.s32 $0x1C280;
	[dreg:$0x10] =	wrdreg s6;
	(pc) =	sbr.rel .LBB2_1-.Ltmp0, $4  }
0x24: {  	s21 =	simm.s32 $0x3;
	s22 =	simm.s32 $0x4;
	[dreg:$0x13] =	wrdreg s1  }
0x25: {  	s24 =	simm.s32 $0x9;
	s6 =	sadd.s32 s20, s3;
	[dreg:$0x15] =	wrdreg s26  }
0x26: {  	s26 =	simm.s32 $0x8;
	s1 =	simm.s32 $0x1C300;
	s9 =	simm.s32 $0x5  }
0x27: {  	s20 =	simm.s32 $0x1C380;
	[dreg:$0x14] =	wrdreg s6;
	s6 =	simm.s32 $0x0  }
.LBB2_4:
0x28: {  	_ =	swait.ge [sflag:s21], $0x2000  }
0x29: {  	[sflag:s21] =	ssyncset.done $0x0  }
0x2a: {  	[sflag:s21] =	ssyncadd.s32 $0xFFFFE000  }
0x2b: {  	_ =	swait.ge [sflag:s21], $0x2000  }
0x2c: {  	[sflag:s21] =	ssyncset.done $0x0  }
0x2d: {  	[sflag:s21] =	ssyncadd.s32 $0xFFFFE000  }
0x2e: {  	[bflag:$0x0] =	sbarrier.arrive $0xFFFF  }
0x2f: {  	s28 =	rddreg [dreg:$0x8]  }
0x30: {  	[tilespmem:s11], [sflag:$0x1] =	stream.linear.gather [spmem:s28], $0x2000, $0x38;
	[tilespmem:$0x1C400] =	vst v63  }
0x31: {  	_ =	swait.ge [sflag:s25], $0x2000  }
0x32: {  	[sflag:s25] =	ssyncset.done $0x0  }
0x33: {  	s5 =	rddreg [dreg:$0xd];
	[sflag:s25] =	ssyncadd.s32 $0xFFFFE000  }
0x34: {  	[tilespmem:s13], [sflag:$0x1] =	stream.linear.gather [spmem:s5], $0x2000, $0x38;
	[tilespmem:$0x1C400] =	vst v63  }
0x35: {  	s6 =	simm.s32 $0x40;
	s8 =	rddreg [dreg:$0xe]  }
0x36: {  	[hbm4b:s8+s6] =	stream.strided.scatter [tilespmem:s11], [sflag:$0x3], $0x2000, s10, s6, $0x38;
	[tilespmem:$0x1C400] =	vst v63  }
0x37: {  	_ =	swait.ge [sflag:s25], $0x2000  }
0x38: {  	[sflag:s25] =	ssyncset.done $0x0  }
0x39: {  	s29 =	rddreg [dreg:$0xf];
	[sflag:s25] =	ssyncadd.s32 $0xFFFFE000  }
0x3a: {  	[tilespmem:s7], [sflag:$0x1] =	stream.linear.gather [spmem:s29], $0x2000, $0x38;
	[tilespmem:$0x1C400] =	vst v63  }
0x3b: {  	s8 =	rddreg [dreg:$0x10]  }
0x3c: {  	[hbm4b:s8+s6] =	stream.strided.scatter [tilespmem:s13], [sflag:$0x3], $0x2000, s10, s6, $0x38;
	[tilespmem:$0x1C400] =	vst v63  }
0x3d: {  	_ =	swait.ge [sflag:s25], $0x2000  }
0x3e: {  	[sflag:s25] =	ssyncset.done $0x0  }
0x3f: {  	s29 =	rddreg [dreg:$0x14];
	[sflag:s25] =	ssyncadd.s32 $0xFFFFE000  }
0x40: {  	[tilespmem:s18], [sflag:$0x1] =	stream.linear.gather [spmem:s29], $0x2000, $0x38;
	[tilespmem:$0x1C400] =	vst v63  }
0x41: {  	s8 =	rddreg [dreg:$0x11]  }
0x42: {  	[hbm4b:s8+s6] =	stream.strided.scatter [tilespmem:s7], [sflag:$0x3], $0x2000, s10, s6, $0x38;
	[tilespmem:$0x1C400] =	vst v63  }
0x43: {  	_ =	swait.ge [sflag:s25], $0x2000  }
0x44: {  	[sflag:s25] =	ssyncset.done $0x0  }
0x45: {  	[sflag:s25] =	ssyncadd.s32 $0xFFFFE000  }
0x46: {  	_ =	swait.ge [sflag:s21], $0x2000  }
0x47: {  	[sflag:s21] =	ssyncset.done $0x0  }
0x48: {  	s29 =	rddreg [dreg:$0x15];
	[sflag:s21] =	ssyncadd.s32 $0xFFFFE000  }
0x49: {  	[tilespmem:s11], [sflag:$0x1] =	stream.linear.gather [spmem:s29], $0x2000, $0x38;
	[tilespmem:$0x1C400] =	vst v63  }
0x4a: {  	s8 =	rddreg [dreg:$0x12]  }
0x4b: {  	[hbm4b:s8+s6] =	stream.strided.scatter [tilespmem:s18], [sflag:$0x3], $0x2000, s10, s6, $0x38;
	[tilespmem:$0x1C400] =	vst v63  }
0x4c: {  	_ =	swait.ge [sflag:s25], $0x2000  }
0x4d: {  	[sflag:s25] =	ssyncset.done $0x0  }
0x4e: {  	s29 =	rddreg [dreg:$0x13];
	[sflag:s25] =	ssyncadd.s32 $0xFFFFE000  }
0x4f: {  	[hbm4b:s29+s6] =	stream.strided.scatter [tilespmem:s11], [sflag:$0x3], $0x2000, s10, s6, $0x38;
	[tilespmem:$0x1C400] =	vst v63  }
0x50: {  	_ =	swait.ge [sflag:s21], $0x2000  }
0x51: {  	[sflag:s21] =	ssyncset.done $0x0  }
0x52: {  	[sflag:s21] =	ssyncadd.s32 $0xFFFFE000  }
0x53: {  	_ =	swait.ge [sflag:s21], $0x2000  }
0x54: {  	[sflag:s21] =	ssyncset.done $0x0  }
0x55: {  	[sflag:s21] =	ssyncadd.s32 $0xFFFFE000  }
0x56: {  	_ =	swait.ge [sflag:s21], $0x2000  }
0x57: {  	[sflag:s21] =	ssyncset.done $0x0  }
0x58: {  	[sflag:s21] =	ssyncadd.s32 $0xFFFFE000  }
0x59: {  	_ =	swait.ge [sflag:s21], $0x2000  }
0x5a: {  	s8 =	rddreg [dreg:$0x18]  }
0x5b: {  	s29 =	rddreg [dreg:$0x16];
	s6 =	sadd.s32 $0x1, s8  }
0x5c: {  	p0 =	sne.s32 s6, s29  }
.Ltmp1:
0x5d: {  	_ = 	snop;
	(pc) =	sbr.rel @!p0 .LBB2_5-.Ltmp1, $3  }
0x5e: {  	_ =	sdelay $0x1  }
0x5f: {  	[sflag:s21] =	ssyncset.done $0x0  }
0x60: {  	[sflag:s21] =	ssyncadd.s32 $0xFFFFE000  }
.LBB2_1:
0x61: {  	[dreg:$0x18] =	wrdreg s6  }
0x62: {  	s6 =	rddreg [dreg:$0x5]  }
0x63: {  	s8 =	rddreg [dreg:$0x6]  }
0x64: {  	s5 =	rddreg [dreg:$0x17];
	s29 =	simm.s32 $0x10  }
0x65: {  	[spmem:s5@s26], [sflag:s8] =	dma.strided [hbm:s6@s29], $0x1400, s25, $0x8   }
0x66: {  	_ =	swait.ge [sflag:s24], $0x1400  }
0x67: {  	[sflag:s24] =	ssyncset.done $0x0  }
0x68: {  	s28 =	sshrl.u32 s28, $0x3;
	[sflag:s24] =	ssyncadd.s32 $0xFFFFEC00  }
0x69: {  	[spmem:s28@s26], [sflag:s8] =	dma.strided [hbm:s6@s29], $0x1400, s25, $0x8   }
0x6a: {  	_ =	swait.ge [sflag:s24], $0x1400  }
0x6b: {  	[sflag:s24] =	ssyncset.done $0x0  }
0x6c: {  	[sflag:s24] =	ssyncadd.s32 $0xFFFFEC00  }
0x6d: {  	[bflag:$0x0] =	sbarrier.arrive $0xFFFF  }
0x6e: {  	s29 =	rddreg [dreg:$0x7]  }
0x6f: {  	[tilespmem:s30], [sflag:$0x5] =	stream.linear.gather [hbm4b:s29+s4], $0x100, $0x38;
	[tilespmem:$0x1C400] =	vst v63  }
0x70: {  	s6 =	rddreg [dreg:$0x9]  }
0x71: {  	[tilespmem:s31], [sflag:$0x7] =	stream.linear.gather [hbm4b:s6+s4], $0x100, $0x38;
	[tilespmem:$0x1C400] =	vst v63  }
0x72: {  	s8 =	rddreg [dreg:$0xa]  }
0x73: {  	[tilespmem:s0], [sflag:$0x6] =	stream.linear.gather [hbm4b:s8+s4], $0x100, $0x38;
	[tilespmem:$0x1C400] =	vst v63  }
0x74: {  	s28 =	rddreg [dreg:$0xb]  }
0x75: {  	[tilespmem:s1], [sflag:$0x8] =	stream.linear.gather [hbm4b:s28+s4], $0x100, $0x38;
	[tilespmem:$0x1C400] =	vst v63  }
0x76: {  	_ =	swait.ge [sflag:s9], $0x100  }
0x77: {  	[sflag:s9] =	ssyncset.done $0x0  }
0x78: {  	[sflag:s9] =	ssyncadd.s32 $0xFFFFFF00  }
0x79: {  	[tilespmem:s11], [sflag:$0x1] =	stream.indirect.gather [spmem:s2], $0x40, s30, s10, $0xb8;
	[tilespmem:$0x1C400] =	vst v63  }
0x7a: {  	_ = 	snop  }
0x7b: {  	[tilespmem:s13], [sflag:$0x1] =	stream.indirect.gather [spmem:s2], $0x40, s12, s10, $0xb8;
	[tilespmem:$0x1C400] =	vst v63  }
0x7c: {  	_ =	swait.ge [sflag:s25], $0x2000  }
0x7d: {  	[sflag:s25] =	ssyncset.done $0x0  }
0x7e: {  	[sflag:s25] =	ssyncadd.s32 $0xFFFFE000  }
0x7f: {  	_ =	swait.ge [sflag:s25], $0x2000  }
0x80: {  	[sflag:s25] =	ssyncset.done $0x0  }
0x81: {  	s29 =	rddreg [dreg:$0xc];
	[sflag:s25] =	ssyncadd.s32 $0xFFFFE000  }
0x82: {  	[tilespmem:s30], [sflag:$0x5] =	stream.linear.gather [hbm4b:s29+s4], $0x100, $0x38;
	[tilespmem:$0x1C400] =	vst v63  }
0x83: {  	_ =	swait.ge [sflag:s14], $0x100  }
0x84: {  	[sflag:s14] =	ssyncset.done $0x0  }
0x85: {  	[sflag:s14] =	ssyncadd.s32 $0xFFFFFF00  }
0x86: {  	[spmem:s3] =	stream.indirect.scatter.add.f32 [tilespmem:s11], [sflag:$0x3], $0x40, s31, s10, $0xb8;
	[tilespmem:$0x1C400] =	vst v63  }
0x87: {  	_ = 	snop  }
0x88: {  	[spmem:s3] =	stream.indirect.scatter.add.f32 [tilespmem:s13], [sflag:$0x3], $0x40, s15, s10, $0xb8;
	[tilespmem:$0x1C400] =	vst v63  }
0x89: {  	_ =	swait.ge [sflag:s16], $0x100  }
0x8a: {  	[sflag:s16] =	ssyncset.done $0x0  }
0x8b: {  	[sflag:s16] =	ssyncadd.s32 $0xFFFFFF00  }
0x8c: {  	[tilespmem:s7], [sflag:$0x2] =	stream.indirect.gather [spmem:s2], $0x40, s0, s10, $0xb8;
	[tilespmem:$0x1C400] =	vst v63  }
0x8d: {  	s5 =	simm.s32 $0xFFFFF680  }
0x8e: {  	[tilespmem:s18], [sflag:$0x2] =	stream.indirect.gather [spmem:s2], $0x40, s17, s10, $0xb8;
	[tilespmem:$0x1C400] =	vst v63  }
.LBB2_2:
0x8f: {  	_ =	swait.ge [sflag:s19], $0x2000  }
0x90: {  	[sflag:s19] =	ssyncset.done $0x0  }
0x91: {  	[sflag:s19] =	ssyncadd.s32 $0xFFFFE000  }
0x92: {  	p0 =	seq.s32 s5, $0x0;
	_ =	swait.ge [sflag:s19], $0x2000  }
0x93: {  	s8 =	sadd.s32 @!p0 s5, s23;
	s28 =	simm.s32 @!p0 $0x0;
	[sflag:s19] =	ssyncset.done $0x0  }
0x94: {  	s29 =	simm.s32 @!p0 $0x1C200;
	s6 =	sadd.s32 @!p0 $0x9E0, s8;
	[sflag:s19] =	ssyncadd.s32 $0xFFFFE000  }
0x95: {  	[tilespmem:s29], [sflag:$0x6] =	stream.linear.gather @!p0 [hbm4b:s6+s28], $0x100, $0x38;
	[tilespmem:$0x1C400] =	vst v63  }
0x96: {  	_ =	swait.ge [sflag:s26], $0x100  }
0x97: {  	[sflag:s26] =	ssyncset.done $0x0  }
0x98: {  	[sflag:s26] =	ssyncadd.s32 $0xFFFFFF00  }
0x99: {  	[spmem:s3] =	stream.indirect.scatter.add.f32 [tilespmem:s7], [sflag:$0x4], $0x40, s1, s10, $0xb8;
	[tilespmem:$0x1C400] =	vst v63  }
0x9a: {  	_ = 	snop  }
0x9b: {  	[spmem:s3] =	stream.indirect.scatter.add.f32 [tilespmem:s18], [sflag:$0x4], $0x40, s20, s10, $0xb8;
	[tilespmem:$0x1C400] =	vst v63  }
0x9c: {  	_ =	swait.ge [sflag:s21], $0x2000  }
0x9d: {  	[sflag:s21] =	ssyncset.done $0x0  }
0x9e: {  	[sflag:s21] =	ssyncadd.s32 $0xFFFFE000  }
0x9f: {  	_ =	swait.ge [sflag:s21], $0x2000  }
0xa0: {  	[sflag:s21] =	ssyncset.done $0x0  }
0xa1: {  	[sflag:s21] =	ssyncadd.s32 $0xFFFFE000  }
0xa2: {  	_ =	swait.ge [sflag:s9], $0x100  }
0xa3: {  	[sflag:s9] =	ssyncset.done $0x0  }
0xa4: {  	[sflag:s9] =	ssyncadd.s32 $0xFFFFFF00  }
0xa5: {  	[tilespmem:s11], [sflag:$0x1] =	stream.indirect.gather [spmem:s2], $0x40, s30, s10, $0xb8;
	[tilespmem:$0x1C400] =	vst v63  }
0xa6: {  	s6 =	sadd.s32 s5, s23  }
0xa7: {  	[tilespmem:s13], [sflag:$0x1] =	stream.indirect.gather [spmem:s2], $0x40, s12, s10, $0xb8;
	[tilespmem:$0x1C400] =	vst v63  }
0xa8: {  	s29 =	sadd.s32 $0xA7C0, s6  }
0xa9: {  	[tilespmem:s31], [sflag:$0x7] =	stream.linear.gather [hbm4b:s29+s4], $0x100, $0x38;
	[tilespmem:$0x1C400] =	vst v63  }
0xaa: {  	_ =	swait.ge [sflag:s25], $0x2000  }
0xab: {  	[sflag:s25] =	ssyncset.done $0x0  }
0xac: {  	[sflag:s25] =	ssyncadd.s32 $0xFFFFE000  }
0xad: {  	_ =	swait.ge [sflag:s25], $0x2000  }
0xae: {  	[sflag:s25] =	ssyncset.done $0x0  }
0xaf: {  	s8 =	sadd.s32 @!p0 $0xA00, s8;
	s29 =	simm.s32 @!p0 $0x1C000;
	[sflag:s25] =	ssyncadd.s32 $0xFFFFE000  }
0xb0: {  	[tilespmem:s29], [sflag:$0x5] =	stream.linear.gather @!p0 [hbm4b:s8+s28], $0x100, $0x38;
	[tilespmem:$0x1C400] =	vst v63  }
0xb1: {  	_ =	swait.ge [sflag:s14], $0x100  }
0xb2: {  	[sflag:s14] =	ssyncset.done $0x0  }
0xb3: {  	[sflag:s14] =	ssyncadd.s32 $0xFFFFFF00  }
0xb4: {  	[spmem:s3] =	stream.indirect.scatter.add.f32 [tilespmem:s11], [sflag:$0x3], $0x40, s31, s10, $0xb8;
	[tilespmem:$0x1C400] =	vst v63  }
0xb5: {  	_ = 	snop  }
0xb6: {  	[spmem:s3] =	stream.indirect.scatter.add.f32 [tilespmem:s13], [sflag:$0x3], $0x40, s15, s10, $0xb8;
	[tilespmem:$0x1C400] =	vst v63  }
0xb7: {  	_ =	swait.ge [sflag:s22], $0x2000  }
.Ltmp2:
0xb8: {  	[sflag:s22] =	ssyncset.done $0x0;
	(pc) =	sbr.rel @p0 .LBB2_4-.Ltmp2, $4  }
0xb9: {  	[sflag:s22] =	ssyncadd.s32 $0xFFFFE000  }
0xba: {  	_ =	swait.ge [sflag:s22], $0x2000  }
0xbb: {  	[sflag:s22] =	ssyncset.done $0x0  }
0xbc: {  	[sflag:s22] =	ssyncadd.s32 $0xFFFFE000  }
0xbd: {  	_ =	swait.ge [sflag:s16], $0x100  }
0xbe: {  	[sflag:s16] =	ssyncset.done $0x0  }
0xbf: {  	[sflag:s16] =	ssyncadd.s32 $0xFFFFFF00  }
0xc0: {  	[tilespmem:s7], [sflag:$0x2] =	stream.indirect.gather [spmem:s2], $0x40, s0, s10, $0xb8;
	[tilespmem:$0x1C400] =	vst v63  }
.Ltmp3:
0xc1: {  	_ = 	snop;
	(pc) =	sbr.rel .LBB2_2-.Ltmp3, $4  }
0xc2: {  	_ = 	snop  }
0xc3: {  	[tilespmem:s18], [sflag:$0x2] =	stream.indirect.gather [spmem:s2], $0x40, s17, s10, $0xb8;
	[tilespmem:$0x1C400] =	vst v63  }
0xc4: {  	s6 =	sadd.s32 $0xA7E0, s6;
	s5 =	sadd.s32 $0x40, s5  }
0xc5: {  	[tilespmem:s1], [sflag:$0x8] =	stream.linear.gather [hbm4b:s6+s4], $0x100, $0x38;
	[tilespmem:$0x1C400] =	vst v63  }
.LBB2_5:
0xc6: {  	_ =	sfence.sel $0x180000  }
0xc7: {  	[bflag:$0x0] =	sbarrier.arrive $0xFFFF  }
0xc8: {  	_ =	strace $0x9000004D  }
0xc9: {  	s0 =	stileid.u32;
	[bflag:$0x2] =	sbarrier.arrive $0xFFFF  }
0xca: {  	p0 =	sne.s32 s0, $0x0;
	s0 =	rddreg [dreg:$0x4]  }
0xcb: {  	s0 =	sadd.s32 @!p0 $0x100000, s0  }
0xcc: {  	[sflag:s0] =	ssyncadd.tile.s32 @!p0 $0x1;
	_ =	shalt  }
.Lfunc_end2:
_tile_overlayer_lowered:
.L_overlay_start_2:
0xcd: {  	(tag) =	ssettag $0x2  }
0xce: {  	s0 =	rddreg [dreg:$0x0];
	s2 =	stileid.u32  }
0xcf: {  	s1 =	rddreg [dreg:$0x1];
	p0 =	sne.s32 s2, $0x0  }
0xd0: {  	s3 =	rddreg [dreg:$0x2];
	[bflag:$0x3] =	sbarrier.arrive $0xFFFF;
	s2 =	simm.s32 @!p0 $0x1C09  }
0xd1: {  	[timem:s3], [sflag:s2] =	dma.local @!p0 [hbm:s0], s1  }
0xd2: {  	s0 =	simm.s32 @!p0 $0x9  }
0xd3: {  	_ =	swait.ge @!p0 [sflag:s0], s1  }
0xd4: {  	s1 =	ssub.s32 @!p0 $0x0, s1;
	[sflag:s0] =	ssyncset.done @!p0 $0x0  }
0xd5: {  	[sflag:s0] =	ssyncadd.s32 @!p0 s1  }
0xd6: {  	[bflag:$0x3] =	sbarrier.arrive $0xFFFF  }
0xd7: {  	_ =	shalt  }

// kernel: kernel.8.cloned.1.call-start
scs
__scs_entry_jumppad:
0x0: {  	(pc) =	sbr.rel $0x88, $3  }
0x1: {  	(tag) =	ssettag $0x0;
	lr =	simm.s32 $0x1  }
0x2: {  	[smem:$0x3F99] =	sst lr;
	_ =	strace $0xD0000000  }
0x3: {  	_ = 	snop  }
0x4: {  	_ = 	snop  }
0x5: {  	_ = 	snop  }
0x6: {  	_ = 	snop  }
0x7: {  	_ = 	snop  }
__scs_overlays_trampoline_lowered:
0x8: {  	[smem:$0x3FA8] =	sst s0  }
0x9: {  	[smem:$0x3FA9] =	sst s1  }
0xa: {  	[smem:$0x3FAA] =	sst s2  }
0xb: {  	[smem:$0x3FAB] =	sst s3  }
0xc: {  	[smem:$0x3FAC] =	sst s4  }
0xd: {  	[smem:$0x3FAD] =	sst s5  }
0xe: {  	[smem:$0x3FAE] =	sst s6  }
0xf: {  	[smem:$0x3FAF] =	sst s7  }
0x10: {  	[smem:$0x3FB0] =	sst s8  }
0x11: {  	[smem:$0x3FB1] =	sst s9;
	s0 =	simm.s32 @!p0 $0x0  }
0x12: {  	s1 =	sld [smem:$0x3F97];
	s0 =	simm.s32 @p0 $0x1  }
0x13: {  	[smem:$0x3FB2] =	sst s0;
	s0 =	simm.s32 @!p1 $0x0  }
0x14: {  	s2 =	sld [smem:$0x3F96];
	s0 =	simm.s32 @p1 $0x1  }
0x15: {  	[smem:$0x3FB3] =	sst s0;
	s0 =	simm.s32 @!p2 $0x0  }
0x16: {  	s3 =	sld [smem:$0x3FDB];
	s0 =	simm.s32 @p2 $0x1  }
0x17: {  	s4 =	simm.s32 $0x1BF5;
	[smem:$0x3FB5] =	sst s0  }
0x18: {  	s0 =	sld [smem:$0x3F98];
	_ =	swait.ge [sflag:s4], $0x0  }
0x19: {  	s7 =	sld [smem:$0x3F99]  }
0x1a: {  	s8 =	sadd.s32 $0xFFFFE003, lr  }
0x1b: {  	s9 =	sadd.s32 $0xFFFFFEF7, lr;
	s5 =	simm.s32 $0xFFFFFFFF;
	p2 =	slt.u32 s8, $0xFFFFF086  }
0x1c: {  	p1 =	slt.u32 s9, $0xF7A;
	s5 =	simm.s32 @!p2 $0x0  }
0x1d: {  	s5 =	simm.s32 @p1 $0x1;
	p0 =	seq.s32 s7, s2  }
0x1e: {  	s7 =	smul.u32 @!p0 $0xF7A, s2;
	p2 =	seq.s32 @!p0 s5, $0x0  }
0x1f: {  	s9 =	smul.u32 $0xF7A, s1;
	s8 =	simm.s32 @!p0 $0x1BF5;
	p2 =	por !p2, p0  }
0x20: {  	[sflag:s8] =	ssyncset.s32 @!p0 $0xFFFFF086;
	s6 =	sadd.s32 @!p0 s3, s7;
	s7 =	simm.s32 @!p0 $0x108  }
0x21: {  	s3 =	sadd.s32 s3, s9;
	s6 =	sadd.s32 @!p0 $0x88, s6;
	s7 =	simm.s32 @p2 $0x1082  }
0x22: {  	[simem:s7], [sflag:s8] =	dma.local @!p0 [hbm:s6], $0xF7A  }
0x23: {  	s9 =	sor.u32 $0xD0000000, s2;
	s6 =	simm.s32 $0x108;
	_ =	swait.ge @!p0 [sflag:s8], $0x0  }
0x24: {  	s3 =	sadd.s32 $0x88, s3;
	s6 =	simm.s32 @!p1 $0x1082;
	[sflag:s4] =	ssyncset.s32 $0xFFFFF086  }
0x25: {  	[simem:s6], [sflag:s4] =	dma.local [hbm:s3], $0xF7A  }
0x26: {  	[smem:$0x3F99] =	sst s1;
	(tag) =	ssettag s2;
	_ =	strace s9  }
0x27: {  	s1 =	sld [smem:$0x3FA9]  }
0x28: {  	s2 =	sld [smem:$0x3FAA]  }
0x29: {  	s4 =	sld [smem:$0x3FAC]  }
0x2a: {  	p0 =	seq.s32 s5, $0x0;
	s5 =	sld [smem:$0x3FAD]  }
0x2b: {  	s6 =	sld [smem:$0x3FAE]  }
0x2c: {  	s7 =	sld [smem:$0x3FAF]  }
0x2d: {  	s3 =	simm.s32 $0x108;
	s8 =	sld [smem:$0x3FB0]  }
0x2e: {  	s3 =	simm.s32 @!p0 $0x1082;
	s9 =	sld [smem:$0x3FB1]  }
0x2f: {  	lr =	sadd.s32 s0, s3;
	s0 =	sld [smem:$0x3FA8]  }
0x30: {  	s3 =	sld [smem:$0x3FAB]  }
0x31: {  	[smem:$0x3FB4] =	sst s10  }
0x32: {  	s10 =	sld [smem:$0x3FB2];
	_ =	sdelay $0x3  }
0x33: {  	p0 =	seq.s32 s10, $0x1;
	s10 =	sld [smem:$0x3FB4];
	_ =	sdelay $0x3  }
0x34: {  	[smem:$0x3FB4] =	sst s10  }
0x35: {  	s10 =	sld [smem:$0x3FB3];
	_ =	sdelay $0x3  }
0x36: {  	p1 =	seq.s32 s10, $0x1;
	s10 =	sld [smem:$0x3FB4];
	_ =	sdelay $0x3  }
0x37: {  	[smem:$0x3FB4] =	sst s10  }
0x38: {  	s10 =	sld [smem:$0x3FB5]  }
0x39: {  	_ = 	snop;
	(pc) =	sbr.ind lr, $3  }
0x3a: {  	_ = 	snop  }
0x3b: {  	_ = 	snop  }
0x3c: {  	p2 =	seq.s32 s10, $0x1;
	s10 =	sld [smem:$0x3FB4]  }
0x3d: {  	_ =	shalt  }
0x3e: {  	_ =	shalt  }
0x3f: {  	_ =	shalt  }
0x40: {  	_ =	shalt  }
0x41: {  	_ =	shalt  }
0x42: {  	_ =	shalt  }
0x43: {  	_ =	shalt  }
0x44: {  	_ =	shalt  }
0x45: {  	_ =	shalt  }
0x46: {  	_ =	shalt  }
0x47: {  	_ =	shalt  }
0x48: {  	_ =	shalt  }
0x49: {  	_ =	shalt  }
0x4a: {  	_ =	shalt  }
0x4b: {  	_ =	shalt  }
0x4c: {  	_ =	shalt  }
0x4d: {  	_ =	shalt  }
0x4e: {  	_ =	shalt  }
0x4f: {  	_ =	shalt  }
0x50: {  	_ =	shalt  }
0x51: {  	_ =	shalt  }
0x52: {  	_ =	shalt  }
0x53: {  	_ =	shalt  }
0x54: {  	_ =	shalt  }
0x55: {  	_ =	shalt  }
0x56: {  	_ =	shalt  }
0x57: {  	_ =	shalt  }
0x58: {  	_ =	shalt  }
0x59: {  	_ =	shalt  }
0x5a: {  	_ =	shalt  }
0x5b: {  	_ =	shalt  }
0x5c: {  	_ =	shalt  }
0x5d: {  	_ =	shalt  }
0x5e: {  	_ =	shalt  }
0x5f: {  	_ =	shalt  }
0x60: {  	_ =	shalt  }
0x61: {  	_ =	shalt  }
0x62: {  	_ =	shalt  }
0x63: {  	_ =	shalt  }
0x64: {  	_ =	shalt  }
0x65: {  	_ =	shalt  }
0x66: {  	_ =	shalt  }
0x67: {  	_ =	shalt  }
0x68: {  	_ =	shalt  }
0x69: {  	_ =	shalt  }
0x6a: {  	_ =	shalt  }
0x6b: {  	_ =	shalt  }
0x6c: {  	_ =	shalt  }
0x6d: {  	_ =	shalt  }
0x6e: {  	_ =	shalt  }
0x6f: {  	_ =	shalt  }
0x70: {  	_ =	shalt  }
0x71: {  	_ =	shalt  }
0x72: {  	_ =	shalt  }
0x73: {  	_ =	shalt  }
0x74: {  	_ =	shalt  }
0x75: {  	_ =	shalt  }
0x76: {  	_ =	shalt  }
0x77: {  	_ =	shalt  }
0x78: {  	_ =	shalt  }
0x79: {  	_ =	shalt  }
0x7a: {  	_ =	shalt  }
0x7b: {  	_ =	shalt  }
0x7c: {  	_ =	shalt  }
0x7d: {  	_ =	shalt  }
0x7e: {  	_ =	shalt  }
0x7f: {  	_ =	shalt  }
0x80: {  	_ =	shalt  }
0x81: {  	_ =	shalt  }
0x82: {  	_ =	shalt  }
0x83: {  	_ =	shalt  }
0x84: {  	_ =	shalt  }
0x85: {  	_ =	shalt  }
0x86: {  	_ =	shalt  }
0x87: {  	_ =	shalt  }
.Lfunc_end0:
.L_simem_size_0:
called_computation_lowered:
.L_overlay_start_0:
0x88: {  	s2 =	sld [smem:$0x3FD9]  }
0x89: {  	s3 =	sld [smem:$0x3FFE];
	_ =	sdelay $0x1  }
0x8a: {  	s1 =	srdreg.scid  }
0x8b: {  	s0 =	sand.u32 $0x1, s1  }
0x8c: {  	s16 =	sshll.u32 s0, $0xA;
	s2 =	sadd.s32 s3, s2  }
0x8d: {  	s2 =	sadd.s32 s2, s16  }
0x8e: {  	[smem:$0x3FC0] =	sst s2  }
0x8f: {  	_ = 	snop  }
0x90: {  	(tm) =	ssettm $0x1  }
0x91: {  	s17 =	sld [smem:$0x3FFB];
	_ =	sdelay $0x3  }
0x92: {  	_ =	strace s17  }
0x93: {  	s2 =	sld [smem:$0x3FFC];
	_ =	sdelay $0x3  }
0x94: {  	_ =	strace s2  }
0x95: {  	s2 =	sld [smem:$0x3FFD];
	_ =	sdelay $0x3  }
0x96: {  	_ =	strace s2  }
0x97: {  	_ =	strace $0x8FFFFFFF  }
0x98: {  	s18 =	sld [smem:$0x3FDB];
	_ =	sdelay $0x1  }
0x99: {  	s19 =	simm.s32 $_scs_section_size  }
0x9a: {  	s4 =	simm.s32 $_size__tile_overlayer_lowered;
	s5 =	simm.s32 $_tile_overlayer_lowered  }
0x9b: {  	s22 =	simm.s32 $0x1BFF;
	s21 =	sshll.u32 s5, $0x1;
	s2 =	sadd.s32 s19, s18  }
0x9c: {  	s6 =	simm.s32 $0x0;
	s20 =	sshll.u32 s4, $0x1;
	s4 =	sadd.s32 s21, s2  }
0x9d: {  	[timem:s6], [sflag:s22] =	dma.local [hbm:s4], s20  }
0x9e: {  	_ =	swait.ge [sflag:s22], s20  }
0x9f: {  	s3 =	ssub.s32 $0x0, s20;
	[sflag:s22] =	ssyncset.done $0x0  }
0xa0: {  	[sflag:s22] =	ssyncadd.s32 s3;
	_ =	sdelay $0x1  }
0xa1: {  	s23 =	simm.s32 $0x1B8B  }
0xa2: {  	_ =	swait.ge [sflag:s23], $0x1  }
0xa3: {  	[sflag:s23] =	ssyncset.done $0x0  }
0xa4: {  	s25 =	simm.s32 $0x1B8E;
	s24 =	sld [smem:$0x3FFE];
	[sflag:s23] =	ssyncadd.s32 $0xFFFFFFFF  }
0xa5: {  	s26 =	simm.s32 $execute0_lowered;
	[smem:$0x3FD2] =	sst s25  }
0xa6: {  	s4 =	sshll.u32 s26, $0x1;
	_ =	strace $0x80000046;
	[dreg:$0x1] =	wrdreg $0xFFFFFFFF  }
0xa7: {  	s28 =	simm.s32 $_size_execute0_lowered;
	s2 =	sadd.s32 s2, s4;
	[dreg:$0x0] =	wrdreg $0x0  }
0xa8: {  	s4 =	sshll.u32 s28, $0x1;
	[dreg:$0x2] =	wrdreg s2  }
0xa9: {  	[dreg:$0x3] =	wrdreg s4  }
0xaa: {  	[dreg:$0x4] =	wrdreg $0xC0  }
0xab: {  	_ =	task [dreg:s6], $0x5FFFF  }
0xac: {  	[dreg:$0x1] =	wrdreg $0xFFFFFFFF  }
0xad: {  	[dreg:$0x0] =	wrdreg $0x60  }
0xae: {  	[dreg:$0x2] =	wrdreg s24  }
0xaf: {  	[dreg:$0x3] =	wrdreg $0x0  }
0xb0: {  	[dreg:$0x4] =	wrdreg $0x9  }
0xb1: {  	_ =	task.clear_ibuf [dreg:s6], $0x5FFFF;
	_ =	strace $0x90000046  }
0xb2: {  	s29 =	simm.s32 $0x9;
	_ =	strace $0x80000048  }
0xb3: {  	_ =	swait.ge [sflag:s29], $0x1  }
0xb4: {  	[sflag:s29] =	ssyncadd.s32 $0xFFFFFFFF  }
0xb5: {  	_ =	strace $0x90000048  }
0xb6: {  	_ =	sfence  }
0xb7: {  	s30 =	sld [smem:$0x0];
	_ =	sdelay $0x2  }
0xb8: {  	s31 =	sshll.u32 s1, $0xD;
	s1 =	sshrl.u32 s1, $0x2  }
0xb9: {  	s3 =	sand.u32 $0x4000, s31;
	s1 =	sadd.s32 s1, s30  }
0xba: {  	s0 =	sor.u32 s3, s0;
	s1 =	sshll.u32 s1, $0x11  }
0xbb: {  	s0 =	sor.u32 s1, s0  }
0xbc: {  	s0 =	sadd.s32 $0x8F2B, s0  }
0xbd: {  	[sflag:s0] =	ssyncadd.remote.s32 $0x1  }
0xbe: {  	_ =	sfence.sel $0xFFFF  }
0xbf: {  	[dreg:$0x0] =	wrdreg $0xFFFFFFFF;
	(pc) =	sbr.abs _section_cstart, $3  }
0xc0: {  	[dreg:$0x1] =	wrdreg $0xFFFFFFFF  }
0xc1: {  	_ =	task.clear_ibuf [dreg:s6], $0x2FFFF;
	_ =	strace $0x9FFFFFFF  }
0xc2: {  	(tm) =	ssettm $0x7FFFFFFF  }
0xc3: {  	_ =	shalt  }
tec
execute0_lowered:
.L_overlay_start_1:
0x0: {  	(tag) =	ssettag $0x1  }
0x1: {  	s8 =	rddreg [dreg:$0x0]  }
0x2: {  	s2 =	rddreg [dreg:$0x1]  }
0x3: {  	s0 =	rddreg [dreg:$0x2];
	s3 =	simm.s32 $0x0;
	s4 =	srdreg.scid  }
0x4: {  	s1 =	stileid.u32;
	s13 =	simm.s32 $0x2B00;
	s14 =	simm.s32 $0x80  }
0x5: {  	s15 =	simm.s32 $0x0;
	s6 =	sand.u32 $0x1, s4;
	s7 =	smul.u32 $0x280, s1  }
0x6: {  	s31 =	sshll.u32 s1, $0x1;
	[smem:$0x7FF] =	sst s3;
	s4 =	sadd.s32 $0x14C00, s8  }
0x7: {  	s5 =	sadd.s32 $0x14A00, s8;
	s9 =	smul.u32 $0x2800, s6;
	s11 =	sor.u32 s6, s31  }
0x8: {  	_ =	strace $0x80000047;
	s6 =	ssub.s32 $0x2, s6;
	s10 =	smul.u32 $0x2800, s11  }
0x9: {  	s12 =	sshrl.u32 s6, $0x1;
	p0 =	seq.s32 s11, $0x1F;
	s11 =	simm.s32 $0x2A80  }
0xa: {  	s9 =	sadd.s32 s7, s9;
	s12 =	ssub.s32 s6, s12;
	s10 =	sshrl.u32 s10, $0x3  }
0xb: {  	s6 =	sadd.s32 s7, s2;
	s9 =	sshrl.u32 s9, $0x3;
	s10 =	sadd.s32 s8, s10  }
0xc: {  	s9 =	sadd.s32 s9, s8;
	s8 =	sadd.s32 $0x14740, s8;
	s7 =	sadd.s32 $0xAC40, s10  }
0xd: {  	s9 =	sadd.s32 $0x14E00, s9;
	s10 =	smax.u32 s12, $0x1;
	s12 =	simm.s32 $0x1  }
.LBB2_1:
0xe: {  	[tilespmem:s11], [sflag:$0x1] =	stream.linear.gather [hbm4b:s5+s3], $0x80, $0x38;
	[tilespmem:$0x2D80] =	vst v63  }
0xf: {  	_ =	swait.ge [sflag:s12], $0x80  }
0x10: {  	[sflag:s12] =	ssyncset.done $0x0  }
0x11: {  	[sflag:s12] =	ssyncadd.s32 $0xFFFFFF80  }
0x12: {  	[tilespmem:s13], [sflag:$0x1] =	stream.linear.gather [hbm4b:s4+s3], $0x280, $0x38;
	[tilespmem:$0x2D80] =	vst v63  }
0x13: {  	_ =	swait.ge [sflag:s12], $0x280  }
0x14: {  	[sflag:s12] =	ssyncset.done $0x0  }
0x15: {  	[sflag:s12] =	ssyncadd.s32 $0xFFFFFD80  }
0x16: {  	[spmem:s6] =	stream.linear.scatter [tilespmem:s13], [sflag:$0x1], $0x280, $0x38;
	[tilespmem:$0x2D80] =	vst v63  }
0x17: {  	_ =	swait.ge [sflag:s12], $0x280  }
0x18: {  	[sflag:s12] =	ssyncset.done $0x0  }
0x19: {  	s16 =	simm.s32 @p0 $0x0;
	s17 =	simm.s32 @p0 $0x280;
	[sflag:s12] =	ssyncadd.s32 $0xFFFFFD80  }
0x1a: {  	[tilespmem:s17], [sflag:$0x1] =	stream.linear.gather @p0 [hbm4b:s8+s16], $0xA00, $0x38;
	[tilespmem:$0x2D80] =	vst v63  }
0x1b: {  	s16 =	simm.s32 @p0 $0x1  }
0x1c: {  	_ =	swait.ge @p0 [sflag:s16], $0xA00  }
0x1d: {  	[sflag:s16] =	ssyncset.done @p0 $0x0  }
0x1e: {  	s17 =	simm.s32 @!p0 $0x280;
	[sflag:s16] =	ssyncadd.s32 @p0 $0xFFFFF600;
	s16 =	simm.s32 @!p0 $0x0  }
0x1f: {  	[tilespmem:s17], [sflag:$0x1] =	stream.linear.gather @!p0 [hbm4b:s7+s16], $0x2800, $0x38;
	[tilespmem:$0x2D80] =	vst v63  }
0x20: {  	s16 =	simm.s32 @!p0 $0x1;
	s17 =	simm.s32 @!p0 $0x50  }
0x21: {  	_ =	swait.ge @!p0 [sflag:s16], $0x2800;
	s17 =	simm.s32 @p0 $0x14  }
0x22: {  	[sflag:s16] =	ssyncset.done @!p0 $0x0;
	p1 =	sne.s32 s17, $0x1  }
.Ltmp0:
0x23: {  	[sflag:s16] =	ssyncadd.s32 @!p0 $0xFFFFD800;
	(pc) =	sbr.rel @!p1 .LBB2_3-.Ltmp0, $4  }
0x24: {  	s16 =	simm.s32 $0x280;
	[bflag:$0x0] =	sbarrier.arrive $0xFFFF  }
0x25: {  	[spmem:s2] =	stream.indirect.scatter.add.f32 [tilespmem:s11], [sflag:$0x1], $0x1, s16, s14, $0xb8;
	[tilespmem:$0x2D80] =	vst v63  }
0x26: {  	_ =	swait.ge [sflag:s12], $0x80  }
0x27: {  	s17 =	sadd.s32 $0xFFFFFFFF, s17;
	[sflag:s12] =	ssyncset.done $0x0  }
.LBB2_2:
0x28: {  	p1 =	sne.s32 s17, $0x1;
	[sflag:s12] =	ssyncadd.s32 $0xFFFFFF80;
	s16 =	sadd.s32 $0x80, s16  }
.Ltmp1:
0x29: {  	s17 =	sadd.s32 $0xFFFFFFFF, s17;
	(pc) =	sbr.rel @p1 .LBB2_2-.Ltmp1, $4  }
0x2a: {  	_ = 	snop  }
0x2b: {  	[spmem:s2] =	stream.indirect.scatter.add.f32 [tilespmem:s11], [sflag:$0x1], $0x1, s16, s14, $0xb8;
	[tilespmem:$0x2D80] =	vst v63  }
0x2c: {  	_ =	swait.ge [sflag:s12], $0x80  }
0x2d: {  	[sflag:s12] =	ssyncset.done $0x0  }
.LBB2_3:
0x2e: {  	[sflag:s12] =	ssyncadd.s32 $0xFFFFFF80  }
0x2f: {  	[bflag:$0x0] =	sbarrier.arrive $0xFFFF  }
0x30: {  	[tilespmem:s13], [sflag:$0x1] =	stream.linear.gather [spmem:s6], $0x280, $0x38;
	[tilespmem:$0x2D80] =	vst v63  }
0x31: {  	s15 =	sadd.s32 $0x1, s15;
	_ =	swait.ge [sflag:s12], $0x280  }
0x32: {  	p1 =	sne.s32 s15, s10;
	[sflag:s12] =	ssyncset.done $0x0  }
.Ltmp2:
0x33: {  	[sflag:s12] =	ssyncadd.s32 $0xFFFFFD80;
	(pc) =	sbr.rel @p1 .LBB2_1-.Ltmp2, $4  }
0x34: {  	[hbm4b:s9+s3] =	stream.linear.scatter [tilespmem:s13], [sflag:$0x1], $0x280, $0x38;
	[tilespmem:$0x2D80] =	vst v63  }
0x35: {  	_ =	swait.ge [sflag:s12], $0x280  }
0x36: {  	[sflag:s12] =	ssyncset.done $0x0  }
0x37: {  	[sflag:s12] =	ssyncadd.s32 $0xFFFFFD80  }
0x38: {  	_ =	sfence.sel $0x180000  }
0x39: {  	[bflag:$0x0] =	sbarrier.arrive $0xFFFF  }
0x3a: {  	p0 =	sne.s32 s1, $0x0;
	_ =	strace $0x90000047  }
0x3b: {  	s0 =	sadd.s32 @!p0 $0x100000, s0;
	[bflag:$0x2] =	sbarrier.arrive $0xFFFF  }
0x3c: {  	[sflag:s0] =	ssyncadd.tile.s32 @!p0 $0x1;
	_ =	shalt  }
.Lfunc_end2:
_tile_overlayer_lowered:
.L_overlay_start_2:
0x3d: {  	(tag) =	ssettag $0x2  }
0x3e: {  	s0 =	rddreg [dreg:$0x0];
	s2 =	stileid.u32  }
0x3f: {  	s1 =	rddreg [dreg:$0x1];
	p0 =	sne.s32 s2, $0x0  }
0x40: {  	s3 =	rddreg [dreg:$0x2];
	[bflag:$0x3] =	sbarrier.arrive $0xFFFF;
	s2 =	simm.s32 @!p0 $0x1C01  }
0x41: {  	[timem:s3], [sflag:s2] =	dma.local @!p0 [hbm:s0], s1  }
0x42: {  	s0 =	simm.s32 @!p0 $0x1  }
0x43: {  	_ =	swait.ge @!p0 [sflag:s0], s1  }
0x44: {  	s1 =	ssub.s32 @!p0 $0x0, s1;
	[sflag:s0] =	ssyncset.done @!p0 $0x0  }
0x45: {  	[sflag:s0] =	ssyncadd.s32 @!p0 s1  }
0x46: {  	[bflag:$0x3] =	sbarrier.arrive $0xFFFF  }
0x47: {  	_ =	shalt  }

</sc_bundles>
